<compile_context>
chip_gen: v7x
topology: tpu7x:2x2x1
jax: 0.10.2.dev20260603
libtpu: 0.0.44.dev20260713+nightly
codegen_flags: <defaults>
</compile_context>

<pallas_src>
import functools

import jax
import jax.numpy as jnp
from jax import lax
from jax.experimental import pallas as pl
from jax.experimental.pallas import tpu as pltpu
from jax.experimental.pallas import tpu_sc as plsc

_N = 10000
_NP = 10240
_E = 320000
_D = 128

_NC = 2
_NS = 16
_CHUNK = 120
_EDGES_PER_TILE = _E // (_NC * _NS)
_FULL = _EDGES_PER_TILE // _CHUNK
_TAIL = _EDGES_PER_TILE - _FULL * _CHUNK
_ROWS_PER_TILE = _NP // _NS
_ZR = 80


def _sc_body(x_hbm, edge_hbm, p_out, deg_out,
             col_idx_v, row_idx_v, rows_v, ones_v, tcol_v, trow_v,
             acc_sh, deg_sh, sem_i, sem_g, sem_s, sem_z):
    c = lax.axis_index("c")
    s = lax.axis_index("s")
    r0 = s * _ROWS_PER_TILE

    tile_base = (c * _NS + s) * _EDGES_PER_TILE
    for i in range(_CHUNK // 16 + 1):
        ones_v[pl.ds(i * 16, 16)] = jnp.ones((16,), jnp.float32)

    z16 = jnp.zeros((16,), jnp.float32)

    def zrow(i, carry):
        for o in range(_D // 16):
            rows_v[0, i, pl.ds(o * 16, 16)] = z16
        return carry

    lax.fori_loop(0, _ZR, zrow, 0)
    for t in range(_ROWS_PER_TILE // _ZR):
        pltpu.async_copy(rows_v.at[0, pl.ds(0, _ZR)],
                         acc_sh.at[pl.ds(r0 + t * _ZR, _ZR)], sem_z)
    for t in range(_ROWS_PER_TILE // _D):
        pltpu.async_copy(rows_v.at[0, 0], deg_sh.at[pl.ds(r0 + t * _D, _D)], sem_z)

    def zero_wait():
        for t in range(_ROWS_PER_TILE // _ZR):
            pltpu.make_async_copy(rows_v.at[0, pl.ds(0, _ZR)],
                                  acc_sh.at[pl.ds(0, _ZR)], sem_z).wait()
        for t in range(_ROWS_PER_TILE // _D):
            pltpu.make_async_copy(rows_v.at[0, 0], deg_sh.at[pl.ds(0, _D)], sem_z).wait()

    def idx_start(k, sc_, sr):
        base = tile_base + k * _CHUNK
        pltpu.async_copy(edge_hbm.at[pl.ds(_E + base, _CHUNK)], col_idx_v.at[sc_], sem_i)
        pltpu.async_copy(edge_hbm.at[pl.ds(base, _CHUNK)], row_idx_v.at[sr], sem_i)

    def idx_wait():
        pltpu.make_async_copy(edge_hbm.at[pl.ds(0, _CHUNK)], col_idx_v.at[0], sem_i).wait()
        pltpu.make_async_copy(edge_hbm.at[pl.ds(0, _CHUNK)], row_idx_v.at[0], sem_i).wait()

    def gather_start(b, si):
        pltpu.async_copy(x_hbm.at[col_idx_v.at[si]], rows_v.at[b], sem_g)

    def gather_wait(b):
        pltpu.make_async_copy(x_hbm.at[pl.ds(0, _CHUNK)], rows_v.at[b], sem_g).wait()

    def scatter_start(b, si):
        pltpu.async_copy(rows_v.at[b], acc_sh.at[row_idx_v.at[si]], sem_s, add=True)
        pltpu.async_copy(ones_v.at[pl.ds(0, _CHUNK)], deg_sh.at[row_idx_v.at[si]],
                         sem_s, add=True)

    def scatter_wait():
        pltpu.make_async_copy(rows_v.at[0], acc_sh.at[pl.ds(0, _CHUNK)], sem_s).wait()
        pltpu.make_async_copy(ones_v.at[pl.ds(0, _CHUNK)],
                              deg_sh.at[pl.ds(0, _CHUNK)], sem_s).wait()

    def step(k):
        if k >= 2:
            scatter_wait()
        if k + 2 <= _FULL - 1:
            idx_start(k + 2, (k + 2) % 3, (k + 2) % 6)
        if k + 1 <= _FULL - 1:
            idx_wait()
            gather_start((k + 1) % 3, (k + 1) % 3)
        gather_wait(k % 3)
        scatter_start(k % 3, k % 6)

    idx_start(0, 0, 0)
    idx_start(1, 1, 1)
    idx_wait()
    zero_wait()
    plsc.subcore_barrier()
    gather_start(0, 0)
    step(0)
    step(1)

    def body6(j, carry):
        k0 = 6 * j + 2
        for o in range(6):
            k = k0 + o
            scatter_wait()
            idx_start(k + 2, (2 + o + 2) % 3, (2 + o + 2) % 6)
            idx_wait()
            gather_start((2 + o + 1) % 3, (2 + o + 1) % 3)
            gather_wait((2 + o) % 3)
            scatter_start((2 + o) % 3, (2 + o) % 6)
        return carry

    lax.fori_loop(0, (_FULL - 5) // 6, body6, 0)

    for k in range(_FULL - 3, _FULL):
        step(k)
    scatter_wait()
    scatter_wait()

    tbase = tile_base + _FULL * _CHUNK
    pltpu.async_copy(edge_hbm.at[pl.ds(_E + tbase, _TAIL)], tcol_v, sem_i)
    pltpu.async_copy(edge_hbm.at[pl.ds(tbase, _TAIL)], trow_v, sem_i)
    pltpu.make_async_copy(edge_hbm.at[pl.ds(0, _TAIL)], tcol_v, sem_i).wait()
    pltpu.make_async_copy(edge_hbm.at[pl.ds(0, _TAIL)], trow_v, sem_i).wait()
    pltpu.async_copy(x_hbm.at[tcol_v], rows_v.at[0, pl.ds(0, _TAIL)], sem_g).wait()
    pltpu.async_copy(rows_v.at[0, pl.ds(0, _TAIL)],
                     acc_sh.at[trow_v], sem_s, add=True)
    pltpu.async_copy(ones_v.at[pl.ds(0, _TAIL)], deg_sh.at[trow_v], sem_s, add=True)
    pltpu.make_async_copy(rows_v.at[0, pl.ds(0, _TAIL)],
                          acc_sh.at[pl.ds(0, _TAIL)], sem_s).wait()
    pltpu.make_async_copy(ones_v.at[pl.ds(0, _TAIL)],
                          deg_sh.at[pl.ds(0, _TAIL)], sem_s).wait()

    plsc.subcore_barrier()

    pltpu.sync_copy(acc_sh.at[pl.ds(r0, _ROWS_PER_TILE)],
                    p_out.at[c, pl.ds(r0, _ROWS_PER_TILE)])
    pltpu.sync_copy(deg_sh.at[pl.ds(r0, _ROWS_PER_TILE)],
                    deg_out.at[c, pl.ds(r0, _ROWS_PER_TILE)])


_sc_aggregate = functools.partial(
    pl.kernel,
    out_type=(
        jax.ShapeDtypeStruct((_NC, _NP, _D), jnp.float32),
        jax.ShapeDtypeStruct((_NC, _NP), jnp.float32),
    ),
    mesh=plsc.VectorSubcoreMesh(core_axis_name="c", subcore_axis_name="s"),
    scratch_types=[
        pltpu.VMEM((3, _CHUNK), jnp.int32),
        pltpu.VMEM((6, _CHUNK), jnp.int32),
        pltpu.VMEM((3, _CHUNK, _D), jnp.float32),
        pltpu.VMEM((_CHUNK + 16,), jnp.float32),
        pltpu.VMEM((_TAIL,), jnp.int32),
        pltpu.VMEM((_TAIL,), jnp.int32),
        pltpu.VMEM_SHARED((_NP, _D), jnp.float32),
        pltpu.VMEM_SHARED((_NP,), jnp.float32),
        pltpu.SemaphoreType.DMA,
        pltpu.SemaphoreType.DMA,
        pltpu.SemaphoreType.DMA,
        pltpu.SemaphoreType.DMA,
    ],
)(_sc_body)


def _tc_body(p_ref, d_ref, w_ref, o_ref):
    agg = p_ref[0] + p_ref[1]
    deg = d_ref[0] + d_ref[1]
    deg = deg + jnp.where(deg == 0.0, 1.0, 0.0)
    h = jnp.dot(agg, w_ref[...], preferred_element_type=jnp.float32)
    o_ref[...] = h / deg


_ROWS_BLK = 1000


def _tc_finish(p, deg, w):
    grid = _N // _ROWS_BLK
    return pl.pallas_call(
        _tc_body,
        grid=(grid,),
        in_specs=[
            pl.BlockSpec((_NC, _ROWS_BLK, _D), lambda i: (0, i, 0)),
            pl.BlockSpec((_NC, _ROWS_BLK, 1), lambda i: (0, i, 0)),
            pl.BlockSpec((_D, _D), lambda i: (0, 0)),
        ],
        out_specs=pl.BlockSpec((_ROWS_BLK, _D), lambda i: (i, 0)),
        out_shape=jax.ShapeDtypeStruct((_N, _D), jnp.float32),
    )(p, deg, w)


def kernel(input, edge_index, W):
    edge_flat = edge_index.reshape(2 * _E)
    p, deg = _sc_aggregate(input, edge_flat)
    return _tc_finish(p, deg.reshape(_NC, _NP, 1), W)

# --- scband reference (transcript-rebuilt; emitter-appended) ---
"""Pipeline reference for scband-sp-graph-convolution-layer-13374528160094 (READ-ONLY COPY).

The authoritative reference and input builder live on the scoring server;
editing this copy changes nothing except your own understanding.
"""

import jax, jax.numpy as jnp
import numpy as np

N = 10000
E = 320000
D_IN = 128
D_OUT = 128


def _xavier_normal(key, shape, gain):
    fan_in, fan_out = shape[0], shape[1]
    std = gain * np.sqrt(2.0 / (fan_in + fan_out))
    return jax.random.normal(key, shape, dtype=jnp.float32) * std


def setup_inputs(seed: int = 0) -> dict:
    key = jax.random.key(seed)
    k1, k2, k3 = jax.random.split(key, 3)
    x = jax.random.normal(k1, (N, D_IN), dtype=jnp.float32)
    edge_index = jax.random.randint(k2, (2, E), 0, N, dtype=jnp.int32)
    W = _xavier_normal(k3, (D_IN, D_OUT), gain=1.414)
    return {"input": x, "edge_index": edge_index, "W": W}


def reference(input, edge_index, W):
    # h = X @ W
    h = jnp.dot(input, W)
    row = edge_index[0, :]
    col = edge_index[1, :]
    # edge_e = ones(E); dropout is identity in eval mode
    edge_e = jnp.ones((E,), dtype=jnp.float32)
    # e_rowsum = spmm(adj_ones, ones(N,1)) -> per-row degree
    e_rowsum = jax.ops.segment_sum(edge_e, row, num_segments=N)[:, None]
    e_rowsum = e_rowsum + jnp.where(e_rowsum == 0, 1.0, 0.0)
    # h_prime = spmm(adj_ones, h) -> sum of neighbor features gathered by col, scattered to row
    h_prime = jax.ops.segment_sum(edge_e[:, None] * h[col, :], row, num_segments=N)
    h_prime = h_prime / e_rowsum
    return h_prime

if __name__ == "__main__":
    import jax
    _d = setup_inputs()
    print(jax.jit(kernel)(*tuple(_d.values())))

</pallas_src>

<mosaic_0001>
#map = affine_map<(d0, d1) -> (0, 0)>
#map1 = affine_map<(d0, d1) -> (0)>
#map2 = affine_map<(d0, d1) -> (0, 0, 0)>
module attributes {stable_mosaic.version = 14 : i64} {
  func.func @_sc_body(%arg0: i32, %arg1: i32, %arg2: memref<10000x128xf32, #tpu.memory_space<hbm>>, %arg3: memref<640000xi32, #tpu.memory_space<hbm>>, %arg4: memref<2x10240x128xf32, #tpu.memory_space<hbm>>, %arg5: memref<2x10240xf32, #tpu.memory_space<hbm>>, %arg6: memref<3x120xi32, #tpu.memory_space<vmem>>, %arg7: memref<6x120xi32, #tpu.memory_space<vmem>>, %arg8: memref<3x120x128xf32, #tpu.memory_space<vmem>>, %arg9: memref<136xf32, #tpu.memory_space<vmem>>, %arg10: memref<40xi32, #tpu.memory_space<vmem>>, %arg11: memref<40xi32, #tpu.memory_space<vmem>>, %arg12: memref<10240x128xf32, #tpu.memory_space<vmem_shared>>, %arg13: memref<10240xf32, #tpu.memory_space<vmem_shared>>, %arg14: memref<!tpu.dma_semaphore, #tpu.memory_space<semaphore_mem>>, %arg15: memref<!tpu.dma_semaphore, #tpu.memory_space<semaphore_mem>>, %arg16: memref<!tpu.dma_semaphore, #tpu.memory_space<semaphore_mem>>, %arg17: memref<!tpu.dma_semaphore, #tpu.memory_space<semaphore_mem>>) attributes {dimension_semantics = [#tpu.dimension_semantics<core_parallel>, #tpu.dimension_semantics<subcore_parallel>], iteration_bounds = array<i64: 2, 16>, scalar_prefetch = 0 : i64, scratch_operands = 12 : i64, tpu.core_type = #tpu.core_type<sc_vector_subcore>, window_params = [{transform_indices = #map}, {transform_indices = #map1}, {transform_indices = #map2}, {transform_indices = #map}]} {
    %mul3A = arith.constant 640 : i32
    %mul3A_0 = arith.muli %arg1, %mul3A : i32
    %mul3A_1 = arith.constant 16 : i32
    %mul3A_2 = arith.muli %arg0, %mul3A_1 : i32
    %add3A = arith.addi %mul3A_2, %arg1 : i32
    %mul3A_3 = arith.constant 10000 : i32
    %mul3A_4 = arith.muli %add3A, %mul3A_3 : i32
    %broadcast_in_dim3A = arith.constant 1.000000e+00 : f32
    %broadcast_in_dim3A_5 = vector.broadcast %broadcast_in_dim3A : f32 to vector<16xf32>
    %swap3A = arith.constant 0 : index
    %swap3A_6 = tpu.vector_load %arg9[%swap3A] {strides = array<i32>} : memref<136xf32, #tpu.memory_space<vmem>>, vector<16xf32>,
    %swap3A_7 = vector.shape_cast %swap3A_6 : vector<16xf32> to vector<16xf32>
    %swap3A_8 = vector.shape_cast %broadcast_in_dim3A_5 : vector<16xf32> to vector<16xf32>
    tpu.vector_store %arg9[%swap3A], %swap3A_8 {strides = array<i32>} : memref<136xf32, #tpu.memory_space<vmem>>, vector<16xf32>,
    %broadcast_in_dim3A_9 = arith.constant 1.000000e+00 : f32
    %broadcast_in_dim3A_10 = vector.broadcast %broadcast_in_dim3A_9 : f32 to vector<16xf32>
    %swap3A_11 = arith.constant 16 : index
    %swap3A_12 = tpu.vector_load %arg9[%swap3A_11] {strides = array<i32>} : memref<136xf32, #tpu.memory_space<vmem>>, vector<16xf32>,
    %swap3A_13 = vector.shape_cast %swap3A_12 : vector<16xf32> to vector<16xf32>
    %swap3A_14 = vector.shape_cast %broadcast_in_dim3A_10 : vector<16xf32> to vector<16xf32>
    tpu.vector_store %arg9[%swap3A_11], %swap3A_14 {strides = array<i32>} : memref<136xf32, #tpu.memory_space<vmem>>, vector<16xf32>,
    %broadcast_in_dim3A_15 = arith.constant 1.000000e+00 : f32
    %broadcast_in_dim3A_16 = vector.broadcast %broadcast_in_dim3A_15 : f32 to vector<16xf32>
    %swap3A_17 = arith.constant 32 : index
    %swap3A_18 = tpu.vector_load %arg9[%swap3A_17] {strides = array<i32>} : memref<136xf32, #tpu.memory_space<vmem>>, vector<16xf32>,
    %swap3A_19 = vector.shape_cast %swap3A_18 : vector<16xf32> to vector<16xf32>
    %swap3A_20 = vector.shape_cast %broadcast_in_dim3A_16 : vector<16xf32> to vector<16xf32>
    tpu.vector_store %arg9[%swap3A_17], %swap3A_20 {strides = array<i32>} : memref<136xf32, #tpu.memory_space<vmem>>, vector<16xf32>,
    %broadcast_in_dim3A_21 = arith.constant 1.000000e+00 : f32
    %broadcast_in_dim3A_22 = vector.broadcast %broadcast_in_dim3A_21 : f32 to vector<16xf32>
    %swap3A_23 = arith.constant 48 : index
    %swap3A_24 = tpu.vector_load %arg9[%swap3A_23] {strides = array<i32>} : memref<136xf32, #tpu.memory_space<vmem>>, vector<16xf32>,
    %swap3A_25 = vector.shape_cast %swap3A_24 : vector<16xf32> to vector<16xf32>
    %swap3A_26 = vector.shape_cast %broadcast_in_dim3A_22 : vector<16xf32> to vector<16xf32>
    tpu.vector_store %arg9[%swap3A_23], %swap3A_26 {strides = array<i32>} : memref<136xf32, #tpu.memory_space<vmem>>, vector<16xf32>,
    %broadcast_in_dim3A_27 = arith.constant 1.000000e+00 : f32
    %broadcast_in_dim3A_28 = vector.broadcast %broadcast_in_dim3A_27 : f32 to vector<16xf32>
    %swap3A_29 = arith.constant 64 : index
    %swap3A_30 = tpu.vector_load %arg9[%swap3A_29] {strides = array<i32>} : memref<136xf32, #tpu.memory_space<vmem>>, vector<16xf32>,
    %swap3A_31 = vector.shape_cast %swap3A_30 : vector<16xf32> to vector<16xf32>
    %swap3A_32 = vector.shape_cast %broadcast_in_dim3A_28 : vector<16xf32> to vector<16xf32>
    tpu.vector_store %arg9[%swap3A_29], %swap3A_32 {strides = array<i32>} : memref<136xf32, #tpu.memory_space<vmem>>, vector<16xf32>,
    %broadcast_in_dim3A_33 = arith.constant 1.000000e+00 : f32
    %broadcast_in_dim3A_34 = vector.broadcast %broadcast_in_dim3A_33 : f32 to vector<16xf32>
    %swap3A_35 = arith.constant 80 : index
    %swap3A_36 = tpu.vector_load %arg9[%swap3A_35] {strides = array<i32>} : memref<136xf32, #tpu.memory_space<vmem>>, vector<16xf32>,
    %swap3A_37 = vector.shape_cast %swap3A_36 : vector<16xf32> to vector<16xf32>
    %swap3A_38 = vector.shape_cast %broadcast_in_dim3A_34 : vector<16xf32> to vector<16xf32>
    tpu.vector_store %arg9[%swap3A_35], %swap3A_38 {strides = array<i32>} : memref<136xf32, #tpu.memory_space<vmem>>, vector<16xf32>,
    %broadcast_in_dim3A_39 = arith.constant 1.000000e+00 : f32
    %broadcast_in_dim3A_40 = vector.broadcast %broadcast_in_dim3A_39 : f32 to vector<16xf32>
    %swap3A_41 = arith.constant 96 : index
    %swap3A_42 = tpu.vector_load %arg9[%swap3A_41] {strides = array<i32>} : memref<136xf32, #tpu.memory_space<vmem>>, vector<16xf32>,
    %swap3A_43 = vector.shape_cast %swap3A_42 : vector<16xf32> to vector<16xf32>
    %swap3A_44 = vector.shape_cast %broadcast_in_dim3A_40 : vector<16xf32> to vector<16xf32>
    tpu.vector_store %arg9[%swap3A_41], %swap3A_44 {strides = array<i32>} : memref<136xf32, #tpu.memory_space<vmem>>, vector<16xf32>,
    %broadcast_in_dim3A_45 = arith.constant 1.000000e+00 : f32
    %broadcast_in_dim3A_46 = vector.broadcast %broadcast_in_dim3A_45 : f32 to vector<16xf32>
    %swap3A_47 = arith.constant 112 : index
    %swap3A_48 = tpu.vector_load %arg9[%swap3A_47] {strides = array<i32>} : memref<136xf32, #tpu.memory_space<vmem>>, vector<16xf32>,
    %swap3A_49 = vector.shape_cast %swap3A_48 : vector<16xf32> to vector<16xf32>
    %swap3A_50 = vector.shape_cast %broadcast_in_dim3A_46 : vector<16xf32> to vector<16xf32>
    tpu.vector_store %arg9[%swap3A_47], %swap3A_50 {strides = array<i32>} : memref<136xf32, #tpu.memory_space<vmem>>, vector<16xf32>,
    %broadcast_in_dim3A_51 = arith.constant 0.000000e+00 : f32
    %broadcast_in_dim3A_52 = vector.broadcast %broadcast_in_dim3A_51 : f32 to vector<16xf32>
    %scan3A = arith.constant 0 : i32
    %scan3A_53 = arith.constant 0 : i32
    %scan3A_54 = arith.constant 80 : i32
    %scan3A_55 = arith.addi %scan3A_53, %scan3A_54 : i32
    %scan3A_56 = arith.constant 1 : i32
    scf.for %scan3A_1060 = %scan3A_53 to %scan3A_55 step %scan3A_56  : i32 {
      %swap3A_1061 = arith.constant 0 : i32
      %swap3A_1062 = arith.index_cast %swap3A_1061 : i32 to index
      %swap3A_1063 = arith.index_cast %scan3A_1060 : i32 to index
      %swap3A_1064 = arith.constant 0 : index
      %swap3A_1065 = tpu.vector_load %arg8[%swap3A_1062, %swap3A_1063, %swap3A_1064] {strides = array<i32>} : memref<3x120x128xf32, #tpu.memory_space<vmem>>, vector<1x1x16xf32>,
      %swap3A_1066 = vector.shape_cast %swap3A_1065 : vector<1x1x16xf32> to vector<16xf32>
      %swap3A_1067 = vector.shape_cast %broadcast_in_dim3A_52 : vector<16xf32> to vector<1x1x16xf32>
      tpu.vector_store %arg8[%swap3A_1062, %swap3A_1063, %swap3A_1064], %swap3A_1067 {strides = array<i32>} : memref<3x120x128xf32, #tpu.memory_space<vmem>>, vector<1x1x16xf32>,
      %swap3A_1068 = arith.constant 0 : i32
      %swap3A_1069 = arith.index_cast %swap3A_1068 : i32 to index
      %swap3A_1070 = arith.index_cast %scan3A_1060 : i32 to index
      %swap3A_1071 = arith.constant 16 : index
      %swap3A_1072 = tpu.vector_load %arg8[%swap3A_1069, %swap3A_1070, %swap3A_1071] {strides = array<i32>} : memref<3x120x128xf32, #tpu.memory_space<vmem>>, vector<1x1x16xf32>,
      %swap3A_1073 = vector.shape_cast %swap3A_1072 : vector<1x1x16xf32> to vector<16xf32>
      %swap3A_1074 = vector.shape_cast %broadcast_in_dim3A_52 : vector<16xf32> to vector<1x1x16xf32>
      tpu.vector_store %arg8[%swap3A_1069, %swap3A_1070, %swap3A_1071], %swap3A_1074 {strides = array<i32>} : memref<3x120x128xf32, #tpu.memory_space<vmem>>, vector<1x1x16xf32>,
      %swap3A_1075 = arith.constant 0 : i32
      %swap3A_1076 = arith.index_cast %swap3A_1075 : i32 to index
      %swap3A_1077 = arith.index_cast %scan3A_1060 : i32 to index
      %swap3A_1078 = arith.constant 32 : index
      %swap3A_1079 = tpu.vector_load %arg8[%swap3A_1076, %swap3A_1077, %swap3A_1078] {strides = array<i32>} : memref<3x120x128xf32, #tpu.memory_space<vmem>>, vector<1x1x16xf32>,
      %swap3A_1080 = vector.shape_cast %swap3A_1079 : vector<1x1x16xf32> to vector<16xf32>
      %swap3A_1081 = vector.shape_cast %broadcast_in_dim3A_52 : vector<16xf32> to vector<1x1x16xf32>
      tpu.vector_store %arg8[%swap3A_1076, %swap3A_1077, %swap3A_1078], %swap3A_1081 {strides = array<i32>} : memref<3x120x128xf32, #tpu.memory_space<vmem>>, vector<1x1x16xf32>,
      %swap3A_1082 = arith.constant 0 : i32
      %swap3A_1083 = arith.index_cast %swap3A_1082 : i32 to index
      %swap3A_1084 = arith.index_cast %scan3A_1060 : i32 to index
      %swap3A_1085 = arith.constant 48 : index
      %swap3A_1086 = tpu.vector_load %arg8[%swap3A_1083, %swap3A_1084, %swap3A_1085] {strides = array<i32>} : memref<3x120x128xf32, #tpu.memory_space<vmem>>, vector<1x1x16xf32>,
      %swap3A_1087 = vector.shape_cast %swap3A_1086 : vector<1x1x16xf32> to vector<16xf32>
      %swap3A_1088 = vector.shape_cast %broadcast_in_dim3A_52 : vector<16xf32> to vector<1x1x16xf32>
      tpu.vector_store %arg8[%swap3A_1083, %swap3A_1084, %swap3A_1085], %swap3A_1088 {strides = array<i32>} : memref<3x120x128xf32, #tpu.memory_space<vmem>>, vector<1x1x16xf32>,
      %swap3A_1089 = arith.constant 0 : i32
      %swap3A_1090 = arith.index_cast %swap3A_1089 : i32 to index
      %swap3A_1091 = arith.index_cast %scan3A_1060 : i32 to index
      %swap3A_1092 = arith.constant 64 : index
      %swap3A_1093 = tpu.vector_load %arg8[%swap3A_1090, %swap3A_1091, %swap3A_1092] {strides = array<i32>} : memref<3x120x128xf32, #tpu.memory_space<vmem>>, vector<1x1x16xf32>,
      %swap3A_1094 = vector.shape_cast %swap3A_1093 : vector<1x1x16xf32> to vector<16xf32>
      %swap3A_1095 = vector.shape_cast %broadcast_in_dim3A_52 : vector<16xf32> to vector<1x1x16xf32>
      tpu.vector_store %arg8[%swap3A_1090, %swap3A_1091, %swap3A_1092], %swap3A_1095 {strides = array<i32>} : memref<3x120x128xf32, #tpu.memory_space<vmem>>, vector<1x1x16xf32>,
      %swap3A_1096 = arith.constant 0 : i32
      %swap3A_1097 = arith.index_cast %swap3A_1096 : i32 to index
      %swap3A_1098 = arith.index_cast %scan3A_1060 : i32 to index
      %swap3A_1099 = arith.constant 80 : index
      %swap3A_1100 = tpu.vector_load %arg8[%swap3A_1097, %swap3A_1098, %swap3A_1099] {strides = array<i32>} : memref<3x120x128xf32, #tpu.memory_space<vmem>>, vector<1x1x16xf32>,
      %swap3A_1101 = vector.shape_cast %swap3A_1100 : vector<1x1x16xf32> to vector<16xf32>
      %swap3A_1102 = vector.shape_cast %broadcast_in_dim3A_52 : vector<16xf32> to vector<1x1x16xf32>
      tpu.vector_store %arg8[%swap3A_1097, %swap3A_1098, %swap3A_1099], %swap3A_1102 {strides = array<i32>} : memref<3x120x128xf32, #tpu.memory_space<vmem>>, vector<1x1x16xf32>,
      %swap3A_1103 = arith.constant 0 : i32
      %swap3A_1104 = arith.index_cast %swap3A_1103 : i32 to index
      %swap3A_1105 = arith.index_cast %scan3A_1060 : i32 to index
      %swap3A_1106 = arith.constant 96 : index
      %swap3A_1107 = tpu.vector_load %arg8[%swap3A_1104, %swap3A_1105, %swap3A_1106] {strides = array<i32>} : memref<3x120x128xf32, #tpu.memory_space<vmem>>, vector<1x1x16xf32>,
      %swap3A_1108 = vector.shape_cast %swap3A_1107 : vector<1x1x16xf32> to vector<16xf32>
      %swap3A_1109 = vector.shape_cast %broadcast_in_dim3A_52 : vector<16xf32> to vector<1x1x16xf32>
      tpu.vector_store %arg8[%swap3A_1104, %swap3A_1105, %swap3A_1106], %swap3A_1109 {strides = array<i32>} : memref<3x120x128xf32, #tpu.memory_space<vmem>>, vector<1x1x16xf32>,
      %swap3A_1110 = arith.constant 0 : i32
      %swap3A_1111 = arith.index_cast %swap3A_1110 : i32 to index
      %swap3A_1112 = arith.index_cast %scan3A_1060 : i32 to index
      %swap3A_1113 = arith.constant 112 : index
      %swap3A_1114 = tpu.vector_load %arg8[%swap3A_1111, %swap3A_1112, %swap3A_1113] {strides = array<i32>} : memref<3x120x128xf32, #tpu.memory_space<vmem>>, vector<1x1x16xf32>,
      %swap3A_1115 = vector.shape_cast %swap3A_1114 : vector<1x1x16xf32> to vector<16xf32>
      %swap3A_1116 = vector.shape_cast %broadcast_in_dim3A_52 : vector<16xf32> to vector<1x1x16xf32>
      tpu.vector_store %arg8[%swap3A_1111, %swap3A_1112, %swap3A_1113], %swap3A_1116 {strides = array<i32>} : memref<3x120x128xf32, #tpu.memory_space<vmem>>, vector<1x1x16xf32>,
    }
    %scan3A_57 = arith.constant 80 : i32
    %add3A_58 = arith.constant 0 : i32
    %add3A_59 = arith.addi %mul3A_0, %add3A_58 : i32
    %dma_start3A = arith.constant 0 : i32
    %dma_start3A_60 = arith.constant 0 : i32
    %dma_start3A_61 = arith.constant 0 : i32
    %dma_start3A_62 = tpu.memref_slice %arg8[%dma_start3A, %dma_start3A_60, %dma_start3A_61] : memref<3x120x128xf32, #tpu.memory_space<vmem>> -> memref<1x80x128xf32, #tpu.memory_space<vmem>>
    %dma_start3A_63 = tpu.memref_squeeze %dma_start3A_62 : memref<1x80x128xf32, #tpu.memory_space<vmem>> -> memref<80x128xf32, #tpu.memory_space<vmem>>
    %dma_start3A_64 = arith.constant 0 : i32
    %dma_start3A_65 = tpu.memref_slice %arg12[%add3A_59, %dma_start3A_64] : memref<10240x128xf32, #tpu.memory_space<vmem_shared>> -> memref<80x128xf32, #tpu.memory_space<vmem_shared>>
    %dma_start3A_66 = arith.constant 0 : i32
    %dma_start3A_67 = tpu.memref_slice %arg12[%add3A_59, %dma_start3A_66] : memref<10240x128xf32, #tpu.memory_space<vmem_shared>> -> memref<80x128xf32, #tpu.memory_space<vmem_shared>>
    %dma_start3A_68 = arith.constant 0 : i32
    %dma_start3A_69 = arith.constant 0 : i32
    %dma_start3A_70 = tpu.memref_slice %arg8[%dma_start3A, %dma_start3A_68, %dma_start3A_69] : memref<3x120x128xf32, #tpu.memory_space<vmem>> -> memref<1x80x128xf32, #tpu.memory_space<vmem>>
    %dma_start3A_71 = tpu.memref_squeeze %dma_start3A_70 : memref<1x80x128xf32, #tpu.memory_space<vmem>> -> memref<80x128xf32, #tpu.memory_space<vmem>>
    tpu.enqueue_dma source(%dma_start3A_71 : memref<80x128xf32, #tpu.memory_space<vmem>>) target(%dma_start3A_67 : memref<80x128xf32, #tpu.memory_space<vmem_shared>>) target_semaphore(%arg17 : memref<!tpu.dma_semaphore, #tpu.memory_space<semaphore_mem>>)
    %add3A_72 = arith.constant 80 : i32
    %add3A_73 = arith.addi %mul3A_0, %add3A_72 : i32
    %dma_start3A_74 = arith.constant 0 : i32
    %dma_start3A_75 = arith.constant 0 : i32
    %dma_start3A_76 = arith.constant 0 : i32
    %dma_start3A_77 = tpu.memref_slice %arg8[%dma_start3A_74, %dma_start3A_75, %dma_start3A_76] : memref<3x120x128xf32, #tpu.memory_space<vmem>> -> memref<1x80x128xf32, #tpu.memory_space<vmem>>
    %dma_start3A_78 = tpu.memref_squeeze %dma_start3A_77 : memref<1x80x128xf32, #tpu.memory_space<vmem>> -> memref<80x128xf32, #tpu.memory_space<vmem>>
    %dma_start3A_79 = arith.constant 0 : i32
    %dma_start3A_80 = tpu.memref_slice %arg12[%add3A_73, %dma_start3A_79] : memref<10240x128xf32, #tpu.memory_space<vmem_shared>> -> memref<80x128xf32, #tpu.memory_space<vmem_shared>>
    %dma_start3A_81 = arith.constant 0 : i32
    %dma_start3A_82 = tpu.memref_slice %arg12[%add3A_73, %dma_start3A_81] : memref<10240x128xf32, #tpu.memory_space<vmem_shared>> -> memref<80x128xf32, #tpu.memory_space<vmem_shared>>
    %dma_start3A_83 = arith.constant 0 : i32
    %dma_start3A_84 = arith.constant 0 : i32
    %dma_start3A_85 = tpu.memref_slice %arg8[%dma_start3A_74, %dma_start3A_83, %dma_start3A_84] : memref<3x120x128xf32, #tpu.memory_space<vmem>> -> memref<1x80x128xf32, #tpu.memory_space<vmem>>
    %dma_start3A_86 = tpu.memref_squeeze %dma_start3A_85 : memref<1x80x128xf32, #tpu.memory_space<vmem>> -> memref<80x128xf32, #tpu.memory_space<vmem>>
    tpu.enqueue_dma source(%dma_start3A_86 : memref<80x128xf32, #tpu.memory_space<vmem>>) target(%dma_start3A_82 : memref<80x128xf32, #tpu.memory_space<vmem_shared>>) target_semaphore(%arg17 : memref<!tpu.dma_semaphore, #tpu.memory_space<semaphore_mem>>)
    %add3A_87 = arith.constant 160 : i32
    %add3A_88 = arith.addi %mul3A_0, %add3A_87 : i32
    %dma_start3A_89 = arith.constant 0 : i32
    %dma_start3A_90 = arith.constant 0 : i32
    %dma_start3A_91 = arith.constant 0 : i32
    %dma_start3A_92 = tpu.memref_slice %arg8[%dma_start3A_89, %dma_start3A_90, %dma_start3A_91] : memref<3x120x128xf32, #tpu.memory_space<vmem>> -> memref<1x80x128xf32, #tpu.memory_space<vmem>>
    %dma_start3A_93 = tpu.memref_squeeze %dma_start3A_92 : memref<1x80x128xf32, #tpu.memory_space<vmem>> -> memref<80x128xf32, #tpu.memory_space<vmem>>
    %dma_start3A_94 = arith.constant 0 : i32
    %dma_start3A_95 = tpu.memref_slice %arg12[%add3A_88, %dma_start3A_94] : memref<10240x128xf32, #tpu.memory_space<vmem_shared>> -> memref<80x128xf32, #tpu.memory_space<vmem_shared>>
    %dma_start3A_96 = arith.constant 0 : i32
    %dma_start3A_97 = tpu.memref_slice %arg12[%add3A_88, %dma_start3A_96] : memref<10240x128xf32, #tpu.memory_space<vmem_shared>> -> memref<80x128xf32, #tpu.memory_space<vmem_shared>>
    %dma_start3A_98 = arith.constant 0 : i32
    %dma_start3A_99 = arith.constant 0 : i32
    %dma_start3A_100 = tpu.memref_slice %arg8[%dma_start3A_89, %dma_start3A_98, %dma_start3A_99] : memref<3x120x128xf32, #tpu.memory_space<vmem>> -> memref<1x80x128xf32, #tpu.memory_space<vmem>>
    %dma_start3A_101 = tpu.memref_squeeze %dma_start3A_100 : memref<1x80x128xf32, #tpu.memory_space<vmem>> -> memref<80x128xf32, #tpu.memory_space<vmem>>
    tpu.enqueue_dma source(%dma_start3A_101 : memref<80x128xf32, #tpu.memory_space<vmem>>) target(%dma_start3A_97 : memref<80x128xf32, #tpu.memory_space<vmem_shared>>) target_semaphore(%arg17 : memref<!tpu.dma_semaphore, #tpu.memory_space<semaphore_mem>>)
    %add3A_102 = arith.constant 240 : i32
    %add3A_103 = arith.addi %mul3A_0, %add3A_102 : i32
    %dma_start3A_104 = arith.constant 0 : i32
    %dma_start3A_105 = arith.constant 0 : i32
    %dma_start3A_106 = arith.constant 0 : i32
    %dma_start3A_107 = tpu.memref_slice %arg8[%dma_start3A_104, %dma_start3A_105, %dma_start3A_106] : memref<3x120x128xf32, #tpu.memory_space<vmem>> -> memref<1x80x128xf32, #tpu.memory_space<vmem>>
    %dma_start3A_108 = tpu.memref_squeeze %dma_start3A_107 : memref<1x80x128xf32, #tpu.memory_space<vmem>> -> memref<80x128xf32, #tpu.memory_space<vmem>>
    %dma_start3A_109 = arith.constant 0 : i32
    %dma_start3A_110 = tpu.memref_slice %arg12[%add3A_103, %dma_start3A_109] : memref<10240x128xf32, #tpu.memory_space<vmem_shared>> -> memref<80x128xf32, #tpu.memory_space<vmem_shared>>
    %dma_start3A_111 = arith.constant 0 : i32
    %dma_start3A_112 = tpu.memref_slice %arg12[%add3A_103, %dma_start3A_111] : memref<10240x128xf32, #tpu.memory_space<vmem_shared>> -> memref<80x128xf32, #tpu.memory_space<vmem_shared>>
    %dma_start3A_113 = arith.constant 0 : i32
    %dma_start3A_114 = arith.constant 0 : i32
    %dma_start3A_115 = tpu.memref_slice %arg8[%dma_start3A_104, %dma_start3A_113, %dma_start3A_114] : memref<3x120x128xf32, #tpu.memory_space<vmem>> -> memref<1x80x128xf32, #tpu.memory_space<vmem>>
    %dma_start3A_116 = tpu.memref_squeeze %dma_start3A_115 : memref<1x80x128xf32, #tpu.memory_space<vmem>> -> memref<80x128xf32, #tpu.memory_space<vmem>>
    tpu.enqueue_dma source(%dma_start3A_116 : memref<80x128xf32, #tpu.memory_space<vmem>>) target(%dma_start3A_112 : memref<80x128xf32, #tpu.memory_space<vmem_shared>>) target_semaphore(%arg17 : memref<!tpu.dma_semaphore, #tpu.memory_space<semaphore_mem>>)
    %add3A_117 = arith.constant 320 : i32
    %add3A_118 = arith.addi %mul3A_0, %add3A_117 : i32
    %dma_start3A_119 = arith.constant 0 : i32
    %dma_start3A_120 = arith.constant 0 : i32
    %dma_start3A_121 = arith.constant 0 : i32
    %dma_start3A_122 = tpu.memref_slice %arg8[%dma_start3A_119, %dma_start3A_120, %dma_start3A_121] : memref<3x120x128xf32, #tpu.memory_space<vmem>> -> memref<1x80x128xf32, #tpu.memory_space<vmem>>
    %dma_start3A_123 = tpu.memref_squeeze %dma_start3A_122 : memref<1x80x128xf32, #tpu.memory_space<vmem>> -> memref<80x128xf32, #tpu.memory_space<vmem>>
    %dma_start3A_124 = arith.constant 0 : i32
    %dma_start3A_125 = tpu.memref_slice %arg12[%add3A_118, %dma_start3A_124] : memref<10240x128xf32, #tpu.memory_space<vmem_shared>> -> memref<80x128xf32, #tpu.memory_space<vmem_shared>>
    %dma_start3A_126 = arith.constant 0 : i32
    %dma_start3A_127 = tpu.memref_slice %arg12[%add3A_118, %dma_start3A_126] : memref<10240x128xf32, #tpu.memory_space<vmem_shared>> -> memref<80x128xf32, #tpu.memory_space<vmem_shared>>
    %dma_start3A_128 = arith.constant 0 : i32
    %dma_start3A_129 = arith.constant 0 : i32
    %dma_start3A_130 = tpu.memref_slice %arg8[%dma_start3A_119, %dma_start3A_128, %dma_start3A_129] : memref<3x120x128xf32, #tpu.memory_space<vmem>> -> memref<1x80x128xf32, #tpu.memory_space<vmem>>
    %dma_start3A_131 = tpu.memref_squeeze %dma_start3A_130 : memref<1x80x128xf32, #tpu.memory_space<vmem>> -> memref<80x128xf32, #tpu.memory_space<vmem>>
    tpu.enqueue_dma source(%dma_start3A_131 : memref<80x128xf32, #tpu.memory_space<vmem>>) target(%dma_start3A_127 : memref<80x128xf32, #tpu.memory_space<vmem_shared>>) target_semaphore(%arg17 : memref<!tpu.dma_semaphore, #tpu.memory_space<semaphore_mem>>)
    %add3A_132 = arith.constant 400 : i32
    %add3A_133 = arith.addi %mul3A_0, %add3A_132 : i32
    %dma_start3A_134 = arith.constant 0 : i32
    %dma_start3A_135 = arith.constant 0 : i32
    %dma_start3A_136 = arith.constant 0 : i32
    %dma_start3A_137 = tpu.memref_slice %arg8[%dma_start3A_134, %dma_start3A_135, %dma_start3A_136] : memref<3x120x128xf32, #tpu.memory_space<vmem>> -> memref<1x80x128xf32, #tpu.memory_space<vmem>>
    %dma_start3A_138 = tpu.memref_squeeze %dma_start3A_137 : memref<1x80x128xf32, #tpu.memory_space<vmem>> -> memref<80x128xf32, #tpu.memory_space<vmem>>
    %dma_start3A_139 = arith.constant 0 : i32
    %dma_start3A_140 = tpu.memref_slice %arg12[%add3A_133, %dma_start3A_139] : memref<10240x128xf32, #tpu.memory_space<vmem_shared>> -> memref<80x128xf32, #tpu.memory_space<vmem_shared>>
    %dma_start3A_141 = arith.constant 0 : i32
    %dma_start3A_142 = tpu.memref_slice %arg12[%add3A_133, %dma_start3A_141] : memref<10240x128xf32, #tpu.memory_space<vmem_shared>> -> memref<80x128xf32, #tpu.memory_space<vmem_shared>>
    %dma_start3A_143 = arith.constant 0 : i32
    %dma_start3A_144 = arith.constant 0 : i32
    %dma_start3A_145 = tpu.memref_slice %arg8[%dma_start3A_134, %dma_start3A_143, %dma_start3A_144] : memref<3x120x128xf32, #tpu.memory_space<vmem>> -> memref<1x80x128xf32, #tpu.memory_space<vmem>>
    %dma_start3A_146 = tpu.memref_squeeze %dma_start3A_145 : memref<1x80x128xf32, #tpu.memory_space<vmem>> -> memref<80x128xf32, #tpu.memory_space<vmem>>
    tpu.enqueue_dma source(%dma_start3A_146 : memref<80x128xf32, #tpu.memory_space<vmem>>) target(%dma_start3A_142 : memref<80x128xf32, #tpu.memory_space<vmem_shared>>) target_semaphore(%arg17 : memref<!tpu.dma_semaphore, #tpu.memory_space<semaphore_mem>>)
    %add3A_147 = arith.constant 480 : i32
    %add3A_148 = arith.addi %mul3A_0, %add3A_147 : i32
    %dma_start3A_149 = arith.constant 0 : i32
    %dma_start3A_150 = arith.constant 0 : i32
    %dma_start3A_151 = arith.constant 0 : i32
    %dma_start3A_152 = tpu.memref_slice %arg8[%dma_start3A_149, %dma_start3A_150, %dma_start3A_151] : memref<3x120x128xf32, #tpu.memory_space<vmem>> -> memref<1x80x128xf32, #tpu.memory_space<vmem>>
    %dma_start3A_153 = tpu.memref_squeeze %dma_start3A_152 : memref<1x80x128xf32, #tpu.memory_space<vmem>> -> memref<80x128xf32, #tpu.memory_space<vmem>>
    %dma_start3A_154 = arith.constant 0 : i32
    %dma_start3A_155 = tpu.memref_slice %arg12[%add3A_148, %dma_start3A_154] : memref<10240x128xf32, #tpu.memory_space<vmem_shared>> -> memref<80x128xf32, #tpu.memory_space<vmem_shared>>
    %dma_start3A_156 = arith.constant 0 : i32
    %dma_start3A_157 = tpu.memref_slice %arg12[%add3A_148, %dma_start3A_156] : memref<10240x128xf32, #tpu.memory_space<vmem_shared>> -> memref<80x128xf32, #tpu.memory_space<vmem_shared>>
    %dma_start3A_158 = arith.constant 0 : i32
    %dma_start3A_159 = arith.constant 0 : i32
    %dma_start3A_160 = tpu.memref_slice %arg8[%dma_start3A_149, %dma_start3A_158, %dma_start3A_159] : memref<3x120x128xf32, #tpu.memory_space<vmem>> -> memref<1x80x128xf32, #tpu.memory_space<vmem>>
    %dma_start3A_161 = tpu.memref_squeeze %dma_start3A_160 : memref<1x80x128xf32, #tpu.memory_space<vmem>> -> memref<80x128xf32, #tpu.memory_space<vmem>>
    tpu.enqueue_dma source(%dma_start3A_161 : memref<80x128xf32, #tpu.memory_space<vmem>>) target(%dma_start3A_157 : memref<80x128xf32, #tpu.memory_space<vmem_shared>>) target_semaphore(%arg17 : memref<!tpu.dma_semaphore, #tpu.memory_space<semaphore_mem>>)
    %add3A_162 = arith.constant 560 : i32
    %add3A_163 = arith.addi %mul3A_0, %add3A_162 : i32
    %dma_start3A_164 = arith.constant 0 : i32
    %dma_start3A_165 = arith.constant 0 : i32
    %dma_start3A_166 = arith.constant 0 : i32
    %dma_start3A_167 = tpu.memref_slice %arg8[%dma_start3A_164, %dma_start3A_165, %dma_start3A_166] : memref<3x120x128xf32, #tpu.memory_space<vmem>> -> memref<1x80x128xf32, #tpu.memory_space<vmem>>
    %dma_start3A_168 = tpu.memref_squeeze %dma_start3A_167 : memref<1x80x128xf32, #tpu.memory_space<vmem>> -> memref<80x128xf32, #tpu.memory_space<vmem>>
    %dma_start3A_169 = arith.constant 0 : i32
    %dma_start3A_170 = tpu.memref_slice %arg12[%add3A_163, %dma_start3A_169] : memref<10240x128xf32, #tpu.memory_space<vmem_shared>> -> memref<80x128xf32, #tpu.memory_space<vmem_shared>>
    %dma_start3A_171 = arith.constant 0 : i32
    %dma_start3A_172 = tpu.memref_slice %arg12[%add3A_163, %dma_start3A_171] : memref<10240x128xf32, #tpu.memory_space<vmem_shared>> -> memref<80x128xf32, #tpu.memory_space<vmem_shared>>
    %dma_start3A_173 = arith.constant 0 : i32
    %dma_start3A_174 = arith.constant 0 : i32
    %dma_start3A_175 = tpu.memref_slice %arg8[%dma_start3A_164, %dma_start3A_173, %dma_start3A_174] : memref<3x120x128xf32, #tpu.memory_space<vmem>> -> memref<1x80x128xf32, #tpu.memory_space<vmem>>
    %dma_start3A_176 = tpu.memref_squeeze %dma_start3A_175 : memref<1x80x128xf32, #tpu.memory_space<vmem>> -> memref<80x128xf32, #tpu.memory_space<vmem>>
    tpu.enqueue_dma source(%dma_start3A_176 : memref<80x128xf32, #tpu.memory_space<vmem>>) target(%dma_start3A_172 : memref<80x128xf32, #tpu.memory_space<vmem_shared>>) target_semaphore(%arg17 : memref<!tpu.dma_semaphore, #tpu.memory_space<semaphore_mem>>)
    %add3A_177 = arith.constant 0 : i32
    %add3A_178 = arith.addi %mul3A_0, %add3A_177 : i32
    %dma_start3A_179 = arith.constant 0 : i32
    %dma_start3A_180 = arith.constant 0 : i32
    %dma_start3A_181 = arith.constant 0 : i32
    %dma_start3A_182 = tpu.memref_slice %arg8[%dma_start3A_179, %dma_start3A_180, %dma_start3A_181] : memref<3x120x128xf32, #tpu.memory_space<vmem>> -> memref<1x1x128xf32, #tpu.memory_space<vmem>>
    %dma_start3A_183 = tpu.memref_squeeze %dma_start3A_182 : memref<1x1x128xf32, #tpu.memory_space<vmem>> -> memref<128xf32, #tpu.memory_space<vmem>>
    %dma_start3A_184 = tpu.memref_slice %arg13[%add3A_178] : memref<10240xf32, #tpu.memory_space<vmem_shared>> -> memref<128xf32, #tpu.memory_space<vmem_shared>>
    %dma_start3A_185 = tpu.memref_slice %arg13[%add3A_178] : memref<10240xf32, #tpu.memory_space<vmem_shared>> -> memref<128xf32, #tpu.memory_space<vmem_shared>>
    %dma_start3A_186 = arith.constant 0 : i32
    %dma_start3A_187 = tpu.memref_slice %arg8[%dma_start3A_179, %dma_start3A_180, %dma_start3A_186] : memref<3x120x128xf32, #tpu.memory_space<vmem>> -> memref<1x1x128xf32, #tpu.memory_space<vmem>>
    %dma_start3A_188 = tpu.memref_squeeze %dma_start3A_187 : memref<1x1x128xf32, #tpu.memory_space<vmem>> -> memref<128xf32, #tpu.memory_space<vmem>>
    tpu.enqueue_dma source(%dma_start3A_188 : memref<128xf32, #tpu.memory_space<vmem>>) target(%dma_start3A_185 : memref<128xf32, #tpu.memory_space<vmem_shared>>) target_semaphore(%arg17 : memref<!tpu.dma_semaphore, #tpu.memory_space<semaphore_mem>>)
    %add3A_189 = arith.constant 128 : i32
    %add3A_190 = arith.addi %mul3A_0, %add3A_189 : i32
    %dma_start3A_191 = arith.constant 0 : i32
    %dma_start3A_192 = arith.constant 0 : i32
    %dma_start3A_193 = arith.constant 0 : i32
    %dma_start3A_194 = tpu.memref_slice %arg8[%dma_start3A_191, %dma_start3A_192, %dma_start3A_193] : memref<3x120x128xf32, #tpu.memory_space<vmem>> -> memref<1x1x128xf32, #tpu.memory_space<vmem>>
    %dma_start3A_195 = tpu.memref_squeeze %dma_start3A_194 : memref<1x1x128xf32, #tpu.memory_space<vmem>> -> memref<128xf32, #tpu.memory_space<vmem>>
    %dma_start3A_196 = tpu.memref_slice %arg13[%add3A_190] : memref<10240xf32, #tpu.memory_space<vmem_shared>> -> memref<128xf32, #tpu.memory_space<vmem_shared>>
    %dma_start3A_197 = tpu.memref_slice %arg13[%add3A_190] : memref<10240xf32, #tpu.memory_space<vmem_shared>> -> memref<128xf32, #tpu.memory_space<vmem_shared>>
    %dma_start3A_198 = arith.constant 0 : i32
    %dma_start3A_199 = tpu.memref_slice %arg8[%dma_start3A_191, %dma_start3A_192, %dma_start3A_198] : memref<3x120x128xf32, #tpu.memory_space<vmem>> -> memref<1x1x128xf32, #tpu.memory_space<vmem>>
    %dma_start3A_200 = tpu.memref_squeeze %dma_start3A_199 : memref<1x1x128xf32, #tpu.memory_space<vmem>> -> memref<128xf32, #tpu.memory_space<vmem>>
    tpu.enqueue_dma source(%dma_start3A_200 : memref<128xf32, #tpu.memory_space<vmem>>) target(%dma_start3A_197 : memref<128xf32, #tpu.memory_space<vmem_shared>>) target_semaphore(%arg17 : memref<!tpu.dma_semaphore, #tpu.memory_space<semaphore_mem>>)
    %add3A_201 = arith.constant 256 : i32
    %add3A_202 = arith.addi %mul3A_0, %add3A_201 : i32
    %dma_start3A_203 = arith.constant 0 : i32
    %dma_start3A_204 = arith.constant 0 : i32
    %dma_start3A_205 = arith.constant 0 : i32
    %dma_start3A_206 = tpu.memref_slice %arg8[%dma_start3A_203, %dma_start3A_204, %dma_start3A_205] : memref<3x120x128xf32, #tpu.memory_space<vmem>> -> memref<1x1x128xf32, #tpu.memory_space<vmem>>
    %dma_start3A_207 = tpu.memref_squeeze %dma_start3A_206 : memref<1x1x128xf32, #tpu.memory_space<vmem>> -> memref<128xf32, #tpu.memory_space<vmem>>
    %dma_start3A_208 = tpu.memref_slice %arg13[%add3A_202] : memref<10240xf32, #tpu.memory_space<vmem_shared>> -> memref<128xf32, #tpu.memory_space<vmem_shared>>
    %dma_start3A_209 = tpu.memref_slice %arg13[%add3A_202] : memref<10240xf32, #tpu.memory_space<vmem_shared>> -> memref<128xf32, #tpu.memory_space<vmem_shared>>
    %dma_start3A_210 = arith.constant 0 : i32
    %dma_start3A_211 = tpu.memref_slice %arg8[%dma_start3A_203, %dma_start3A_204, %dma_start3A_210] : memref<3x120x128xf32, #tpu.memory_space<vmem>> -> memref<1x1x128xf32, #tpu.memory_space<vmem>>
    %dma_start3A_212 = tpu.memref_squeeze %dma_start3A_211 : memref<1x1x128xf32, #tpu.memory_space<vmem>> -> memref<128xf32, #tpu.memory_space<vmem>>
    tpu.enqueue_dma source(%dma_start3A_212 : memref<128xf32, #tpu.memory_space<vmem>>) target(%dma_start3A_209 : memref<128xf32, #tpu.memory_space<vmem_shared>>) target_semaphore(%arg17 : memref<!tpu.dma_semaphore, #tpu.memory_space<semaphore_mem>>)
    %add3A_213 = arith.constant 384 : i32
    %add3A_214 = arith.addi %mul3A_0, %add3A_213 : i32
    %dma_start3A_215 = arith.constant 0 : i32
    %dma_start3A_216 = arith.constant 0 : i32
    %dma_start3A_217 = arith.constant 0 : i32
    %dma_start3A_218 = tpu.memref_slice %arg8[%dma_start3A_215, %dma_start3A_216, %dma_start3A_217] : memref<3x120x128xf32, #tpu.memory_space<vmem>> -> memref<1x1x128xf32, #tpu.memory_space<vmem>>
    %dma_start3A_219 = tpu.memref_squeeze %dma_start3A_218 : memref<1x1x128xf32, #tpu.memory_space<vmem>> -> memref<128xf32, #tpu.memory_space<vmem>>
    %dma_start3A_220 = tpu.memref_slice %arg13[%add3A_214] : memref<10240xf32, #tpu.memory_space<vmem_shared>> -> memref<128xf32, #tpu.memory_space<vmem_shared>>
    %dma_start3A_221 = tpu.memref_slice %arg13[%add3A_214] : memref<10240xf32, #tpu.memory_space<vmem_shared>> -> memref<128xf32, #tpu.memory_space<vmem_shared>>
    %dma_start3A_222 = arith.constant 0 : i32
    %dma_start3A_223 = tpu.memref_slice %arg8[%dma_start3A_215, %dma_start3A_216, %dma_start3A_222] : memref<3x120x128xf32, #tpu.memory_space<vmem>> -> memref<1x1x128xf32, #tpu.memory_space<vmem>>
    %dma_start3A_224 = tpu.memref_squeeze %dma_start3A_223 : memref<1x1x128xf32, #tpu.memory_space<vmem>> -> memref<128xf32, #tpu.memory_space<vmem>>
    tpu.enqueue_dma source(%dma_start3A_224 : memref<128xf32, #tpu.memory_space<vmem>>) target(%dma_start3A_221 : memref<128xf32, #tpu.memory_space<vmem_shared>>) target_semaphore(%arg17 : memref<!tpu.dma_semaphore, #tpu.memory_space<semaphore_mem>>)
    %add3A_225 = arith.constant 512 : i32
    %add3A_226 = arith.addi %mul3A_0, %add3A_225 : i32
    %dma_start3A_227 = arith.constant 0 : i32
    %dma_start3A_228 = arith.constant 0 : i32
    %dma_start3A_229 = arith.constant 0 : i32
    %dma_start3A_230 = tpu.memref_slice %arg8[%dma_start3A_227, %dma_start3A_228, %dma_start3A_229] : memref<3x120x128xf32, #tpu.memory_space<vmem>> -> memref<1x1x128xf32, #tpu.memory_space<vmem>>
    %dma_start3A_231 = tpu.memref_squeeze %dma_start3A_230 : memref<1x1x128xf32, #tpu.memory_space<vmem>> -> memref<128xf32, #tpu.memory_space<vmem>>
    %dma_start3A_232 = tpu.memref_slice %arg13[%add3A_226] : memref<10240xf32, #tpu.memory_space<vmem_shared>> -> memref<128xf32, #tpu.memory_space<vmem_shared>>
    %dma_start3A_233 = tpu.memref_slice %arg13[%add3A_226] : memref<10240xf32, #tpu.memory_space<vmem_shared>> -> memref<128xf32, #tpu.memory_space<vmem_shared>>
    %dma_start3A_234 = arith.constant 0 : i32
    %dma_start3A_235 = tpu.memref_slice %arg8[%dma_start3A_227, %dma_start3A_228, %dma_start3A_234] : memref<3x120x128xf32, #tpu.memory_space<vmem>> -> memref<1x1x128xf32, #tpu.memory_space<vmem>>
    %dma_start3A_236 = tpu.memref_squeeze %dma_start3A_235 : memref<1x1x128xf32, #tpu.memory_space<vmem>> -> memref<128xf32, #tpu.memory_space<vmem>>
    tpu.enqueue_dma source(%dma_start3A_236 : memref<128xf32, #tpu.memory_space<vmem>>) target(%dma_start3A_233 : memref<128xf32, #tpu.memory_space<vmem_shared>>) target_semaphore(%arg17 : memref<!tpu.dma_semaphore, #tpu.memory_space<semaphore_mem>>)
    %add3A_237 = arith.constant 0 : i32
    %add3A_238 = arith.addi %mul3A_4, %add3A_237 : i32
    %add3A_239 = arith.constant 320000 : i32
    %add3A_240 = arith.addi %add3A_239, %add3A_238 : i32
    %dma_start3A_241 = arith.constant 0 : i32
    %dma_start3A_242 = arith.constant 0 : i32
    %dma_start3A_243 = tpu.memref_slice %arg6[%dma_start3A_241, %dma_start3A_242] : memref<3x120xi32, #tpu.memory_space<vmem>> -> memref<1x120xi32, #tpu.memory_space<vmem>>
    %dma_start3A_244 = tpu.memref_squeeze %dma_start3A_243 : memref<1x120xi32, #tpu.memory_space<vmem>> -> memref<120xi32, #tpu.memory_space<vmem>>
    %dma_start3A_245 = tpu.memref_slice %arg3[%add3A_240] : memref<640000xi32, #tpu.memory_space<hbm>> -> memref<120xi32, #tpu.memory_space<hbm>>
    %dma_start3A_246 = arith.constant 0 : i32
    %dma_start3A_247 = tpu.memref_slice %arg6[%dma_start3A_241, %dma_start3A_246] : memref<3x120xi32, #tpu.memory_space<vmem>> -> memref<1x120xi32, #tpu.memory_space<vmem>>
    %dma_start3A_248 = tpu.memref_squeeze %dma_start3A_247 : memref<1x120xi32, #tpu.memory_space<vmem>> -> memref<120xi32, #tpu.memory_space<vmem>>
    %dma_start3A_249 = tpu.memref_slice %arg3[%add3A_240] : memref<640000xi32, #tpu.memory_space<hbm>> -> memref<120xi32, #tpu.memory_space<hbm>>
    tpu.enqueue_dma source(%dma_start3A_249 : memref<120xi32, #tpu.memory_space<hbm>>) target(%dma_start3A_248 : memref<120xi32, #tpu.memory_space<vmem>>) target_semaphore(%arg14 : memref<!tpu.dma_semaphore, #tpu.memory_space<semaphore_mem>>)
    %dma_start3A_250 = arith.constant 0 : i32
    %dma_start3A_251 = arith.constant 0 : i32
    %dma_start3A_252 = tpu.memref_slice %arg7[%dma_start3A_250, %dma_start3A_251] : memref<6x120xi32, #tpu.memory_space<vmem>> -> memref<1x120xi32, #tpu.memory_space<vmem>>
    %dma_start3A_253 = tpu.memref_squeeze %dma_start3A_252 : memref<1x120xi32, #tpu.memory_space<vmem>> -> memref<120xi32, #tpu.memory_space<vmem>>
    %dma_start3A_254 = tpu.memref_slice %arg3[%add3A_238] : memref<640000xi32, #tpu.memory_space<hbm>> -> memref<120xi32, #tpu.memory_space<hbm>>
    %dma_start3A_255 = arith.constant 0 : i32
    %dma_start3A_256 = tpu.memref_slice %arg7[%dma_start3A_250, %dma_start3A_255] : memref<6x120xi32, #tpu.memory_space<vmem>> -> memref<1x120xi32, #tpu.memory_space<vmem>>
    %dma_start3A_257 = tpu.memref_squeeze %dma_start3A_256 : memref<1x120xi32, #tpu.memory_space<vmem>> -> memref<120xi32, #tpu.memory_space<vmem>>
    %dma_start3A_258 = tpu.memref_slice %arg3[%add3A_238] : memref<640000xi32, #tpu.memory_space<hbm>> -> memref<120xi32, #tpu.memory_space<hbm>>
    tpu.enqueue_dma source(%dma_start3A_258 : memref<120xi32, #tpu.memory_space<hbm>>) target(%dma_start3A_257 : memref<120xi32, #tpu.memory_space<vmem>>) target_semaphore(%arg14 : memref<!tpu.dma_semaphore, #tpu.memory_space<semaphore_mem>>)
    %add3A_259 = arith.constant 120 : i32
    %add3A_260 = arith.addi %mul3A_4, %add3A_259 : i32
    %add3A_261 = arith.constant 320000 : i32
    %add3A_262 = arith.addi %add3A_261, %add3A_260 : i32
    %dma_start3A_263 = arith.constant 1 : i32
    %dma_start3A_264 = arith.constant 0 : i32
    %dma_start3A_265 = tpu.memref_slice %arg6[%dma_start3A_263, %dma_start3A_264] : memref<3x120xi32, #tpu.memory_space<vmem>> -> memref<1x120xi32, #tpu.memory_space<vmem>>
    %dma_start3A_266 = tpu.memref_squeeze %dma_start3A_265 : memref<1x120xi32, #tpu.memory_space<vmem>> -> memref<120xi32, #tpu.memory_space<vmem>>
    %dma_start3A_267 = tpu.memref_slice %arg3[%add3A_262] : memref<640000xi32, #tpu.memory_space<hbm>> -> memref<120xi32, #tpu.memory_space<hbm>>
    %dma_start3A_268 = arith.constant 0 : i32
    %dma_start3A_269 = tpu.memref_slice %arg6[%dma_start3A_263, %dma_start3A_268] : memref<3x120xi32, #tpu.memory_space<vmem>> -> memref<1x120xi32, #tpu.memory_space<vmem>>
    %dma_start3A_270 = tpu.memref_squeeze %dma_start3A_269 : memref<1x120xi32, #tpu.memory_space<vmem>> -> memref<120xi32, #tpu.memory_space<vmem>>
    %dma_start3A_271 = tpu.memref_slice %arg3[%add3A_262] : memref<640000xi32, #tpu.memory_space<hbm>> -> memref<120xi32, #tpu.memory_space<hbm>>
    tpu.enqueue_dma source(%dma_start3A_271 : memref<120xi32, #tpu.memory_space<hbm>>) target(%dma_start3A_270 : memref<120xi32, #tpu.memory_space<vmem>>) target_semaphore(%arg14 : memref<!tpu.dma_semaphore, #tpu.memory_space<semaphore_mem>>)
    %dma_start3A_272 = arith.constant 1 : i32
    %dma_start3A_273 = arith.constant 0 : i32
    %dma_start3A_274 = tpu.memref_slice %arg7[%dma_start3A_272, %dma_start3A_273] : memref<6x120xi32, #tpu.memory_space<vmem>> -> memref<1x120xi32, #tpu.memory_space<vmem>>
    %dma_start3A_275 = tpu.memref_squeeze %dma_start3A_274 : memref<1x120xi32, #tpu.memory_space<vmem>> -> memref<120xi32, #tpu.memory_space<vmem>>
    %dma_start3A_276 = tpu.memref_slice %arg3[%add3A_260] : memref<640000xi32, #tpu.memory_space<hbm>> -> memref<120xi32, #tpu.memory_space<hbm>>
    %dma_start3A_277 = arith.constant 0 : i32
    %dma_start3A_278 = tpu.memref_slice %arg7[%dma_start3A_272, %dma_start3A_277] : memref<6x120xi32, #tpu.memory_space<vmem>> -> memref<1x120xi32, #tpu.memory_space<vmem>>
    %dma_start3A_279 = tpu.memref_squeeze %dma_start3A_278 : memref<1x120xi32, #tpu.memory_space<vmem>> -> memref<120xi32, #tpu.memory_space<vmem>>
    %dma_start3A_280 = tpu.memref_slice %arg3[%add3A_260] : memref<640000xi32, #tpu.memory_space<hbm>> -> memref<120xi32, #tpu.memory_space<hbm>>
    tpu.enqueue_dma source(%dma_start3A_280 : memref<120xi32, #tpu.memory_space<hbm>>) target(%dma_start3A_279 : memref<120xi32, #tpu.memory_space<vmem>>) target_semaphore(%arg14 : memref<!tpu.dma_semaphore, #tpu.memory_space<semaphore_mem>>)
    %dma_wait3A = arith.constant 0 : i32
    %dma_wait3A_281 = arith.constant 0 : i32
    %dma_wait3A_282 = tpu.memref_slice %arg6[%dma_wait3A, %dma_wait3A_281] : memref<3x120xi32, #tpu.memory_space<vmem>> -> memref<1x120xi32, #tpu.memory_space<vmem>>
    %dma_wait3A_283 = tpu.memref_squeeze %dma_wait3A_282 : memref<1x120xi32, #tpu.memory_space<vmem>> -> memref<120xi32, #tpu.memory_space<vmem>>
    %dma_wait3A_284 = arith.constant 0 : i32
    %dma_wait3A_285 = tpu.memref_slice %arg3[%dma_wait3A_284] : memref<640000xi32, #tpu.memory_space<hbm>> -> memref<120xi32, #tpu.memory_space<hbm>>
    %dma_wait3A_286 = arith.constant 0 : i32
    %dma_wait3A_287 = tpu.memref_slice %arg6[%dma_wait3A, %dma_wait3A_286] : memref<3x120xi32, #tpu.memory_space<vmem>> -> memref<1x120xi32, #tpu.memory_space<vmem>>
    %dma_wait3A_288 = tpu.memref_squeeze %dma_wait3A_287 : memref<1x120xi32, #tpu.memory_space<vmem>> -> memref<120xi32, #tpu.memory_space<vmem>>
    %dma_wait3A_289 = arith.constant 0 : i32
    %dma_wait3A_290 = tpu.memref_slice %arg3[%dma_wait3A_289] : memref<640000xi32, #tpu.memory_space<hbm>> -> memref<120xi32, #tpu.memory_space<hbm>>
    tpu.wait_dma2 semaphore(%arg14 : memref<!tpu.dma_semaphore, #tpu.memory_space<semaphore_mem>>) src(%dma_wait3A_290 : memref<120xi32, #tpu.memory_space<hbm>>) dst(%dma_wait3A_288 : memref<120xi32, #tpu.memory_space<vmem>>)
    %dma_wait3A_291 = arith.constant 0 : i32
    %dma_wait3A_292 = arith.constant 0 : i32
    %dma_wait3A_293 = tpu.memref_slice %arg7[%dma_wait3A_291, %dma_wait3A_292] : memref<6x120xi32, #tpu.memory_space<vmem>> -> memref<1x120xi32, #tpu.memory_space<vmem>>
    %dma_wait3A_294 = tpu.memref_squeeze %dma_wait3A_293 : memref<1x120xi32, #tpu.memory_space<vmem>> -> memref<120xi32, #tpu.memory_space<vmem>>
    %dma_wait3A_295 = arith.constant 0 : i32
    %dma_wait3A_296 = tpu.memref_slice %arg3[%dma_wait3A_295] : memref<640000xi32, #tpu.memory_space<hbm>> -> memref<120xi32, #tpu.memory_space<hbm>>
    %dma_wait3A_297 = arith.constant 0 : i32
    %dma_wait3A_298 = tpu.memref_slice %arg7[%dma_wait3A_291, %dma_wait3A_297] : memref<6x120xi32, #tpu.memory_space<vmem>> -> memref<1x120xi32, #tpu.memory_space<vmem>>
    %dma_wait3A_299 = tpu.memref_squeeze %dma_wait3A_298 : memref<1x120xi32, #tpu.memory_space<vmem>> -> memref<120xi32, #tpu.memory_space<vmem>>
    %dma_wait3A_300 = arith.constant 0 : i32
    %dma_wait3A_301 = tpu.memref_slice %arg3[%dma_wait3A_300] : memref<640000xi32, #tpu.memory_space<hbm>> -> memref<120xi32, #tpu.memory_space<hbm>>
    tpu.wait_dma2 semaphore(%arg14 : memref<!tpu.dma_semaphore, #tpu.memory_space<semaphore_mem>>) src(%dma_wait3A_301 : memref<120xi32, #tpu.memory_space<hbm>>) dst(%dma_wait3A_299 : memref<120xi32, #tpu.memory_space<vmem>>)
    %dma_wait3A_302 = arith.constant 0 : i32
    %dma_wait3A_303 = arith.constant 0 : i32
    %dma_wait3A_304 = arith.constant 0 : i32
    %dma_wait3A_305 = tpu.memref_slice %arg8[%dma_wait3A_302, %dma_wait3A_303, %dma_wait3A_304] : memref<3x120x128xf32, #tpu.memory_space<vmem>> -> memref<1x80x128xf32, #tpu.memory_space<vmem>>
    %dma_wait3A_306 = tpu.memref_squeeze %dma_wait3A_305 : memref<1x80x128xf32, #tpu.memory_space<vmem>> -> memref<80x128xf32, #tpu.memory_space<vmem>>
    %dma_wait3A_307 = arith.constant 0 : i32
    %dma_wait3A_308 = arith.constant 0 : i32
    %dma_wait3A_309 = tpu.memref_slice %arg12[%dma_wait3A_307, %dma_wait3A_308] : memref<10240x128xf32, #tpu.memory_space<vmem_shared>> -> memref<80x128xf32, #tpu.memory_space<vmem_shared>>
    %dma_wait3A_310 = arith.constant 0 : i32
    %dma_wait3A_311 = arith.constant 0 : i32
    %dma_wait3A_312 = tpu.memref_slice %arg12[%dma_wait3A_310, %dma_wait3A_311] : memref<10240x128xf32, #tpu.memory_space<vmem_shared>> -> memref<80x128xf32, #tpu.memory_space<vmem_shared>>
    %dma_wait3A_313 = arith.constant 0 : i32
    %dma_wait3A_314 = arith.constant 0 : i32
    %dma_wait3A_315 = tpu.memref_slice %arg8[%dma_wait3A_302, %dma_wait3A_313, %dma_wait3A_314] : memref<3x120x128xf32, #tpu.memory_space<vmem>> -> memref<1x80x128xf32, #tpu.memory_space<vmem>>
    %dma_wait3A_316 = tpu.memref_squeeze %dma_wait3A_315 : memref<1x80x128xf32, #tpu.memory_space<vmem>> -> memref<80x128xf32, #tpu.memory_space<vmem>>
    tpu.wait_dma2 semaphore(%arg17 : memref<!tpu.dma_semaphore, #tpu.memory_space<semaphore_mem>>) src(%dma_wait3A_316 : memref<80x128xf32, #tpu.memory_space<vmem>>) dst(%dma_wait3A_312 : memref<80x128xf32, #tpu.memory_space<vmem_shared>>)
    %dma_wait3A_317 = arith.constant 0 : i32
    %dma_wait3A_318 = arith.constant 0 : i32
    %dma_wait3A_319 = arith.constant 0 : i32
    %dma_wait3A_320 = tpu.memref_slice %arg8[%dma_wait3A_317, %dma_wait3A_318, %dma_wait3A_319] : memref<3x120x128xf32, #tpu.memory_space<vmem>> -> memref<1x80x128xf32, #tpu.memory_space<vmem>>
    %dma_wait3A_321 = tpu.memref_squeeze %dma_wait3A_320 : memref<1x80x128xf32, #tpu.memory_space<vmem>> -> memref<80x128xf32, #tpu.memory_space<vmem>>
    %dma_wait3A_322 = arith.constant 0 : i32
    %dma_wait3A_323 = arith.constant 0 : i32
    %dma_wait3A_324 = tpu.memref_slice %arg12[%dma_wait3A_322, %dma_wait3A_323] : memref<10240x128xf32, #tpu.memory_space<vmem_shared>> -> memref<80x128xf32, #tpu.memory_space<vmem_shared>>
    %dma_wait3A_325 = arith.constant 0 : i32
    %dma_wait3A_326 = arith.constant 0 : i32
    %dma_wait3A_327 = tpu.memref_slice %arg12[%dma_wait3A_325, %dma_wait3A_326] : memref<10240x128xf32, #tpu.memory_space<vmem_shared>> -> memref<80x128xf32, #tpu.memory_space<vmem_shared>>
    %dma_wait3A_328 = arith.constant 0 : i32
    %dma_wait3A_329 = arith.constant 0 : i32
    %dma_wait3A_330 = tpu.memref_slice %arg8[%dma_wait3A_317, %dma_wait3A_328, %dma_wait3A_329] : memref<3x120x128xf32, #tpu.memory_space<vmem>> -> memref<1x80x128xf32, #tpu.memory_space<vmem>>
    %dma_wait3A_331 = tpu.memref_squeeze %dma_wait3A_330 : memref<1x80x128xf32, #tpu.memory_space<vmem>> -> memref<80x128xf32, #tpu.memory_space<vmem>>
    tpu.wait_dma2 semaphore(%arg17 : memref<!tpu.dma_semaphore, #tpu.memory_space<semaphore_mem>>) src(%dma_wait3A_331 : memref<80x128xf32, #tpu.memory_space<vmem>>) dst(%dma_wait3A_327 : memref<80x128xf32, #tpu.memory_space<vmem_shared>>)
    %dma_wait3A_332 = arith.constant 0 : i32
    %dma_wait3A_333 = arith.constant 0 : i32
    %dma_wait3A_334 = arith.constant 0 : i32
    %dma_wait3A_335 = tpu.memref_slice %arg8[%dma_wait3A_332, %dma_wait3A_333, %dma_wait3A_334] : memref<3x120x128xf32, #tpu.memory_space<vmem>> -> memref<1x80x128xf32, #tpu.memory_space<vmem>>
    %dma_wait3A_336 = tpu.memref_squeeze %dma_wait3A_335 : memref<1x80x128xf32, #tpu.memory_space<vmem>> -> memref<80x128xf32, #tpu.memory_space<vmem>>
    %dma_wait3A_337 = arith.constant 0 : i32
    %dma_wait3A_338 = arith.constant 0 : i32
    %dma_wait3A_339 = tpu.memref_slice %arg12[%dma_wait3A_337, %dma_wait3A_338] : memref<10240x128xf32, #tpu.memory_space<vmem_shared>> -> memref<80x128xf32, #tpu.memory_space<vmem_shared>>
    %dma_wait3A_340 = arith.constant 0 : i32
    %dma_wait3A_341 = arith.constant 0 : i32
    %dma_wait3A_342 = tpu.memref_slice %arg12[%dma_wait3A_340, %dma_wait3A_341] : memref<10240x128xf32, #tpu.memory_space<vmem_shared>> -> memref<80x128xf32, #tpu.memory_space<vmem_shared>>
    %dma_wait3A_343 = arith.constant 0 : i32
    %dma_wait3A_344 = arith.constant 0 : i32
    %dma_wait3A_345 = tpu.memref_slice %arg8[%dma_wait3A_332, %dma_wait3A_343, %dma_wait3A_344] : memref<3x120x128xf32, #tpu.memory_space<vmem>> -> memref<1x80x128xf32, #tpu.memory_space<vmem>>
    %dma_wait3A_346 = tpu.memref_squeeze %dma_wait3A_345 : memref<1x80x128xf32, #tpu.memory_space<vmem>> -> memref<80x128xf32, #tpu.memory_space<vmem>>
    tpu.wait_dma2 semaphore(%arg17 : memref<!tpu.dma_semaphore, #tpu.memory_space<semaphore_mem>>) src(%dma_wait3A_346 : memref<80x128xf32, #tpu.memory_space<vmem>>) dst(%dma_wait3A_342 : memref<80x128xf32, #tpu.memory_space<vmem_shared>>)
    %dma_wait3A_347 = arith.constant 0 : i32
    %dma_wait3A_348 = arith.constant 0 : i32
    %dma_wait3A_349 = arith.constant 0 : i32
    %dma_wait3A_350 = tpu.memref_slice %arg8[%dma_wait3A_347, %dma_wait3A_348, %dma_wait3A_349] : memref<3x120x128xf32, #tpu.memory_space<vmem>> -> memref<1x80x128xf32, #tpu.memory_space<vmem>>
    %dma_wait3A_351 = tpu.memref_squeeze %dma_wait3A_350 : memref<1x80x128xf32, #tpu.memory_space<vmem>> -> memref<80x128xf32, #tpu.memory_space<vmem>>
    %dma_wait3A_352 = arith.constant 0 : i32
    %dma_wait3A_353 = arith.constant 0 : i32
    %dma_wait3A_354 = tpu.memref_slice %arg12[%dma_wait3A_352, %dma_wait3A_353] : memref<10240x128xf32, #tpu.memory_space<vmem_shared>> -> memref<80x128xf32, #tpu.memory_space<vmem_shared>>
    %dma_wait3A_355 = arith.constant 0 : i32
    %dma_wait3A_356 = arith.constant 0 : i32
    %dma_wait3A_357 = tpu.memref_slice %arg12[%dma_wait3A_355, %dma_wait3A_356] : memref<10240x128xf32, #tpu.memory_space<vmem_shared>> -> memref<80x128xf32, #tpu.memory_space<vmem_shared>>
    %dma_wait3A_358 = arith.constant 0 : i32
    %dma_wait3A_359 = arith.constant 0 : i32
    %dma_wait3A_360 = tpu.memref_slice %arg8[%dma_wait3A_347, %dma_wait3A_358, %dma_wait3A_359] : memref<3x120x128xf32, #tpu.memory_space<vmem>> -> memref<1x80x128xf32, #tpu.memory_space<vmem>>
    %dma_wait3A_361 = tpu.memref_squeeze %dma_wait3A_360 : memref<1x80x128xf32, #tpu.memory_space<vmem>> -> memref<80x128xf32, #tpu.memory_space<vmem>>
    tpu.wait_dma2 semaphore(%arg17 : memref<!tpu.dma_semaphore, #tpu.memory_space<semaphore_mem>>) src(%dma_wait3A_361 : memref<80x128xf32, #tpu.memory_space<vmem>>) dst(%dma_wait3A_357 : memref<80x128xf32, #tpu.memory_space<vmem_shared>>)
    %dma_wait3A_362 = arith.constant 0 : i32
    %dma_wait3A_363 = arith.constant 0 : i32
    %dma_wait3A_364 = arith.constant 0 : i32
    %dma_wait3A_365 = tpu.memref_slice %arg8[%dma_wait3A_362, %dma_wait3A_363, %dma_wait3A_364] : memref<3x120x128xf32, #tpu.memory_space<vmem>> -> memref<1x80x128xf32, #tpu.memory_space<vmem>>
    %dma_wait3A_366 = tpu.memref_squeeze %dma_wait3A_365 : memref<1x80x128xf32, #tpu.memory_space<vmem>> -> memref<80x128xf32, #tpu.memory_space<vmem>>
    %dma_wait3A_367 = arith.constant 0 : i32
    %dma_wait3A_368 = arith.constant 0 : i32
    %dma_wait3A_369 = tpu.memref_slice %arg12[%dma_wait3A_367, %dma_wait3A_368] : memref<10240x128xf32, #tpu.memory_space<vmem_shared>> -> memref<80x128xf32, #tpu.memory_space<vmem_shared>>
    %dma_wait3A_370 = arith.constant 0 : i32
    %dma_wait3A_371 = arith.constant 0 : i32
    %dma_wait3A_372 = tpu.memref_slice %arg12[%dma_wait3A_370, %dma_wait3A_371] : memref<10240x128xf32, #tpu.memory_space<vmem_shared>> -> memref<80x128xf32, #tpu.memory_space<vmem_shared>>
    %dma_wait3A_373 = arith.constant 0 : i32
    %dma_wait3A_374 = arith.constant 0 : i32
    %dma_wait3A_375 = tpu.memref_slice %arg8[%dma_wait3A_362, %dma_wait3A_373, %dma_wait3A_374] : memref<3x120x128xf32, #tpu.memory_space<vmem>> -> memref<1x80x128xf32, #tpu.memory_space<vmem>>
    %dma_wait3A_376 = tpu.memref_squeeze %dma_wait3A_375 : memref<1x80x128xf32, #tpu.memory_space<vmem>> -> memref<80x128xf32, #tpu.memory_space<vmem>>
    tpu.wait_dma2 semaphore(%arg17 : memref<!tpu.dma_semaphore, #tpu.memory_space<semaphore_mem>>) src(%dma_wait3A_376 : memref<80x128xf32, #tpu.memory_space<vmem>>) dst(%dma_wait3A_372 : memref<80x128xf32, #tpu.memory_space<vmem_shared>>)
    %dma_wait3A_377 = arith.constant 0 : i32
    %dma_wait3A_378 = arith.constant 0 : i32
    %dma_wait3A_379 = arith.constant 0 : i32
    %dma_wait3A_380 = tpu.memref_slice %arg8[%dma_wait3A_377, %dma_wait3A_378, %dma_wait3A_379] : memref<3x120x128xf32, #tpu.memory_space<vmem>> -> memref<1x80x128xf32, #tpu.memory_space<vmem>>
    %dma_wait3A_381 = tpu.memref_squeeze %dma_wait3A_380 : memref<1x80x128xf32, #tpu.memory_space<vmem>> -> memref<80x128xf32, #tpu.memory_space<vmem>>
    %dma_wait3A_382 = arith.constant 0 : i32
    %dma_wait3A_383 = arith.constant 0 : i32
    %dma_wait3A_384 = tpu.memref_slice %arg12[%dma_wait3A_382, %dma_wait3A_383] : memref<10240x128xf32, #tpu.memory_space<vmem_shared>> -> memref<80x128xf32, #tpu.memory_space<vmem_shared>>
    %dma_wait3A_385 = arith.constant 0 : i32
    %dma_wait3A_386 = arith.constant 0 : i32
    %dma_wait3A_387 = tpu.memref_slice %arg12[%dma_wait3A_385, %dma_wait3A_386] : memref<10240x128xf32, #tpu.memory_space<vmem_shared>> -> memref<80x128xf32, #tpu.memory_space<vmem_shared>>
    %dma_wait3A_388 = arith.constant 0 : i32
    %dma_wait3A_389 = arith.constant 0 : i32
    %dma_wait3A_390 = tpu.memref_slice %arg8[%dma_wait3A_377, %dma_wait3A_388, %dma_wait3A_389] : memref<3x120x128xf32, #tpu.memory_space<vmem>> -> memref<1x80x128xf32, #tpu.memory_space<vmem>>
    %dma_wait3A_391 = tpu.memref_squeeze %dma_wait3A_390 : memref<1x80x128xf32, #tpu.memory_space<vmem>> -> memref<80x128xf32, #tpu.memory_space<vmem>>
    tpu.wait_dma2 semaphore(%arg17 : memref<!tpu.dma_semaphore, #tpu.memory_space<semaphore_mem>>) src(%dma_wait3A_391 : memref<80x128xf32, #tpu.memory_space<vmem>>) dst(%dma_wait3A_387 : memref<80x128xf32, #tpu.memory_space<vmem_shared>>)
    %dma_wait3A_392 = arith.constant 0 : i32
    %dma_wait3A_393 = arith.constant 0 : i32
    %dma_wait3A_394 = arith.constant 0 : i32
    %dma_wait3A_395 = tpu.memref_slice %arg8[%dma_wait3A_392, %dma_wait3A_393, %dma_wait3A_394] : memref<3x120x128xf32, #tpu.memory_space<vmem>> -> memref<1x80x128xf32, #tpu.memory_space<vmem>>
    %dma_wait3A_396 = tpu.memref_squeeze %dma_wait3A_395 : memref<1x80x128xf32, #tpu.memory_space<vmem>> -> memref<80x128xf32, #tpu.memory_space<vmem>>
    %dma_wait3A_397 = arith.constant 0 : i32
    %dma_wait3A_398 = arith.constant 0 : i32
    %dma_wait3A_399 = tpu.memref_slice %arg12[%dma_wait3A_397, %dma_wait3A_398] : memref<10240x128xf32, #tpu.memory_space<vmem_shared>> -> memref<80x128xf32, #tpu.memory_space<vmem_shared>>
    %dma_wait3A_400 = arith.constant 0 : i32
    %dma_wait3A_401 = arith.constant 0 : i32
    %dma_wait3A_402 = tpu.memref_slice %arg12[%dma_wait3A_400, %dma_wait3A_401] : memref<10240x128xf32, #tpu.memory_space<vmem_shared>> -> memref<80x128xf32, #tpu.memory_space<vmem_shared>>
    %dma_wait3A_403 = arith.constant 0 : i32
    %dma_wait3A_404 = arith.constant 0 : i32
    %dma_wait3A_405 = tpu.memref_slice %arg8[%dma_wait3A_392, %dma_wait3A_403, %dma_wait3A_404] : memref<3x120x128xf32, #tpu.memory_space<vmem>> -> memref<1x80x128xf32, #tpu.memory_space<vmem>>
    %dma_wait3A_406 = tpu.memref_squeeze %dma_wait3A_405 : memref<1x80x128xf32, #tpu.memory_space<vmem>> -> memref<80x128xf32, #tpu.memory_space<vmem>>
    tpu.wait_dma2 semaphore(%arg17 : memref<!tpu.dma_semaphore, #tpu.memory_space<semaphore_mem>>) src(%dma_wait3A_406 : memref<80x128xf32, #tpu.memory_space<vmem>>) dst(%dma_wait3A_402 : memref<80x128xf32, #tpu.memory_space<vmem_shared>>)
    %dma_wait3A_407 = arith.constant 0 : i32
    %dma_wait3A_408 = arith.constant 0 : i32
    %dma_wait3A_409 = arith.constant 0 : i32
    %dma_wait3A_410 = tpu.memref_slice %arg8[%dma_wait3A_407, %dma_wait3A_408, %dma_wait3A_409] : memref<3x120x128xf32, #tpu.memory_space<vmem>> -> memref<1x80x128xf32, #tpu.memory_space<vmem>>
    %dma_wait3A_411 = tpu.memref_squeeze %dma_wait3A_410 : memref<1x80x128xf32, #tpu.memory_space<vmem>> -> memref<80x128xf32, #tpu.memory_space<vmem>>
    %dma_wait3A_412 = arith.constant 0 : i32
    %dma_wait3A_413 = arith.constant 0 : i32
    %dma_wait3A_414 = tpu.memref_slice %arg12[%dma_wait3A_412, %dma_wait3A_413] : memref<10240x128xf32, #tpu.memory_space<vmem_shared>> -> memref<80x128xf32, #tpu.memory_space<vmem_shared>>
    %dma_wait3A_415 = arith.constant 0 : i32
    %dma_wait3A_416 = arith.constant 0 : i32
    %dma_wait3A_417 = tpu.memref_slice %arg12[%dma_wait3A_415, %dma_wait3A_416] : memref<10240x128xf32, #tpu.memory_space<vmem_shared>> -> memref<80x128xf32, #tpu.memory_space<vmem_shared>>
    %dma_wait3A_418 = arith.constant 0 : i32
    %dma_wait3A_419 = arith.constant 0 : i32
    %dma_wait3A_420 = tpu.memref_slice %arg8[%dma_wait3A_407, %dma_wait3A_418, %dma_wait3A_419] : memref<3x120x128xf32, #tpu.memory_space<vmem>> -> memref<1x80x128xf32, #tpu.memory_space<vmem>>
    %dma_wait3A_421 = tpu.memref_squeeze %dma_wait3A_420 : memref<1x80x128xf32, #tpu.memory_space<vmem>> -> memref<80x128xf32, #tpu.memory_space<vmem>>
    tpu.wait_dma2 semaphore(%arg17 : memref<!tpu.dma_semaphore, #tpu.memory_space<semaphore_mem>>) src(%dma_wait3A_421 : memref<80x128xf32, #tpu.memory_space<vmem>>) dst(%dma_wait3A_417 : memref<80x128xf32, #tpu.memory_space<vmem_shared>>)
    %dma_wait3A_422 = arith.constant 0 : i32
    %dma_wait3A_423 = arith.constant 0 : i32
    %dma_wait3A_424 = arith.constant 0 : i32
    %dma_wait3A_425 = tpu.memref_slice %arg8[%dma_wait3A_422, %dma_wait3A_423, %dma_wait3A_424] : memref<3x120x128xf32, #tpu.memory_space<vmem>> -> memref<1x1x128xf32, #tpu.memory_space<vmem>>
    %dma_wait3A_426 = tpu.memref_squeeze %dma_wait3A_425 : memref<1x1x128xf32, #tpu.memory_space<vmem>> -> memref<128xf32, #tpu.memory_space<vmem>>
    %dma_wait3A_427 = arith.constant 0 : i32
    %dma_wait3A_428 = tpu.memref_slice %arg13[%dma_wait3A_427] : memref<10240xf32, #tpu.memory_space<vmem_shared>> -> memref<128xf32, #tpu.memory_space<vmem_shared>>
    %dma_wait3A_429 = arith.constant 0 : i32
    %dma_wait3A_430 = tpu.memref_slice %arg13[%dma_wait3A_429] : memref<10240xf32, #tpu.memory_space<vmem_shared>> -> memref<128xf32, #tpu.memory_space<vmem_shared>>
    %dma_wait3A_431 = arith.constant 0 : i32
    %dma_wait3A_432 = tpu.memref_slice %arg8[%dma_wait3A_422, %dma_wait3A_423, %dma_wait3A_431] : memref<3x120x128xf32, #tpu.memory_space<vmem>> -> memref<1x1x128xf32, #tpu.memory_space<vmem>>
    %dma_wait3A_433 = tpu.memref_squeeze %dma_wait3A_432 : memref<1x1x128xf32, #tpu.memory_space<vmem>> -> memref<128xf32, #tpu.memory_space<vmem>>
    tpu.wait_dma2 semaphore(%arg17 : memref<!tpu.dma_semaphore, #tpu.memory_space<semaphore_mem>>) src(%dma_wait3A_433 : memref<128xf32, #tpu.memory_space<vmem>>) dst(%dma_wait3A_430 : memref<128xf32, #tpu.memory_space<vmem_shared>>)
    %dma_wait3A_434 = arith.constant 0 : i32
    %dma_wait3A_435 = arith.constant 0 : i32
    %dma_wait3A_436 = arith.constant 0 : i32
    %dma_wait3A_437 = tpu.memref_slice %arg8[%dma_wait3A_434, %dma_wait3A_435, %dma_wait3A_436] : memref<3x120x128xf32, #tpu.memory_space<vmem>> -> memref<1x1x128xf32, #tpu.memory_space<vmem>>
    %dma_wait3A_438 = tpu.memref_squeeze %dma_wait3A_437 : memref<1x1x128xf32, #tpu.memory_space<vmem>> -> memref<128xf32, #tpu.memory_space<vmem>>
    %dma_wait3A_439 = arith.constant 0 : i32
    %dma_wait3A_440 = tpu.memref_slice %arg13[%dma_wait3A_439] : memref<10240xf32, #tpu.memory_space<vmem_shared>> -> memref<128xf32, #tpu.memory_space<vmem_shared>>
    %dma_wait3A_441 = arith.constant 0 : i32
    %dma_wait3A_442 = tpu.memref_slice %arg13[%dma_wait3A_441] : memref<10240xf32, #tpu.memory_space<vmem_shared>> -> memref<128xf32, #tpu.memory_space<vmem_shared>>
    %dma_wait3A_443 = arith.constant 0 : i32
    %dma_wait3A_444 = tpu.memref_slice %arg8[%dma_wait3A_434, %dma_wait3A_435, %dma_wait3A_443] : memref<3x120x128xf32, #tpu.memory_space<vmem>> -> memref<1x1x128xf32, #tpu.memory_space<vmem>>
    %dma_wait3A_445 = tpu.memref_squeeze %dma_wait3A_444 : memref<1x1x128xf32, #tpu.memory_space<vmem>> -> memref<128xf32, #tpu.memory_space<vmem>>
    tpu.wait_dma2 semaphore(%arg17 : memref<!tpu.dma_semaphore, #tpu.memory_space<semaphore_mem>>) src(%dma_wait3A_445 : memref<128xf32, #tpu.memory_space<vmem>>) dst(%dma_wait3A_442 : memref<128xf32, #tpu.memory_space<vmem_shared>>)
    %dma_wait3A_446 = arith.constant 0 : i32
    %dma_wait3A_447 = arith.constant 0 : i32
    %dma_wait3A_448 = arith.constant 0 : i32
    %dma_wait3A_449 = tpu.memref_slice %arg8[%dma_wait3A_446, %dma_wait3A_447, %dma_wait3A_448] : memref<3x120x128xf32, #tpu.memory_space<vmem>> -> memref<1x1x128xf32, #tpu.memory_space<vmem>>
    %dma_wait3A_450 = tpu.memref_squeeze %dma_wait3A_449 : memref<1x1x128xf32, #tpu.memory_space<vmem>> -> memref<128xf32, #tpu.memory_space<vmem>>
    %dma_wait3A_451 = arith.constant 0 : i32
    %dma_wait3A_452 = tpu.memref_slice %arg13[%dma_wait3A_451] : memref<10240xf32, #tpu.memory_space<vmem_shared>> -> memref<128xf32, #tpu.memory_space<vmem_shared>>
    %dma_wait3A_453 = arith.constant 0 : i32
    %dma_wait3A_454 = tpu.memref_slice %arg13[%dma_wait3A_453] : memref<10240xf32, #tpu.memory_space<vmem_shared>> -> memref<128xf32, #tpu.memory_space<vmem_shared>>
    %dma_wait3A_455 = arith.constant 0 : i32
    %dma_wait3A_456 = tpu.memref_slice %arg8[%dma_wait3A_446, %dma_wait3A_447, %dma_wait3A_455] : memref<3x120x128xf32, #tpu.memory_space<vmem>> -> memref<1x1x128xf32, #tpu.memory_space<vmem>>
    %dma_wait3A_457 = tpu.memref_squeeze %dma_wait3A_456 : memref<1x1x128xf32, #tpu.memory_space<vmem>> -> memref<128xf32, #tpu.memory_space<vmem>>
    tpu.wait_dma2 semaphore(%arg17 : memref<!tpu.dma_semaphore, #tpu.memory_space<semaphore_mem>>) src(%dma_wait3A_457 : memref<128xf32, #tpu.memory_space<vmem>>) dst(%dma_wait3A_454 : memref<128xf32, #tpu.memory_space<vmem_shared>>)
    %dma_wait3A_458 = arith.constant 0 : i32
    %dma_wait3A_459 = arith.constant 0 : i32
    %dma_wait3A_460 = arith.constant 0 : i32
    %dma_wait3A_461 = tpu.memref_slice %arg8[%dma_wait3A_458, %dma_wait3A_459, %dma_wait3A_460] : memref<3x120x128xf32, #tpu.memory_space<vmem>> -> memref<1x1x128xf32, #tpu.memory_space<vmem>>
    %dma_wait3A_462 = tpu.memref_squeeze %dma_wait3A_461 : memref<1x1x128xf32, #tpu.memory_space<vmem>> -> memref<128xf32, #tpu.memory_space<vmem>>
    %dma_wait3A_463 = arith.constant 0 : i32
    %dma_wait3A_464 = tpu.memref_slice %arg13[%dma_wait3A_463] : memref<10240xf32, #tpu.memory_space<vmem_shared>> -> memref<128xf32, #tpu.memory_space<vmem_shared>>
    %dma_wait3A_465 = arith.constant 0 : i32
    %dma_wait3A_466 = tpu.memref_slice %arg13[%dma_wait3A_465] : memref<10240xf32, #tpu.memory_space<vmem_shared>> -> memref<128xf32, #tpu.memory_space<vmem_shared>>
    %dma_wait3A_467 = arith.constant 0 : i32
    %dma_wait3A_468 = tpu.memref_slice %arg8[%dma_wait3A_458, %dma_wait3A_459, %dma_wait3A_467] : memref<3x120x128xf32, #tpu.memory_space<vmem>> -> memref<1x1x128xf32, #tpu.memory_space<vmem>>
    %dma_wait3A_469 = tpu.memref_squeeze %dma_wait3A_468 : memref<1x1x128xf32, #tpu.memory_space<vmem>> -> memref<128xf32, #tpu.memory_space<vmem>>
    tpu.wait_dma2 semaphore(%arg17 : memref<!tpu.dma_semaphore, #tpu.memory_space<semaphore_mem>>) src(%dma_wait3A_469 : memref<128xf32, #tpu.memory_space<vmem>>) dst(%dma_wait3A_466 : memref<128xf32, #tpu.memory_space<vmem_shared>>)
    %dma_wait3A_470 = arith.constant 0 : i32
    %dma_wait3A_471 = arith.constant 0 : i32
    %dma_wait3A_472 = arith.constant 0 : i32
    %dma_wait3A_473 = tpu.memref_slice %arg8[%dma_wait3A_470, %dma_wait3A_471, %dma_wait3A_472] : memref<3x120x128xf32, #tpu.memory_space<vmem>> -> memref<1x1x128xf32, #tpu.memory_space<vmem>>
    %dma_wait3A_474 = tpu.memref_squeeze %dma_wait3A_473 : memref<1x1x128xf32, #tpu.memory_space<vmem>> -> memref<128xf32, #tpu.memory_space<vmem>>
    %dma_wait3A_475 = arith.constant 0 : i32
    %dma_wait3A_476 = tpu.memref_slice %arg13[%dma_wait3A_475] : memref<10240xf32, #tpu.memory_space<vmem_shared>> -> memref<128xf32, #tpu.memory_space<vmem_shared>>
    %dma_wait3A_477 = arith.constant 0 : i32
    %dma_wait3A_478 = tpu.memref_slice %arg13[%dma_wait3A_477] : memref<10240xf32, #tpu.memory_space<vmem_shared>> -> memref<128xf32, #tpu.memory_space<vmem_shared>>
    %dma_wait3A_479 = arith.constant 0 : i32
    %dma_wait3A_480 = tpu.memref_slice %arg8[%dma_wait3A_470, %dma_wait3A_471, %dma_wait3A_479] : memref<3x120x128xf32, #tpu.memory_space<vmem>> -> memref<1x1x128xf32, #tpu.memory_space<vmem>>
    %dma_wait3A_481 = tpu.memref_squeeze %dma_wait3A_480 : memref<1x1x128xf32, #tpu.memory_space<vmem>> -> memref<128xf32, #tpu.memory_space<vmem>>
    tpu.wait_dma2 semaphore(%arg17 : memref<!tpu.dma_semaphore, #tpu.memory_space<semaphore_mem>>) src(%dma_wait3A_481 : memref<128xf32, #tpu.memory_space<vmem>>) dst(%dma_wait3A_478 : memref<128xf32, #tpu.memory_space<vmem_shared>>)
    %barrier3A = arith.constant 0 : index
    tpu.barrier barrier_id(%barrier3A)
    %dma_start3A_482 = arith.constant 0 : i32
    %dma_start3A_483 = arith.constant 0 : i32
    %dma_start3A_484 = arith.constant 0 : i32
    %dma_start3A_485 = arith.constant 0 : i32
    %dma_start3A_486 = tpu.memref_slice %arg8[%dma_start3A_483, %dma_start3A_484, %dma_start3A_485] : memref<3x120x128xf32, #tpu.memory_space<vmem>> -> memref<1x120x128xf32, #tpu.memory_space<vmem>>
    %dma_start3A_487 = tpu.memref_squeeze %dma_start3A_486 : memref<1x120x128xf32, #tpu.memory_space<vmem>> -> memref<120x128xf32, #tpu.memory_space<vmem>>
    %dma_start3A_488 = arith.constant 0 : i32
    %dma_start3A_489 = tpu.memref_slice %arg6[%dma_start3A_482, %dma_start3A_488] : memref<3x120xi32, #tpu.memory_space<vmem>> -> memref<1x120xi32, #tpu.memory_space<vmem>>
    %dma_start3A_490 = tpu.memref_squeeze %dma_start3A_489 : memref<1x120xi32, #tpu.memory_space<vmem>> -> memref<120xi32, #tpu.memory_space<vmem>>
    %dma_start3A_491 = arith.constant 0 : i32
    %dma_start3A_492 = arith.constant 0 : i32
    %dma_start3A_493 = tpu.memref_slice %arg2[%dma_start3A_491, %dma_start3A_492] : memref<10000x128xf32, #tpu.memory_space<hbm>> -> memref<10000x128xf32, #tpu.memory_space<hbm>>
    tpu.enqueue_indirect_dma source(%dma_start3A_493 : memref<10000x128xf32, #tpu.memory_space<hbm>>) target(%dma_start3A_487 : memref<120x128xf32, #tpu.memory_space<vmem>>) offsets(%dma_start3A_490 : memref<120xi32, #tpu.memory_space<vmem>>) semaphore(%arg15 : memref<!tpu.dma_semaphore, #tpu.memory_space<semaphore_mem>>)
    %add3A_494 = arith.constant 240 : i32
    %add3A_495 = arith.addi %mul3A_4, %add3A_494 : i32
    %add3A_496 = arith.constant 320000 : i32
    %add3A_497 = arith.addi %add3A_496, %add3A_495 : i32
    %dma_start3A_498 = arith.constant 2 : i32
    %dma_start3A_499 = arith.constant 0 : i32
    %dma_start3A_500 = tpu.memref_slice %arg6[%dma_start3A_498, %dma_start3A_499] : memref<3x120xi32, #tpu.memory_space<vmem>> -> memref<1x120xi32, #tpu.memory_space<vmem>>
    %dma_start3A_501 = tpu.memref_squeeze %dma_start3A_500 : memref<1x120xi32, #tpu.memory_space<vmem>> -> memref<120xi32, #tpu.memory_space<vmem>>
    %dma_start3A_502 = tpu.memref_slice %arg3[%add3A_497] : memref<640000xi32, #tpu.memory_space<hbm>> -> memref<120xi32, #tpu.memory_space<hbm>>
    %dma_start3A_503 = arith.constant 0 : i32
    %dma_start3A_504 = tpu.memref_slice %arg6[%dma_start3A_498, %dma_start3A_503] : memref<3x120xi32, #tpu.memory_space<vmem>> -> memref<1x120xi32, #tpu.memory_space<vmem>>
    %dma_start3A_505 = tpu.memref_squeeze %dma_start3A_504 : memref<1x120xi32, #tpu.memory_space<vmem>> -> memref<120xi32, #tpu.memory_space<vmem>>
    %dma_start3A_506 = tpu.memref_slice %arg3[%add3A_497] : memref<640000xi32, #tpu.memory_space<hbm>> -> memref<120xi32, #tpu.memory_space<hbm>>
    tpu.enqueue_dma source(%dma_start3A_506 : memref<120xi32, #tpu.memory_space<hbm>>) target(%dma_start3A_505 : memref<120xi32, #tpu.memory_space<vmem>>) target_semaphore(%arg14 : memref<!tpu.dma_semaphore, #tpu.memory_space<semaphore_mem>>)
    %dma_start3A_507 = arith.constant 2 : i32
    %dma_start3A_508 = arith.constant 0 : i32
    %dma_start3A_509 = tpu.memref_slice %arg7[%dma_start3A_507, %dma_start3A_508] : memref<6x120xi32, #tpu.memory_space<vmem>> -> memref<1x120xi32, #tpu.memory_space<vmem>>
    %dma_start3A_510 = tpu.memref_squeeze %dma_start3A_509 : memref<1x120xi32, #tpu.memory_space<vmem>> -> memref<120xi32, #tpu.memory_space<vmem>>
    %dma_start3A_511 = tpu.memref_slice %arg3[%add3A_495] : memref<640000xi32, #tpu.memory_space<hbm>> -> memref<120xi32, #tpu.memory_space<hbm>>
    %dma_start3A_512 = arith.constant 0 : i32
    %dma_start3A_513 = tpu.memref_slice %arg7[%dma_start3A_507, %dma_start3A_512] : memref<6x120xi32, #tpu.memory_space<vmem>> -> memref<1x120xi32, #tpu.memory_space<vmem>>
    %dma_start3A_514 = tpu.memref_squeeze %dma_start3A_513 : memref<1x120xi32, #tpu.memory_space<vmem>> -> memref<120xi32, #tpu.memory_space<vmem>>
    %dma_start3A_515 = tpu.memref_slice %arg3[%add3A_495] : memref<640000xi32, #tpu.memory_space<hbm>> -> memref<120xi32, #tpu.memory_space<hbm>>
    tpu.enqueue_dma source(%dma_start3A_515 : memref<120xi32, #tpu.memory_space<hbm>>) target(%dma_start3A_514 : memref<120xi32, #tpu.memory_space<vmem>>) target_semaphore(%arg14 : memref<!tpu.dma_semaphore, #tpu.memory_space<semaphore_mem>>)
    %dma_wait3A_516 = arith.constant 0 : i32
    %dma_wait3A_517 = arith.constant 0 : i32
    %dma_wait3A_518 = tpu.memref_slice %arg6[%dma_wait3A_516, %dma_wait3A_517] : memref<3x120xi32, #tpu.memory_space<vmem>> -> memref<1x120xi32, #tpu.memory_space<vmem>>
    %dma_wait3A_519 = tpu.memref_squeeze %dma_wait3A_518 : memref<1x120xi32, #tpu.memory_space<vmem>> -> memref<120xi32, #tpu.memory_space<vmem>>
    %dma_wait3A_520 = arith.constant 0 : i32
    %dma_wait3A_521 = tpu.memref_slice %arg3[%dma_wait3A_520] : memref<640000xi32, #tpu.memory_space<hbm>> -> memref<120xi32, #tpu.memory_space<hbm>>
    %dma_wait3A_522 = arith.constant 0 : i32
    %dma_wait3A_523 = tpu.memref_slice %arg6[%dma_wait3A_516, %dma_wait3A_522] : memref<3x120xi32, #tpu.memory_space<vmem>> -> memref<1x120xi32, #tpu.memory_space<vmem>>
    %dma_wait3A_524 = tpu.memref_squeeze %dma_wait3A_523 : memref<1x120xi32, #tpu.memory_space<vmem>> -> memref<120xi32, #tpu.memory_space<vmem>>
    %dma_wait3A_525 = arith.constant 0 : i32
    %dma_wait3A_526 = tpu.memref_slice %arg3[%dma_wait3A_525] : memref<640000xi32, #tpu.memory_space<hbm>> -> memref<120xi32, #tpu.memory_space<hbm>>
    tpu.wait_dma2 semaphore(%arg14 : memref<!tpu.dma_semaphore, #tpu.memory_space<semaphore_mem>>) src(%dma_wait3A_526 : memref<120xi32, #tpu.memory_space<hbm>>) dst(%dma_wait3A_524 : memref<120xi32, #tpu.memory_space<vmem>>)
    %dma_wait3A_527 = arith.constant 0 : i32
    %dma_wait3A_528 = arith.constant 0 : i32
    %dma_wait3A_529 = tpu.memref_slice %arg7[%dma_wait3A_527, %dma_wait3A_528] : memref<6x120xi32, #tpu.memory_space<vmem>> -> memref<1x120xi32, #tpu.memory_space<vmem>>
    %dma_wait3A_530 = tpu.memref_squeeze %dma_wait3A_529 : memref<1x120xi32, #tpu.memory_space<vmem>> -> memref<120xi32, #tpu.memory_space<vmem>>
    %dma_wait3A_531 = arith.constant 0 : i32
    %dma_wait3A_532 = tpu.memref_slice %arg3[%dma_wait3A_531] : memref<640000xi32, #tpu.memory_space<hbm>> -> memref<120xi32, #tpu.memory_space<hbm>>
    %dma_wait3A_533 = arith.constant 0 : i32
    %dma_wait3A_534 = tpu.memref_slice %arg7[%dma_wait3A_527, %dma_wait3A_533] : memref<6x120xi32, #tpu.memory_space<vmem>> -> memref<1x120xi32, #tpu.memory_space<vmem>>
    %dma_wait3A_535 = tpu.memref_squeeze %dma_wait3A_534 : memref<1x120xi32, #tpu.memory_space<vmem>> -> memref<120xi32, #tpu.memory_space<vmem>>
    %dma_wait3A_536 = arith.constant 0 : i32
    %dma_wait3A_537 = tpu.memref_slice %arg3[%dma_wait3A_536] : memref<640000xi32, #tpu.memory_space<hbm>> -> memref<120xi32, #tpu.memory_space<hbm>>
    tpu.wait_dma2 semaphore(%arg14 : memref<!tpu.dma_semaphore, #tpu.memory_space<semaphore_mem>>) src(%dma_wait3A_537 : memref<120xi32, #tpu.memory_space<hbm>>) dst(%dma_wait3A_535 : memref<120xi32, #tpu.memory_space<vmem>>)
    %dma_start3A_538 = arith.constant 1 : i32
    %dma_start3A_539 = arith.constant 1 : i32
    %dma_start3A_540 = arith.constant 0 : i32
    %dma_start3A_541 = arith.constant 0 : i32
    %dma_start3A_542 = tpu.memref_slice %arg8[%dma_start3A_539, %dma_start3A_540, %dma_start3A_541] : memref<3x120x128xf32, #tpu.memory_space<vmem>> -> memref<1x120x128xf32, #tpu.memory_space<vmem>>
    %dma_start3A_543 = tpu.memref_squeeze %dma_start3A_542 : memref<1x120x128xf32, #tpu.memory_space<vmem>> -> memref<120x128xf32, #tpu.memory_space<vmem>>
    %dma_start3A_544 = arith.constant 0 : i32
    %dma_start3A_545 = tpu.memref_slice %arg6[%dma_start3A_538, %dma_start3A_544] : memref<3x120xi32, #tpu.memory_space<vmem>> -> memref<1x120xi32, #tpu.memory_space<vmem>>
    %dma_start3A_546 = tpu.memref_squeeze %dma_start3A_545 : memref<1x120xi32, #tpu.memory_space<vmem>> -> memref<120xi32, #tpu.memory_space<vmem>>
    %dma_start3A_547 = arith.constant 0 : i32
    %dma_start3A_548 = arith.constant 0 : i32
    %dma_start3A_549 = tpu.memref_slice %arg2[%dma_start3A_547, %dma_start3A_548] : memref<10000x128xf32, #tpu.memory_space<hbm>> -> memref<10000x128xf32, #tpu.memory_space<hbm>>
    tpu.enqueue_indirect_dma source(%dma_start3A_549 : memref<10000x128xf32, #tpu.memory_space<hbm>>) target(%dma_start3A_543 : memref<120x128xf32, #tpu.memory_space<vmem>>) offsets(%dma_start3A_546 : memref<120xi32, #tpu.memory_space<vmem>>) semaphore(%arg15 : memref<!tpu.dma_semaphore, #tpu.memory_space<semaphore_mem>>)
    %dma_wait3A_550 = arith.constant 0 : i32
    %dma_wait3A_551 = arith.constant 0 : i32
    %dma_wait3A_552 = arith.constant 0 : i32
    %dma_wait3A_553 = tpu.memref_slice %arg8[%dma_wait3A_550, %dma_wait3A_551, %dma_wait3A_552] : memref<3x120x128xf32, #tpu.memory_space<vmem>> -> memref<1x120x128xf32, #tpu.memory_space<vmem>>
    %dma_wait3A_554 = tpu.memref_squeeze %dma_wait3A_553 : memref<1x120x128xf32, #tpu.memory_space<vmem>> -> memref<120x128xf32, #tpu.memory_space<vmem>>
    %dma_wait3A_555 = arith.constant 0 : i32
    %dma_wait3A_556 = arith.constant 0 : i32
    %dma_wait3A_557 = tpu.memref_slice %arg2[%dma_wait3A_555, %dma_wait3A_556] : memref<10000x128xf32, #tpu.memory_space<hbm>> -> memref<120x128xf32, #tpu.memory_space<hbm>>
    %dma_wait3A_558 = arith.constant 0 : i32
    %dma_wait3A_559 = arith.constant 0 : i32
    %dma_wait3A_560 = tpu.memref_slice %arg8[%dma_wait3A_550, %dma_wait3A_558, %dma_wait3A_559] : memref<3x120x128xf32, #tpu.memory_space<vmem>> -> memref<1x120x128xf32, #tpu.memory_space<vmem>>
    %dma_wait3A_561 = tpu.memref_squeeze %dma_wait3A_560 : memref<1x120x128xf32, #tpu.memory_space<vmem>> -> memref<120x128xf32, #tpu.memory_space<vmem>>
    %dma_wait3A_562 = arith.constant 0 : i32
    %dma_wait3A_563 = arith.constant 0 : i32
    %dma_wait3A_564 = tpu.memref_slice %arg2[%dma_wait3A_562, %dma_wait3A_563] : memref<10000x128xf32, #tpu.memory_space<hbm>> -> memref<120x128xf32, #tpu.memory_space<hbm>>
    tpu.wait_dma2 semaphore(%arg15 : memref<!tpu.dma_semaphore, #tpu.memory_space<semaphore_mem>>) src(%dma_wait3A_564 : memref<120x128xf32, #tpu.memory_space<hbm>>) dst(%dma_wait3A_561 : memref<120x128xf32, #tpu.memory_space<vmem>>)
    %dma_start3A_565 = arith.constant 0 : i32
    %dma_start3A_566 = arith.constant 0 : i32
    %dma_start3A_567 = arith.constant 0 : i32
    %dma_start3A_568 = arith.constant 0 : i32
    %dma_start3A_569 = tpu.memref_slice %arg8[%dma_start3A_565, %dma_start3A_567, %dma_start3A_568] : memref<3x120x128xf32, #tpu.memory_space<vmem>> -> memref<1x120x128xf32, #tpu.memory_space<vmem>>
    %dma_start3A_570 = tpu.memref_squeeze %dma_start3A_569 : memref<1x120x128xf32, #tpu.memory_space<vmem>> -> memref<120x128xf32, #tpu.memory_space<vmem>>
    %dma_start3A_571 = arith.constant 0 : i32
    %dma_start3A_572 = tpu.memref_slice %arg7[%dma_start3A_566, %dma_start3A_571] : memref<6x120xi32, #tpu.memory_space<vmem>> -> memref<1x120xi32, #tpu.memory_space<vmem>>
    %dma_start3A_573 = tpu.memref_squeeze %dma_start3A_572 : memref<1x120xi32, #tpu.memory_space<vmem>> -> memref<120xi32, #tpu.memory_space<vmem>>
    %dma_start3A_574 = arith.constant 0 : i32
    %dma_start3A_575 = arith.constant 0 : i32
    %dma_start3A_576 = tpu.memref_slice %arg12[%dma_start3A_574, %dma_start3A_575] : memref<10240x128xf32, #tpu.memory_space<vmem_shared>> -> memref<10240x128xf32, #tpu.memory_space<vmem_shared>>
    tpu.enqueue_indirect_dma source(%dma_start3A_570 : memref<120x128xf32, #tpu.memory_space<vmem>>) target(%dma_start3A_576 : memref<10240x128xf32, #tpu.memory_space<vmem_shared>>) offsets(%dma_start3A_573 : memref<120xi32, #tpu.memory_space<vmem>>) semaphore(%arg16 : memref<!tpu.dma_semaphore, #tpu.memory_space<semaphore_mem>>) {add = true}
    %dma_start3A_577 = arith.constant 0 : i32
    %dma_start3A_578 = arith.constant 0 : i32
    %dma_start3A_579 = tpu.memref_slice %arg9[%dma_start3A_578] : memref<136xf32, #tpu.memory_space<vmem>> -> memref<120xf32, #tpu.memory_space<vmem>>
    %dma_start3A_580 = arith.constant 0 : i32
    %dma_start3A_581 = tpu.memref_slice %arg7[%dma_start3A_577, %dma_start3A_580] : memref<6x120xi32, #tpu.memory_space<vmem>> -> memref<1x120xi32, #tpu.memory_space<vmem>>
    %dma_start3A_582 = tpu.memref_squeeze %dma_start3A_581 : memref<1x120xi32, #tpu.memory_space<vmem>> -> memref<120xi32, #tpu.memory_space<vmem>>
    %dma_start3A_583 = arith.constant 0 : i32
    %dma_start3A_584 = tpu.memref_slice %arg13[%dma_start3A_583] : memref<10240xf32, #tpu.memory_space<vmem_shared>> -> memref<10240xf32, #tpu.memory_space<vmem_shared>>
    tpu.enqueue_indirect_dma source(%dma_start3A_579 : memref<120xf32, #tpu.memory_space<vmem>>) target(%dma_start3A_584 : memref<10240xf32, #tpu.memory_space<vmem_shared>>) offsets(%dma_start3A_582 : memref<120xi32, #tpu.memory_space<vmem>>) semaphore(%arg16 : memref<!tpu.dma_semaphore, #tpu.memory_space<semaphore_mem>>) {add = true}
    %add3A_585 = arith.constant 360 : i32
    %add3A_586 = arith.addi %mul3A_4, %add3A_585 : i32
    %add3A_587 = arith.constant 320000 : i32
    %add3A_588 = arith.addi %add3A_587, %add3A_586 : i32
    %dma_start3A_589 = arith.constant 0 : i32
    %dma_start3A_590 = arith.constant 0 : i32
    %dma_start3A_591 = tpu.memref_slice %arg6[%dma_start3A_589, %dma_start3A_590] : memref<3x120xi32, #tpu.memory_space<vmem>> -> memref<1x120xi32, #tpu.memory_space<vmem>>
    %dma_start3A_592 = tpu.memref_squeeze %dma_start3A_591 : memref<1x120xi32, #tpu.memory_space<vmem>> -> memref<120xi32, #tpu.memory_space<vmem>>
    %dma_start3A_593 = tpu.memref_slice %arg3[%add3A_588] : memref<640000xi32, #tpu.memory_space<hbm>> -> memref<120xi32, #tpu.memory_space<hbm>>
    %dma_start3A_594 = arith.constant 0 : i32
    %dma_start3A_595 = tpu.memref_slice %arg6[%dma_start3A_589, %dma_start3A_594] : memref<3x120xi32, #tpu.memory_space<vmem>> -> memref<1x120xi32, #tpu.memory_space<vmem>>
    %dma_start3A_596 = tpu.memref_squeeze %dma_start3A_595 : memref<1x120xi32, #tpu.memory_space<vmem>> -> memref<120xi32, #tpu.memory_space<vmem>>
    %dma_start3A_597 = tpu.memref_slice %arg3[%add3A_588] : memref<640000xi32, #tpu.memory_space<hbm>> -> memref<120xi32, #tpu.memory_space<hbm>>
    tpu.enqueue_dma source(%dma_start3A_597 : memref<120xi32, #tpu.memory_space<hbm>>) target(%dma_start3A_596 : memref<120xi32, #tpu.memory_space<vmem>>) target_semaphore(%arg14 : memref<!tpu.dma_semaphore, #tpu.memory_space<semaphore_mem>>)
    %dma_start3A_598 = arith.constant 3 : i32
    %dma_start3A_599 = arith.constant 0 : i32
    %dma_start3A_600 = tpu.memref_slice %arg7[%dma_start3A_598, %dma_start3A_599] : memref<6x120xi32, #tpu.memory_space<vmem>> -> memref<1x120xi32, #tpu.memory_space<vmem>>
    %dma_start3A_601 = tpu.memref_squeeze %dma_start3A_600 : memref<1x120xi32, #tpu.memory_space<vmem>> -> memref<120xi32, #tpu.memory_space<vmem>>
    %dma_start3A_602 = tpu.memref_slice %arg3[%add3A_586] : memref<640000xi32, #tpu.memory_space<hbm>> -> memref<120xi32, #tpu.memory_space<hbm>>
    %dma_start3A_603 = arith.constant 0 : i32
    %dma_start3A_604 = tpu.memref_slice %arg7[%dma_start3A_598, %dma_start3A_603] : memref<6x120xi32, #tpu.memory_space<vmem>> -> memref<1x120xi32, #tpu.memory_space<vmem>>
    %dma_start3A_605 = tpu.memref_squeeze %dma_start3A_604 : memref<1x120xi32, #tpu.memory_space<vmem>> -> memref<120xi32, #tpu.memory_space<vmem>>
    %dma_start3A_606 = tpu.memref_slice %arg3[%add3A_586] : memref<640000xi32, #tpu.memory_space<hbm>> -> memref<120xi32, #tpu.memory_space<hbm>>
    tpu.enqueue_dma source(%dma_start3A_606 : memref<120xi32, #tpu.memory_space<hbm>>) target(%dma_start3A_605 : memref<120xi32, #tpu.memory_space<vmem>>) target_semaphore(%arg14 : memref<!tpu.dma_semaphore, #tpu.memory_space<semaphore_mem>>)
    %dma_wait3A_607 = arith.constant 0 : i32
    %dma_wait3A_608 = arith.constant 0 : i32
    %dma_wait3A_609 = tpu.memref_slice %arg6[%dma_wait3A_607, %dma_wait3A_608] : memref<3x120xi32, #tpu.memory_space<vmem>> -> memref<1x120xi32, #tpu.memory_space<vmem>>
    %dma_wait3A_610 = tpu.memref_squeeze %dma_wait3A_609 : memref<1x120xi32, #tpu.memory_space<vmem>> -> memref<120xi32, #tpu.memory_space<vmem>>
    %dma_wait3A_611 = arith.constant 0 : i32
    %dma_wait3A_612 = tpu.memref_slice %arg3[%dma_wait3A_611] : memref<640000xi32, #tpu.memory_space<hbm>> -> memref<120xi32, #tpu.memory_space<hbm>>
    %dma_wait3A_613 = arith.constant 0 : i32
    %dma_wait3A_614 = tpu.memref_slice %arg6[%dma_wait3A_607, %dma_wait3A_613] : memref<3x120xi32, #tpu.memory_space<vmem>> -> memref<1x120xi32, #tpu.memory_space<vmem>>
    %dma_wait3A_615 = tpu.memref_squeeze %dma_wait3A_614 : memref<1x120xi32, #tpu.memory_space<vmem>> -> memref<120xi32, #tpu.memory_space<vmem>>
    %dma_wait3A_616 = arith.constant 0 : i32
    %dma_wait3A_617 = tpu.memref_slice %arg3[%dma_wait3A_616] : memref<640000xi32, #tpu.memory_space<hbm>> -> memref<120xi32, #tpu.memory_space<hbm>>
    tpu.wait_dma2 semaphore(%arg14 : memref<!tpu.dma_semaphore, #tpu.memory_space<semaphore_mem>>) src(%dma_wait3A_617 : memref<120xi32, #tpu.memory_space<hbm>>) dst(%dma_wait3A_615 : memref<120xi32, #tpu.memory_space<vmem>>)
    %dma_wait3A_618 = arith.constant 0 : i32
    %dma_wait3A_619 = arith.constant 0 : i32
    %dma_wait3A_620 = tpu.memref_slice %arg7[%dma_wait3A_618, %dma_wait3A_619] : memref<6x120xi32, #tpu.memory_space<vmem>> -> memref<1x120xi32, #tpu.memory_space<vmem>>
    %dma_wait3A_621 = tpu.memref_squeeze %dma_wait3A_620 : memref<1x120xi32, #tpu.memory_space<vmem>> -> memref<120xi32, #tpu.memory_space<vmem>>
    %dma_wait3A_622 = arith.constant 0 : i32
    %dma_wait3A_623 = tpu.memref_slice %arg3[%dma_wait3A_622] : memref<640000xi32, #tpu.memory_space<hbm>> -> memref<120xi32, #tpu.memory_space<hbm>>
    %dma_wait3A_624 = arith.constant 0 : i32
    %dma_wait3A_625 = tpu.memref_slice %arg7[%dma_wait3A_618, %dma_wait3A_624] : memref<6x120xi32, #tpu.memory_space<vmem>> -> memref<1x120xi32, #tpu.memory_space<vmem>>
    %dma_wait3A_626 = tpu.memref_squeeze %dma_wait3A_625 : memref<1x120xi32, #tpu.memory_space<vmem>> -> memref<120xi32, #tpu.memory_space<vmem>>
    %dma_wait3A_627 = arith.constant 0 : i32
    %dma_wait3A_628 = tpu.memref_slice %arg3[%dma_wait3A_627] : memref<640000xi32, #tpu.memory_space<hbm>> -> memref<120xi32, #tpu.memory_space<hbm>>
    tpu.wait_dma2 semaphore(%arg14 : memref<!tpu.dma_semaphore, #tpu.memory_space<semaphore_mem>>) src(%dma_wait3A_628 : memref<120xi32, #tpu.memory_space<hbm>>) dst(%dma_wait3A_626 : memref<120xi32, #tpu.memory_space<vmem>>)
    %dma_start3A_629 = arith.constant 2 : i32
    %dma_start3A_630 = arith.constant 2 : i32
    %dma_start3A_631 = arith.constant 0 : i32
    %dma_start3A_632 = arith.constant 0 : i32
    %dma_start3A_633 = tpu.memref_slice %arg8[%dma_start3A_630, %dma_start3A_631, %dma_start3A_632] : memref<3x120x128xf32, #tpu.memory_space<vmem>> -> memref<1x120x128xf32, #tpu.memory_space<vmem>>
    %dma_start3A_634 = tpu.memref_squeeze %dma_start3A_633 : memref<1x120x128xf32, #tpu.memory_space<vmem>> -> memref<120x128xf32, #tpu.memory_space<vmem>>
    %dma_start3A_635 = arith.constant 0 : i32
    %dma_start3A_636 = tpu.memref_slice %arg6[%dma_start3A_629, %dma_start3A_635] : memref<3x120xi32, #tpu.memory_space<vmem>> -> memref<1x120xi32, #tpu.memory_space<vmem>>
    %dma_start3A_637 = tpu.memref_squeeze %dma_start3A_636 : memref<1x120xi32, #tpu.memory_space<vmem>> -> memref<120xi32, #tpu.memory_space<vmem>>
    %dma_start3A_638 = arith.constant 0 : i32
    %dma_start3A_639 = arith.constant 0 : i32
    %dma_start3A_640 = tpu.memref_slice %arg2[%dma_start3A_638, %dma_start3A_639] : memref<10000x128xf32, #tpu.memory_space<hbm>> -> memref<10000x128xf32, #tpu.memory_space<hbm>>
    tpu.enqueue_indirect_dma source(%dma_start3A_640 : memref<10000x128xf32, #tpu.memory_space<hbm>>) target(%dma_start3A_634 : memref<120x128xf32, #tpu.memory_space<vmem>>) offsets(%dma_start3A_637 : memref<120xi32, #tpu.memory_space<vmem>>) semaphore(%arg15 : memref<!tpu.dma_semaphore, #tpu.memory_space<semaphore_mem>>)
    %dma_wait3A_641 = arith.constant 1 : i32
    %dma_wait3A_642 = arith.constant 0 : i32
    %dma_wait3A_643 = arith.constant 0 : i32
    %dma_wait3A_644 = tpu.memref_slice %arg8[%dma_wait3A_641, %dma_wait3A_642, %dma_wait3A_643] : memref<3x120x128xf32, #tpu.memory_space<vmem>> -> memref<1x120x128xf32, #tpu.memory_space<vmem>>
    %dma_wait3A_645 = tpu.memref_squeeze %dma_wait3A_644 : memref<1x120x128xf32, #tpu.memory_space<vmem>> -> memref<120x128xf32, #tpu.memory_space<vmem>>
    %dma_wait3A_646 = arith.constant 0 : i32
    %dma_wait3A_647 = arith.constant 0 : i32
    %dma_wait3A_648 = tpu.memref_slice %arg2[%dma_wait3A_646, %dma_wait3A_647] : memref<10000x128xf32, #tpu.memory_space<hbm>> -> memref<120x128xf32, #tpu.memory_space<hbm>>
    %dma_wait3A_649 = arith.constant 0 : i32
    %dma_wait3A_650 = arith.constant 0 : i32
    %dma_wait3A_651 = tpu.memref_slice %arg8[%dma_wait3A_641, %dma_wait3A_649, %dma_wait3A_650] : memref<3x120x128xf32, #tpu.memory_space<vmem>> -> memref<1x120x128xf32, #tpu.memory_space<vmem>>
    %dma_wait3A_652 = tpu.memref_squeeze %dma_wait3A_651 : memref<1x120x128xf32, #tpu.memory_space<vmem>> -> memref<120x128xf32, #tpu.memory_space<vmem>>
    %dma_wait3A_653 = arith.constant 0 : i32
    %dma_wait3A_654 = arith.constant 0 : i32
    %dma_wait3A_655 = tpu.memref_slice %arg2[%dma_wait3A_653, %dma_wait3A_654] : memref<10000x128xf32, #tpu.memory_space<hbm>> -> memref<120x128xf32, #tpu.memory_space<hbm>>
    tpu.wait_dma2 semaphore(%arg15 : memref<!tpu.dma_semaphore, #tpu.memory_space<semaphore_mem>>) src(%dma_wait3A_655 : memref<120x128xf32, #tpu.memory_space<hbm>>) dst(%dma_wait3A_652 : memref<120x128xf32, #tpu.memory_space<vmem>>)
    %dma_start3A_656 = arith.constant 1 : i32
    %dma_start3A_657 = arith.constant 1 : i32
    %dma_start3A_658 = arith.constant 0 : i32
    %dma_start3A_659 = arith.constant 0 : i32
    %dma_start3A_660 = tpu.memref_slice %arg8[%dma_start3A_656, %dma_start3A_658, %dma_start3A_659] : memref<3x120x128xf32, #tpu.memory_space<vmem>> -> memref<1x120x128xf32, #tpu.memory_space<vmem>>
    %dma_start3A_661 = tpu.memref_squeeze %dma_start3A_660 : memref<1x120x128xf32, #tpu.memory_space<vmem>> -> memref<120x128xf32, #tpu.memory_space<vmem>>
    %dma_start3A_662 = arith.constant 0 : i32
    %dma_start3A_663 = tpu.memref_slice %arg7[%dma_start3A_657, %dma_start3A_662] : memref<6x120xi32, #tpu.memory_space<vmem>> -> memref<1x120xi32, #tpu.memory_space<vmem>>
    %dma_start3A_664 = tpu.memref_squeeze %dma_start3A_663 : memref<1x120xi32, #tpu.memory_space<vmem>> -> memref<120xi32, #tpu.memory_space<vmem>>
    %dma_start3A_665 = arith.constant 0 : i32
    %dma_start3A_666 = arith.constant 0 : i32
    %dma_start3A_667 = tpu.memref_slice %arg12[%dma_start3A_665, %dma_start3A_666] : memref<10240x128xf32, #tpu.memory_space<vmem_shared>> -> memref<10240x128xf32, #tpu.memory_space<vmem_shared>>
    tpu.enqueue_indirect_dma source(%dma_start3A_661 : memref<120x128xf32, #tpu.memory_space<vmem>>) target(%dma_start3A_667 : memref<10240x128xf32, #tpu.memory_space<vmem_shared>>) offsets(%dma_start3A_664 : memref<120xi32, #tpu.memory_space<vmem>>) semaphore(%arg16 : memref<!tpu.dma_semaphore, #tpu.memory_space<semaphore_mem>>) {add = true}
    %dma_start3A_668 = arith.constant 1 : i32
    %dma_start3A_669 = arith.constant 0 : i32
    %dma_start3A_670 = tpu.memref_slice %arg9[%dma_start3A_669] : memref<136xf32, #tpu.memory_space<vmem>> -> memref<120xf32, #tpu.memory_space<vmem>>
    %dma_start3A_671 = arith.constant 0 : i32
    %dma_start3A_672 = tpu.memref_slice %arg7[%dma_start3A_668, %dma_start3A_671] : memref<6x120xi32, #tpu.memory_space<vmem>> -> memref<1x120xi32, #tpu.memory_space<vmem>>
    %dma_start3A_673 = tpu.memref_squeeze %dma_start3A_672 : memref<1x120xi32, #tpu.memory_space<vmem>> -> memref<120xi32, #tpu.memory_space<vmem>>
    %dma_start3A_674 = arith.constant 0 : i32
    %dma_start3A_675 = tpu.memref_slice %arg13[%dma_start3A_674] : memref<10240xf32, #tpu.memory_space<vmem_shared>> -> memref<10240xf32, #tpu.memory_space<vmem_shared>>
    tpu.enqueue_indirect_dma source(%dma_start3A_670 : memref<120xf32, #tpu.memory_space<vmem>>) target(%dma_start3A_675 : memref<10240xf32, #tpu.memory_space<vmem_shared>>) offsets(%dma_start3A_673 : memref<120xi32, #tpu.memory_space<vmem>>) semaphore(%arg16 : memref<!tpu.dma_semaphore, #tpu.memory_space<semaphore_mem>>) {add = true}
    %scan3A_676 = arith.constant 0 : i32
    %scan3A_677 = arith.constant 0 : i32
    %scan3A_678 = arith.constant 13 : i32
    %scan3A_679 = arith.addi %scan3A_677, %scan3A_678 : i32
    %scan3A_680 = arith.constant 1 : i32
    scf.for %scan3A_1060 = %scan3A_677 to %scan3A_679 step %scan3A_680  : i32 {
      %mul3A_1061 = arith.constant 6 : i32
      %mul3A_1062 = arith.muli %mul3A_1061, %scan3A_1060 : i32
      %add3A_1063 = arith.constant 2 : i32
      %add3A_1064 = arith.addi %mul3A_1062, %add3A_1063 : i32
      %add3A_1065 = arith.constant 0 : i32
      %add3A_1066 = arith.addi %add3A_1064, %add3A_1065 : i32
      %dma_wait3A_1067 = arith.constant 0 : i32
      %dma_wait3A_1068 = arith.constant 0 : i32
      %dma_wait3A_1069 = arith.constant 0 : i32
      %dma_wait3A_1070 = tpu.memref_slice %arg8[%dma_wait3A_1067, %dma_wait3A_1068, %dma_wait3A_1069] : memref<3x120x128xf32, #tpu.memory_space<vmem>> -> memref<1x120x128xf32, #tpu.memory_space<vmem>>
      %dma_wait3A_1071 = tpu.memref_squeeze %dma_wait3A_1070 : memref<1x120x128xf32, #tpu.memory_space<vmem>> -> memref<120x128xf32, #tpu.memory_space<vmem>>
      %dma_wait3A_1072 = arith.constant 0 : i32
      %dma_wait3A_1073 = arith.constant 0 : i32
      %dma_wait3A_1074 = tpu.memref_slice %arg12[%dma_wait3A_1072, %dma_wait3A_1073] : memref<10240x128xf32, #tpu.memory_space<vmem_shared>> -> memref<120x128xf32, #tpu.memory_space<vmem_shared>>
      %dma_wait3A_1075 = arith.constant 0 : i32
      %dma_wait3A_1076 = arith.constant 0 : i32
      %dma_wait3A_1077 = tpu.memref_slice %arg12[%dma_wait3A_1075, %dma_wait3A_1076] : memref<10240x128xf32, #tpu.memory_space<vmem_shared>> -> memref<120x128xf32, #tpu.memory_space<vmem_shared>>
      %dma_wait3A_1078 = arith.constant 0 : i32
      %dma_wait3A_1079 = arith.constant 0 : i32
      %dma_wait3A_1080 = tpu.memref_slice %arg8[%dma_wait3A_1067, %dma_wait3A_1078, %dma_wait3A_1079] : memref<3x120x128xf32, #tpu.memory_space<vmem>> -> memref<1x120x128xf32, #tpu.memory_space<vmem>>
      %dma_wait3A_1081 = tpu.memref_squeeze %dma_wait3A_1080 : memref<1x120x128xf32, #tpu.memory_space<vmem>> -> memref<120x128xf32, #tpu.memory_space<vmem>>
      tpu.wait_dma2 semaphore(%arg16 : memref<!tpu.dma_semaphore, #tpu.memory_space<semaphore_mem>>) src(%dma_wait3A_1081 : memref<120x128xf32, #tpu.memory_space<vmem>>) dst(%dma_wait3A_1077 : memref<120x128xf32, #tpu.memory_space<vmem_shared>>)
      %dma_wait3A_1082 = arith.constant 0 : i32
      %dma_wait3A_1083 = tpu.memref_slice %arg9[%dma_wait3A_1082] : memref<136xf32, #tpu.memory_space<vmem>> -> memref<120xf32, #tpu.memory_space<vmem>>
      %dma_wait3A_1084 = arith.constant 0 : i32
      %dma_wait3A_1085 = tpu.memref_slice %arg13[%dma_wait3A_1084] : memref<10240xf32, #tpu.memory_space<vmem_shared>> -> memref<120xf32, #tpu.memory_space<vmem_shared>>
      %dma_wait3A_1086 = arith.constant 0 : i32
      %dma_wait3A_1087 = tpu.memref_slice %arg13[%dma_wait3A_1086] : memref<10240xf32, #tpu.memory_space<vmem_shared>> -> memref<120xf32, #tpu.memory_space<vmem_shared>>
      %dma_wait3A_1088 = arith.constant 0 : i32
      %dma_wait3A_1089 = tpu.memref_slice %arg9[%dma_wait3A_1088] : memref<136xf32, #tpu.memory_space<vmem>> -> memref<120xf32, #tpu.memory_space<vmem>>
      tpu.wait_dma2 semaphore(%arg16 : memref<!tpu.dma_semaphore, #tpu.memory_space<semaphore_mem>>) src(%dma_wait3A_1089 : memref<120xf32, #tpu.memory_space<vmem>>) dst(%dma_wait3A_1087 : memref<120xf32, #tpu.memory_space<vmem_shared>>)
      %add3A_1090 = arith.constant 2 : i32
      %add3A_1091 = arith.addi %add3A_1066, %add3A_1090 : i32
      %mul3A_1092 = arith.constant 120 : i32
      %mul3A_1093 = arith.muli %add3A_1091, %mul3A_1092 : i32
      %add3A_1094 = arith.addi %mul3A_4, %mul3A_1093 : i32
      %add3A_1095 = arith.constant 320000 : i32
      %add3A_1096 = arith.addi %add3A_1095, %add3A_1094 : i32
      %dma_start3A_1097 = arith.constant 1 : i32
      %dma_start3A_1098 = arith.constant 0 : i32
      %dma_start3A_1099 = tpu.memref_slice %arg6[%dma_start3A_1097, %dma_start3A_1098] : memref<3x120xi32, #tpu.memory_space<vmem>> -> memref<1x120xi32, #tpu.memory_space<vmem>>
      %dma_start3A_1100 = tpu.memref_squeeze %dma_start3A_1099 : memref<1x120xi32, #tpu.memory_space<vmem>> -> memref<120xi32, #tpu.memory_space<vmem>>
      %dma_start3A_1101 = tpu.memref_slice %arg3[%add3A_1096] : memref<640000xi32, #tpu.memory_space<hbm>> -> memref<120xi32, #tpu.memory_space<hbm>>
      %dma_start3A_1102 = arith.constant 0 : i32
      %dma_start3A_1103 = tpu.memref_slice %arg6[%dma_start3A_1097, %dma_start3A_1102] : memref<3x120xi32, #tpu.memory_space<vmem>> -> memref<1x120xi32, #tpu.memory_space<vmem>>
      %dma_start3A_1104 = tpu.memref_squeeze %dma_start3A_1103 : memref<1x120xi32, #tpu.memory_space<vmem>> -> memref<120xi32, #tpu.memory_space<vmem>>
      %dma_start3A_1105 = tpu.memref_slice %arg3[%add3A_1096] : memref<640000xi32, #tpu.memory_space<hbm>> -> memref<120xi32, #tpu.memory_space<hbm>>
      tpu.enqueue_dma source(%dma_start3A_1105 : memref<120xi32, #tpu.memory_space<hbm>>) target(%dma_start3A_1104 : memref<120xi32, #tpu.memory_space<vmem>>) target_semaphore(%arg14 : memref<!tpu.dma_semaphore, #tpu.memory_space<semaphore_mem>>)
      %dma_start3A_1106 = arith.constant 4 : i32
      %dma_start3A_1107 = arith.constant 0 : i32
      %dma_start3A_1108 = tpu.memref_slice %arg7[%dma_start3A_1106, %dma_start3A_1107] : memref<6x120xi32, #tpu.memory_space<vmem>> -> memref<1x120xi32, #tpu.memory_space<vmem>>
      %dma_start3A_1109 = tpu.memref_squeeze %dma_start3A_1108 : memref<1x120xi32, #tpu.memory_space<vmem>> -> memref<120xi32, #tpu.memory_space<vmem>>
      %dma_start3A_1110 = tpu.memref_slice %arg3[%add3A_1094] : memref<640000xi32, #tpu.memory_space<hbm>> -> memref<120xi32, #tpu.memory_space<hbm>>
      %dma_start3A_1111 = arith.constant 0 : i32
      %dma_start3A_1112 = tpu.memref_slice %arg7[%dma_start3A_1106, %dma_start3A_1111] : memref<6x120xi32, #tpu.memory_space<vmem>> -> memref<1x120xi32, #tpu.memory_space<vmem>>
      %dma_start3A_1113 = tpu.memref_squeeze %dma_start3A_1112 : memref<1x120xi32, #tpu.memory_space<vmem>> -> memref<120xi32, #tpu.memory_space<vmem>>
      %dma_start3A_1114 = tpu.memref_slice %arg3[%add3A_1094] : memref<640000xi32, #tpu.memory_space<hbm>> -> memref<120xi32, #tpu.memory_space<hbm>>
      tpu.enqueue_dma source(%dma_start3A_1114 : memref<120xi32, #tpu.memory_space<hbm>>) target(%dma_start3A_1113 : memref<120xi32, #tpu.memory_space<vmem>>) target_semaphore(%arg14 : memref<!tpu.dma_semaphore, #tpu.memory_space<semaphore_mem>>)
      %dma_wait3A_1115 = arith.constant 0 : i32
      %dma_wait3A_1116 = arith.constant 0 : i32
      %dma_wait3A_1117 = tpu.memref_slice %arg6[%dma_wait3A_1115, %dma_wait3A_1116] : memref<3x120xi32, #tpu.memory_space<vmem>> -> memref<1x120xi32, #tpu.memory_space<vmem>>
      %dma_wait3A_1118 = tpu.memref_squeeze %dma_wait3A_1117 : memref<1x120xi32, #tpu.memory_space<vmem>> -> memref<120xi32, #tpu.memory_space<vmem>>
      %dma_wait3A_1119 = arith.constant 0 : i32
      %dma_wait3A_1120 = tpu.memref_slice %arg3[%dma_wait3A_1119] : memref<640000xi32, #tpu.memory_space<hbm>> -> memref<120xi32, #tpu.memory_space<hbm>>
      %dma_wait3A_1121 = arith.constant 0 : i32
      %dma_wait3A_1122 = tpu.memref_slice %arg6[%dma_wait3A_1115, %dma_wait3A_1121] : memref<3x120xi32, #tpu.memory_space<vmem>> -> memref<1x120xi32, #tpu.memory_space<vmem>>
      %dma_wait3A_1123 = tpu.memref_squeeze %dma_wait3A_1122 : memref<1x120xi32, #tpu.memory_space<vmem>> -> memref<120xi32, #tpu.memory_space<vmem>>
      %dma_wait3A_1124 = arith.constant 0 : i32
      %dma_wait3A_1125 = tpu.memref_slice %arg3[%dma_wait3A_1124] : memref<640000xi32, #tpu.memory_space<hbm>> -> memref<120xi32, #tpu.memory_space<hbm>>
      tpu.wait_dma2 semaphore(%arg14 : memref<!tpu.dma_semaphore, #tpu.memory_space<semaphore_mem>>) src(%dma_wait3A_1125 : memref<120xi32, #tpu.memory_space<hbm>>) dst(%dma_wait3A_1123 : memref<120xi32, #tpu.memory_space<vmem>>)
      %dma_wait3A_1126 = arith.constant 0 : i32
      %dma_wait3A_1127 = arith.constant 0 : i32
      %dma_wait3A_1128 = tpu.memref_slice %arg7[%dma_wait3A_1126, %dma_wait3A_1127] : memref<6x120xi32, #tpu.memory_space<vmem>> -> memref<1x120xi32, #tpu.memory_space<vmem>>
      %dma_wait3A_1129 = tpu.memref_squeeze %dma_wait3A_1128 : memref<1x120xi32, #tpu.memory_space<vmem>> -> memref<120xi32, #tpu.memory_space<vmem>>
      %dma_wait3A_1130 = arith.constant 0 : i32
      %dma_wait3A_1131 = tpu.memref_slice %arg3[%dma_wait3A_1130] : memref<640000xi32, #tpu.memory_space<hbm>> -> memref<120xi32, #tpu.memory_space<hbm>>
      %dma_wait3A_1132 = arith.constant 0 : i32
      %dma_wait3A_1133 = tpu.memref_slice %arg7[%dma_wait3A_1126, %dma_wait3A_1132] : memref<6x120xi32, #tpu.memory_space<vmem>> -> memref<1x120xi32, #tpu.memory_space<vmem>>
      %dma_wait3A_1134 = tpu.memref_squeeze %dma_wait3A_1133 : memref<1x120xi32, #tpu.memory_space<vmem>> -> memref<120xi32, #tpu.memory_space<vmem>>
      %dma_wait3A_1135 = arith.constant 0 : i32
      %dma_wait3A_1136 = tpu.memref_slice %arg3[%dma_wait3A_1135] : memref<640000xi32, #tpu.memory_space<hbm>> -> memref<120xi32, #tpu.memory_space<hbm>>
      tpu.wait_dma2 semaphore(%arg14 : memref<!tpu.dma_semaphore, #tpu.memory_space<semaphore_mem>>) src(%dma_wait3A_1136 : memref<120xi32, #tpu.memory_space<hbm>>) dst(%dma_wait3A_1134 : memref<120xi32, #tpu.memory_space<vmem>>)
      %dma_start3A_1137 = arith.constant 0 : i32
      %dma_start3A_1138 = arith.constant 0 : i32
      %dma_start3A_1139 = arith.constant 0 : i32
      %dma_start3A_1140 = arith.constant 0 : i32
      %dma_start3A_1141 = tpu.memref_slice %arg8[%dma_start3A_1138, %dma_start3A_1139, %dma_start3A_1140] : memref<3x120x128xf32, #tpu.memory_space<vmem>> -> memref<1x120x128xf32, #tpu.memory_space<vmem>>
      %dma_start3A_1142 = tpu.memref_squeeze %dma_start3A_1141 : memref<1x120x128xf32, #tpu.memory_space<vmem>> -> memref<120x128xf32, #tpu.memory_space<vmem>>
      %dma_start3A_1143 = arith.constant 0 : i32
      %dma_start3A_1144 = tpu.memref_slice %arg6[%dma_start3A_1137, %dma_start3A_1143] : memref<3x120xi32, #tpu.memory_space<vmem>> -> memref<1x120xi32, #tpu.memory_space<vmem>>
      %dma_start3A_1145 = tpu.memref_squeeze %dma_start3A_1144 : memref<1x120xi32, #tpu.memory_space<vmem>> -> memref<120xi32, #tpu.memory_space<vmem>>
      %dma_start3A_1146 = arith.constant 0 : i32
      %dma_start3A_1147 = arith.constant 0 : i32
      %dma_start3A_1148 = tpu.memref_slice %arg2[%dma_start3A_1146, %dma_start3A_1147] : memref<10000x128xf32, #tpu.memory_space<hbm>> -> memref<10000x128xf32, #tpu.memory_space<hbm>>
      tpu.enqueue_indirect_dma source(%dma_start3A_1148 : memref<10000x128xf32, #tpu.memory_space<hbm>>) target(%dma_start3A_1142 : memref<120x128xf32, #tpu.memory_space<vmem>>) offsets(%dma_start3A_1145 : memref<120xi32, #tpu.memory_space<vmem>>) semaphore(%arg15 : memref<!tpu.dma_semaphore, #tpu.memory_space<semaphore_mem>>)
      %dma_wait3A_1149 = arith.constant 2 : i32
      %dma_wait3A_1150 = arith.constant 0 : i32
      %dma_wait3A_1151 = arith.constant 0 : i32
      %dma_wait3A_1152 = tpu.memref_slice %arg8[%dma_wait3A_1149, %dma_wait3A_1150, %dma_wait3A_1151] : memref<3x120x128xf32, #tpu.memory_space<vmem>> -> memref<1x120x128xf32, #tpu.memory_space<vmem>>
      %dma_wait3A_1153 = tpu.memref_squeeze %dma_wait3A_1152 : memref<1x120x128xf32, #tpu.memory_space<vmem>> -> memref<120x128xf32, #tpu.memory_space<vmem>>
      %dma_wait3A_1154 = arith.constant 0 : i32
      %dma_wait3A_1155 = arith.constant 0 : i32
      %dma_wait3A_1156 = tpu.memref_slice %arg2[%dma_wait3A_1154, %dma_wait3A_1155] : memref<10000x128xf32, #tpu.memory_space<hbm>> -> memref<120x128xf32, #tpu.memory_space<hbm>>
      %dma_wait3A_1157 = arith.constant 0 : i32
      %dma_wait3A_1158 = arith.constant 0 : i32
      %dma_wait3A_1159 = tpu.memref_slice %arg8[%dma_wait3A_1149, %dma_wait3A_1157, %dma_wait3A_1158] : memref<3x120x128xf32, #tpu.memory_space<vmem>> -> memref<1x120x128xf32, #tpu.memory_space<vmem>>
      %dma_wait3A_1160 = tpu.memref_squeeze %dma_wait3A_1159 : memref<1x120x128xf32, #tpu.memory_space<vmem>> -> memref<120x128xf32, #tpu.memory_space<vmem>>
      %dma_wait3A_1161 = arith.constant 0 : i32
      %dma_wait3A_1162 = arith.constant 0 : i32
      %dma_wait3A_1163 = tpu.memref_slice %arg2[%dma_wait3A_1161, %dma_wait3A_1162] : memref<10000x128xf32, #tpu.memory_space<hbm>> -> memref<120x128xf32, #tpu.memory_space<hbm>>
      tpu.wait_dma2 semaphore(%arg15 : memref<!tpu.dma_semaphore, #tpu.memory_space<semaphore_mem>>) src(%dma_wait3A_1163 : memref<120x128xf32, #tpu.memory_space<hbm>>) dst(%dma_wait3A_1160 : memref<120x128xf32, #tpu.memory_space<vmem>>)
      %dma_start3A_1164 = arith.constant 2 : i32
      %dma_start3A_1165 = arith.constant 2 : i32
      %dma_start3A_1166 = arith.constant 0 : i32
      %dma_start3A_1167 = arith.constant 0 : i32
      %dma_start3A_1168 = tpu.memref_slice %arg8[%dma_start3A_1164, %dma_start3A_1166, %dma_start3A_1167] : memref<3x120x128xf32, #tpu.memory_space<vmem>> -> memref<1x120x128xf32, #tpu.memory_space<vmem>>
      %dma_start3A_1169 = tpu.memref_squeeze %dma_start3A_1168 : memref<1x120x128xf32, #tpu.memory_space<vmem>> -> memref<120x128xf32, #tpu.memory_space<vmem>>
      %dma_start3A_1170 = arith.constant 0 : i32
      %dma_start3A_1171 = tpu.memref_slice %arg7[%dma_start3A_1165, %dma_start3A_1170] : memref<6x120xi32, #tpu.memory_space<vmem>> -> memref<1x120xi32, #tpu.memory_space<vmem>>
      %dma_start3A_1172 = tpu.memref_squeeze %dma_start3A_1171 : memref<1x120xi32, #tpu.memory_space<vmem>> -> memref<120xi32, #tpu.memory_space<vmem>>
      %dma_start3A_1173 = arith.constant 0 : i32
      %dma_start3A_1174 = arith.constant 0 : i32
      %dma_start3A_1175 = tpu.memref_slice %arg12[%dma_start3A_1173, %dma_start3A_1174] : memref<10240x128xf32, #tpu.memory_space<vmem_shared>> -> memref<10240x128xf32, #tpu.memory_space<vmem_shared>>
      tpu.enqueue_indirect_dma source(%dma_start3A_1169 : memref<120x128xf32, #tpu.memory_space<vmem>>) target(%dma_start3A_1175 : memref<10240x128xf32, #tpu.memory_space<vmem_shared>>) offsets(%dma_start3A_1172 : memref<120xi32, #tpu.memory_space<vmem>>) semaphore(%arg16 : memref<!tpu.dma_semaphore, #tpu.memory_space<semaphore_mem>>) {add = true}
      %dma_start3A_1176 = arith.constant 2 : i32
      %dma_start3A_1177 = arith.constant 0 : i32
      %dma_start3A_1178 = tpu.memref_slice %arg9[%dma_start3A_1177] : memref<136xf32, #tpu.memory_space<vmem>> -> memref<120xf32, #tpu.memory_space<vmem>>
      %dma_start3A_1179 = arith.constant 0 : i32
      %dma_start3A_1180 = tpu.memref_slice %arg7[%dma_start3A_1176, %dma_start3A_1179] : memref<6x120xi32, #tpu.memory_space<vmem>> -> memref<1x120xi32, #tpu.memory_space<vmem>>
      %dma_start3A_1181 = tpu.memref_squeeze %dma_start3A_1180 : memref<1x120xi32, #tpu.memory_space<vmem>> -> memref<120xi32, #tpu.memory_space<vmem>>
      %dma_start3A_1182 = arith.constant 0 : i32
      %dma_start3A_1183 = tpu.memref_slice %arg13[%dma_start3A_1182] : memref<10240xf32, #tpu.memory_space<vmem_shared>> -> memref<10240xf32, #tpu.memory_space<vmem_shared>>
      tpu.enqueue_indirect_dma source(%dma_start3A_1178 : memref<120xf32, #tpu.memory_space<vmem>>) target(%dma_start3A_1183 : memref<10240xf32, #tpu.memory_space<vmem_shared>>) offsets(%dma_start3A_1181 : memref<120xi32, #tpu.memory_space<vmem>>) semaphore(%arg16 : memref<!tpu.dma_semaphore, #tpu.memory_space<semaphore_mem>>) {add = true}
      %add3A_1184 = arith.constant 1 : i32
      %add3A_1185 = arith.addi %add3A_1064, %add3A_1184 : i32
      %dma_wait3A_1186 = arith.constant 0 : i32
      %dma_wait3A_1187 = arith.constant 0 : i32
      %dma_wait3A_1188 = arith.constant 0 : i32
      %dma_wait3A_1189 = tpu.memref_slice %arg8[%dma_wait3A_1186, %dma_wait3A_1187, %dma_wait3A_1188] : memref<3x120x128xf32, #tpu.memory_space<vmem>> -> memref<1x120x128xf32, #tpu.memory_space<vmem>>
      %dma_wait3A_1190 = tpu.memref_squeeze %dma_wait3A_1189 : memref<1x120x128xf32, #tpu.memory_space<vmem>> -> memref<120x128xf32, #tpu.memory_space<vmem>>
      %dma_wait3A_1191 = arith.constant 0 : i32
      %dma_wait3A_1192 = arith.constant 0 : i32
      %dma_wait3A_1193 = tpu.memref_slice %arg12[%dma_wait3A_1191, %dma_wait3A_1192] : memref<10240x128xf32, #tpu.memory_space<vmem_shared>> -> memref<120x128xf32, #tpu.memory_space<vmem_shared>>
      %dma_wait3A_1194 = arith.constant 0 : i32
      %dma_wait3A_1195 = arith.constant 0 : i32
      %dma_wait3A_1196 = tpu.memref_slice %arg12[%dma_wait3A_1194, %dma_wait3A_1195] : memref<10240x128xf32, #tpu.memory_space<vmem_shared>> -> memref<120x128xf32, #tpu.memory_space<vmem_shared>>
      %dma_wait3A_1197 = arith.constant 0 : i32
      %dma_wait3A_1198 = arith.constant 0 : i32
      %dma_wait3A_1199 = tpu.memref_slice %arg8[%dma_wait3A_1186, %dma_wait3A_1197, %dma_wait3A_1198] : memref<3x120x128xf32, #tpu.memory_space<vmem>> -> memref<1x120x128xf32, #tpu.memory_space<vmem>>
      %dma_wait3A_1200 = tpu.memref_squeeze %dma_wait3A_1199 : memref<1x120x128xf32, #tpu.memory_space<vmem>> -> memref<120x128xf32, #tpu.memory_space<vmem>>
      tpu.wait_dma2 semaphore(%arg16 : memref<!tpu.dma_semaphore, #tpu.memory_space<semaphore_mem>>) src(%dma_wait3A_1200 : memref<120x128xf32, #tpu.memory_space<vmem>>) dst(%dma_wait3A_1196 : memref<120x128xf32, #tpu.memory_space<vmem_shared>>)
      %dma_wait3A_1201 = arith.constant 0 : i32
      %dma_wait3A_1202 = tpu.memref_slice %arg9[%dma_wait3A_1201] : memref<136xf32, #tpu.memory_space<vmem>> -> memref<120xf32, #tpu.memory_space<vmem>>
      %dma_wait3A_1203 = arith.constant 0 : i32
      %dma_wait3A_1204 = tpu.memref_slice %arg13[%dma_wait3A_1203] : memref<10240xf32, #tpu.memory_space<vmem_shared>> -> memref<120xf32, #tpu.memory_space<vmem_shared>>
      %dma_wait3A_1205 = arith.constant 0 : i32
      %dma_wait3A_1206 = tpu.memref_slice %arg13[%dma_wait3A_1205] : memref<10240xf32, #tpu.memory_space<vmem_shared>> -> memref<120xf32, #tpu.memory_space<vmem_shared>>
      %dma_wait3A_1207 = arith.constant 0 : i32
      %dma_wait3A_1208 = tpu.memref_slice %arg9[%dma_wait3A_1207] : memref<136xf32, #tpu.memory_space<vmem>> -> memref<120xf32, #tpu.memory_space<vmem>>
      tpu.wait_dma2 semaphore(%arg16 : memref<!tpu.dma_semaphore, #tpu.memory_space<semaphore_mem>>) src(%dma_wait3A_1208 : memref<120xf32, #tpu.memory_space<vmem>>) dst(%dma_wait3A_1206 : memref<120xf32, #tpu.memory_space<vmem_shared>>)
      %add3A_1209 = arith.constant 2 : i32
      %add3A_1210 = arith.addi %add3A_1185, %add3A_1209 : i32
      %mul3A_1211 = arith.constant 120 : i32
      %mul3A_1212 = arith.muli %add3A_1210, %mul3A_1211 : i32
      %add3A_1213 = arith.addi %mul3A_4, %mul3A_1212 : i32
      %add3A_1214 = arith.constant 320000 : i32
      %add3A_1215 = arith.addi %add3A_1214, %add3A_1213 : i32
      %dma_start3A_1216 = arith.constant 2 : i32
      %dma_start3A_1217 = arith.constant 0 : i32
      %dma_start3A_1218 = tpu.memref_slice %arg6[%dma_start3A_1216, %dma_start3A_1217] : memref<3x120xi32, #tpu.memory_space<vmem>> -> memref<1x120xi32, #tpu.memory_space<vmem>>
      %dma_start3A_1219 = tpu.memref_squeeze %dma_start3A_1218 : memref<1x120xi32, #tpu.memory_space<vmem>> -> memref<120xi32, #tpu.memory_space<vmem>>
      %dma_start3A_1220 = tpu.memref_slice %arg3[%add3A_1215] : memref<640000xi32, #tpu.memory_space<hbm>> -> memref<120xi32, #tpu.memory_space<hbm>>
      %dma_start3A_1221 = arith.constant 0 : i32
      %dma_start3A_1222 = tpu.memref_slice %arg6[%dma_start3A_1216, %dma_start3A_1221] : memref<3x120xi32, #tpu.memory_space<vmem>> -> memref<1x120xi32, #tpu.memory_space<vmem>>
      %dma_start3A_1223 = tpu.memref_squeeze %dma_start3A_1222 : memref<1x120xi32, #tpu.memory_space<vmem>> -> memref<120xi32, #tpu.memory_space<vmem>>
      %dma_start3A_1224 = tpu.memref_slice %arg3[%add3A_1215] : memref<640000xi32, #tpu.memory_space<hbm>> -> memref<120xi32, #tpu.memory_space<hbm>>
      tpu.enqueue_dma source(%dma_start3A_1224 : memref<120xi32, #tpu.memory_space<hbm>>) target(%dma_start3A_1223 : memref<120xi32, #tpu.memory_space<vmem>>) target_semaphore(%arg14 : memref<!tpu.dma_semaphore, #tpu.memory_space<semaphore_mem>>)
      %dma_start3A_1225 = arith.constant 5 : i32
      %dma_start3A_1226 = arith.constant 0 : i32
      %dma_start3A_1227 = tpu.memref_slice %arg7[%dma_start3A_1225, %dma_start3A_1226] : memref<6x120xi32, #tpu.memory_space<vmem>> -> memref<1x120xi32, #tpu.memory_space<vmem>>
      %dma_start3A_1228 = tpu.memref_squeeze %dma_start3A_1227 : memref<1x120xi32, #tpu.memory_space<vmem>> -> memref<120xi32, #tpu.memory_space<vmem>>
      %dma_start3A_1229 = tpu.memref_slice %arg3[%add3A_1213] : memref<640000xi32, #tpu.memory_space<hbm>> -> memref<120xi32, #tpu.memory_space<hbm>>
      %dma_start3A_1230 = arith.constant 0 : i32
      %dma_start3A_1231 = tpu.memref_slice %arg7[%dma_start3A_1225, %dma_start3A_1230] : memref<6x120xi32, #tpu.memory_space<vmem>> -> memref<1x120xi32, #tpu.memory_space<vmem>>
      %dma_start3A_1232 = tpu.memref_squeeze %dma_start3A_1231 : memref<1x120xi32, #tpu.memory_space<vmem>> -> memref<120xi32, #tpu.memory_space<vmem>>
      %dma_start3A_1233 = tpu.memref_slice %arg3[%add3A_1213] : memref<640000xi32, #tpu.memory_space<hbm>> -> memref<120xi32, #tpu.memory_space<hbm>>
      tpu.enqueue_dma source(%dma_start3A_1233 : memref<120xi32, #tpu.memory_space<hbm>>) target(%dma_start3A_1232 : memref<120xi32, #tpu.memory_space<vmem>>) target_semaphore(%arg14 : memref<!tpu.dma_semaphore, #tpu.memory_space<semaphore_mem>>)
      %dma_wait3A_1234 = arith.constant 0 : i32
      %dma_wait3A_1235 = arith.constant 0 : i32
      %dma_wait3A_1236 = tpu.memref_slice %arg6[%dma_wait3A_1234, %dma_wait3A_1235] : memref<3x120xi32, #tpu.memory_space<vmem>> -> memref<1x120xi32, #tpu.memory_space<vmem>>
      %dma_wait3A_1237 = tpu.memref_squeeze %dma_wait3A_1236 : memref<1x120xi32, #tpu.memory_space<vmem>> -> memref<120xi32, #tpu.memory_space<vmem>>
      %dma_wait3A_1238 = arith.constant 0 : i32
      %dma_wait3A_1239 = tpu.memref_slice %arg3[%dma_wait3A_1238] : memref<640000xi32, #tpu.memory_space<hbm>> -> memref<120xi32, #tpu.memory_space<hbm>>
      %dma_wait3A_1240 = arith.constant 0 : i32
      %dma_wait3A_1241 = tpu.memref_slice %arg6[%dma_wait3A_1234, %dma_wait3A_1240] : memref<3x120xi32, #tpu.memory_space<vmem>> -> memref<1x120xi32, #tpu.memory_space<vmem>>
      %dma_wait3A_1242 = tpu.memref_squeeze %dma_wait3A_1241 : memref<1x120xi32, #tpu.memory_space<vmem>> -> memref<120xi32, #tpu.memory_space<vmem>>
      %dma_wait3A_1243 = arith.constant 0 : i32
      %dma_wait3A_1244 = tpu.memref_slice %arg3[%dma_wait3A_1243] : memref<640000xi32, #tpu.memory_space<hbm>> -> memref<120xi32, #tpu.memory_space<hbm>>
      tpu.wait_dma2 semaphore(%arg14 : memref<!tpu.dma_semaphore, #tpu.memory_space<semaphore_mem>>) src(%dma_wait3A_1244 : memref<120xi32, #tpu.memory_space<hbm>>) dst(%dma_wait3A_1242 : memref<120xi32, #tpu.memory_space<vmem>>)
      %dma_wait3A_1245 = arith.constant 0 : i32
      %dma_wait3A_1246 = arith.constant 0 : i32
      %dma_wait3A_1247 = tpu.memref_slice %arg7[%dma_wait3A_1245, %dma_wait3A_1246] : memref<6x120xi32, #tpu.memory_space<vmem>> -> memref<1x120xi32, #tpu.memory_space<vmem>>
      %dma_wait3A_1248 = tpu.memref_squeeze %dma_wait3A_1247 : memref<1x120xi32, #tpu.memory_space<vmem>> -> memref<120xi32, #tpu.memory_space<vmem>>
      %dma_wait3A_1249 = arith.constant 0 : i32
      %dma_wait3A_1250 = tpu.memref_slice %arg3[%dma_wait3A_1249] : memref<640000xi32, #tpu.memory_space<hbm>> -> memref<120xi32, #tpu.memory_space<hbm>>
      %dma_wait3A_1251 = arith.constant 0 : i32
      %dma_wait3A_1252 = tpu.memref_slice %arg7[%dma_wait3A_1245, %dma_wait3A_1251] : memref<6x120xi32, #tpu.memory_space<vmem>> -> memref<1x120xi32, #tpu.memory_space<vmem>>
      %dma_wait3A_1253 = tpu.memref_squeeze %dma_wait3A_1252 : memref<1x120xi32, #tpu.memory_space<vmem>> -> memref<120xi32, #tpu.memory_space<vmem>>
      %dma_wait3A_1254 = arith.constant 0 : i32
      %dma_wait3A_1255 = tpu.memref_slice %arg3[%dma_wait3A_1254] : memref<640000xi32, #tpu.memory_space<hbm>> -> memref<120xi32, #tpu.memory_space<hbm>>
      tpu.wait_dma2 semaphore(%arg14 : memref<!tpu.dma_semaphore, #tpu.memory_space<semaphore_mem>>) src(%dma_wait3A_1255 : memref<120xi32, #tpu.memory_space<hbm>>) dst(%dma_wait3A_1253 : memref<120xi32, #tpu.memory_space<vmem>>)
      %dma_start3A_1256 = arith.constant 1 : i32
      %dma_start3A_1257 = arith.constant 1 : i32
      %dma_start3A_1258 = arith.constant 0 : i32
      %dma_start3A_1259 = arith.constant 0 : i32
      %dma_start3A_1260 = tpu.memref_slice %arg8[%dma_start3A_1257, %dma_start3A_1258, %dma_start3A_1259] : memref<3x120x128xf32, #tpu.memory_space<vmem>> -> memref<1x120x128xf32, #tpu.memory_space<vmem>>
      %dma_start3A_1261 = tpu.memref_squeeze %dma_start3A_1260 : memref<1x120x128xf32, #tpu.memory_space<vmem>> -> memref<120x128xf32, #tpu.memory_space<vmem>>
      %dma_start3A_1262 = arith.constant 0 : i32
      %dma_start3A_1263 = tpu.memref_slice %arg6[%dma_start3A_1256, %dma_start3A_1262] : memref<3x120xi32, #tpu.memory_space<vmem>> -> memref<1x120xi32, #tpu.memory_space<vmem>>
      %dma_start3A_1264 = tpu.memref_squeeze %dma_start3A_1263 : memref<1x120xi32, #tpu.memory_space<vmem>> -> memref<120xi32, #tpu.memory_space<vmem>>
      %dma_start3A_1265 = arith.constant 0 : i32
      %dma_start3A_1266 = arith.constant 0 : i32
      %dma_start3A_1267 = tpu.memref_slice %arg2[%dma_start3A_1265, %dma_start3A_1266] : memref<10000x128xf32, #tpu.memory_space<hbm>> -> memref<10000x128xf32, #tpu.memory_space<hbm>>
      tpu.enqueue_indirect_dma source(%dma_start3A_1267 : memref<10000x128xf32, #tpu.memory_space<hbm>>) target(%dma_start3A_1261 : memref<120x128xf32, #tpu.memory_space<vmem>>) offsets(%dma_start3A_1264 : memref<120xi32, #tpu.memory_space<vmem>>) semaphore(%arg15 : memref<!tpu.dma_semaphore, #tpu.memory_space<semaphore_mem>>)
      %dma_wait3A_1268 = arith.constant 0 : i32
      %dma_wait3A_1269 = arith.constant 0 : i32
      %dma_wait3A_1270 = arith.constant 0 : i32
      %dma_wait3A_1271 = tpu.memref_slice %arg8[%dma_wait3A_1268, %dma_wait3A_1269, %dma_wait3A_1270] : memref<3x120x128xf32, #tpu.memory_space<vmem>> -> memref<1x120x128xf32, #tpu.memory_space<vmem>>
      %dma_wait3A_1272 = tpu.memref_squeeze %dma_wait3A_1271 : memref<1x120x128xf32, #tpu.memory_space<vmem>> -> memref<120x128xf32, #tpu.memory_space<vmem>>
      %dma_wait3A_1273 = arith.constant 0 : i32
      %dma_wait3A_1274 = arith.constant 0 : i32
      %dma_wait3A_1275 = tpu.memref_slice %arg2[%dma_wait3A_1273, %dma_wait3A_1274] : memref<10000x128xf32, #tpu.memory_space<hbm>> -> memref<120x128xf32, #tpu.memory_space<hbm>>
      %dma_wait3A_1276 = arith.constant 0 : i32
      %dma_wait3A_1277 = arith.constant 0 : i32
      %dma_wait3A_1278 = tpu.memref_slice %arg8[%dma_wait3A_1268, %dma_wait3A_1276, %dma_wait3A_1277] : memref<3x120x128xf32, #tpu.memory_space<vmem>> -> memref<1x120x128xf32, #tpu.memory_space<vmem>>
      %dma_wait3A_1279 = tpu.memref_squeeze %dma_wait3A_1278 : memref<1x120x128xf32, #tpu.memory_space<vmem>> -> memref<120x128xf32, #tpu.memory_space<vmem>>
      %dma_wait3A_1280 = arith.constant 0 : i32
      %dma_wait3A_1281 = arith.constant 0 : i32
      %dma_wait3A_1282 = tpu.memref_slice %arg2[%dma_wait3A_1280, %dma_wait3A_1281] : memref<10000x128xf32, #tpu.memory_space<hbm>> -> memref<120x128xf32, #tpu.memory_space<hbm>>
      tpu.wait_dma2 semaphore(%arg15 : memref<!tpu.dma_semaphore, #tpu.memory_space<semaphore_mem>>) src(%dma_wait3A_1282 : memref<120x128xf32, #tpu.memory_space<hbm>>) dst(%dma_wait3A_1279 : memref<120x128xf32, #tpu.memory_space<vmem>>)
      %dma_start3A_1283 = arith.constant 0 : i32
      %dma_start3A_1284 = arith.constant 3 : i32
      %dma_start3A_1285 = arith.constant 0 : i32
      %dma_start3A_1286 = arith.constant 0 : i32
      %dma_start3A_1287 = tpu.memref_slice %arg8[%dma_start3A_1283, %dma_start3A_1285, %dma_start3A_1286] : memref<3x120x128xf32, #tpu.memory_space<vmem>> -> memref<1x120x128xf32, #tpu.memory_space<vmem>>
      %dma_start3A_1288 = tpu.memref_squeeze %dma_start3A_1287 : memref<1x120x128xf32, #tpu.memory_space<vmem>> -> memref<120x128xf32, #tpu.memory_space<vmem>>
      %dma_start3A_1289 = arith.constant 0 : i32
      %dma_start3A_1290 = tpu.memref_slice %arg7[%dma_start3A_1284, %dma_start3A_1289] : memref<6x120xi32, #tpu.memory_space<vmem>> -> memref<1x120xi32, #tpu.memory_space<vmem>>
      %dma_start3A_1291 = tpu.memref_squeeze %dma_start3A_1290 : memref<1x120xi32, #tpu.memory_space<vmem>> -> memref<120xi32, #tpu.memory_space<vmem>>
      %dma_start3A_1292 = arith.constant 0 : i32
      %dma_start3A_1293 = arith.constant 0 : i32
      %dma_start3A_1294 = tpu.memref_slice %arg12[%dma_start3A_1292, %dma_start3A_1293] : memref<10240x128xf32, #tpu.memory_space<vmem_shared>> -> memref<10240x128xf32, #tpu.memory_space<vmem_shared>>
      tpu.enqueue_indirect_dma source(%dma_start3A_1288 : memref<120x128xf32, #tpu.memory_space<vmem>>) target(%dma_start3A_1294 : memref<10240x128xf32, #tpu.memory_space<vmem_shared>>) offsets(%dma_start3A_1291 : memref<120xi32, #tpu.memory_space<vmem>>) semaphore(%arg16 : memref<!tpu.dma_semaphore, #tpu.memory_space<semaphore_mem>>) {add = true}
      %dma_start3A_1295 = arith.constant 3 : i32
      %dma_start3A_1296 = arith.constant 0 : i32
      %dma_start3A_1297 = tpu.memref_slice %arg9[%dma_start3A_1296] : memref<136xf32, #tpu.memory_space<vmem>> -> memref<120xf32, #tpu.memory_space<vmem>>
      %dma_start3A_1298 = arith.constant 0 : i32
      %dma_start3A_1299 = tpu.memref_slice %arg7[%dma_start3A_1295, %dma_start3A_1298] : memref<6x120xi32, #tpu.memory_space<vmem>> -> memref<1x120xi32, #tpu.memory_space<vmem>>
      %dma_start3A_1300 = tpu.memref_squeeze %dma_start3A_1299 : memref<1x120xi32, #tpu.memory_space<vmem>> -> memref<120xi32, #tpu.memory_space<vmem>>
      %dma_start3A_1301 = arith.constant 0 : i32
      %dma_start3A_1302 = tpu.memref_slice %arg13[%dma_start3A_1301] : memref<10240xf32, #tpu.memory_space<vmem_shared>> -> memref<10240xf32, #tpu.memory_space<vmem_shared>>
      tpu.enqueue_indirect_dma source(%dma_start3A_1297 : memref<120xf32, #tpu.memory_space<vmem>>) target(%dma_start3A_1302 : memref<10240xf32, #tpu.memory_space<vmem_shared>>) offsets(%dma_start3A_1300 : memref<120xi32, #tpu.memory_space<vmem>>) semaphore(%arg16 : memref<!tpu.dma_semaphore, #tpu.memory_space<semaphore_mem>>) {add = true}
      %add3A_1303 = arith.constant 2 : i32
      %add3A_1304 = arith.addi %add3A_1064, %add3A_1303 : i32
      %dma_wait3A_1305 = arith.constant 0 : i32
      %dma_wait3A_1306 = arith.constant 0 : i32
      %dma_wait3A_1307 = arith.constant 0 : i32
      %dma_wait3A_1308 = tpu.memref_slice %arg8[%dma_wait3A_1305, %dma_wait3A_1306, %dma_wait3A_1307] : memref<3x120x128xf32, #tpu.memory_space<vmem>> -> memref<1x120x128xf32, #tpu.memory_space<vmem>>
      %dma_wait3A_1309 = tpu.memref_squeeze %dma_wait3A_1308 : memref<1x120x128xf32, #tpu.memory_space<vmem>> -> memref<120x128xf32, #tpu.memory_space<vmem>>
      %dma_wait3A_1310 = arith.constant 0 : i32
      %dma_wait3A_1311 = arith.constant 0 : i32
      %dma_wait3A_1312 = tpu.memref_slice %arg12[%dma_wait3A_1310, %dma_wait3A_1311] : memref<10240x128xf32, #tpu.memory_space<vmem_shared>> -> memref<120x128xf32, #tpu.memory_space<vmem_shared>>
      %dma_wait3A_1313 = arith.constant 0 : i32
      %dma_wait3A_1314 = arith.constant 0 : i32
      %dma_wait3A_1315 = tpu.memref_slice %arg12[%dma_wait3A_1313, %dma_wait3A_1314] : memref<10240x128xf32, #tpu.memory_space<vmem_shared>> -> memref<120x128xf32, #tpu.memory_space<vmem_shared>>
      %dma_wait3A_1316 = arith.constant 0 : i32
      %dma_wait3A_1317 = arith.constant 0 : i32
      %dma_wait3A_1318 = tpu.memref_slice %arg8[%dma_wait3A_1305, %dma_wait3A_1316, %dma_wait3A_1317] : memref<3x120x128xf32, #tpu.memory_space<vmem>> -> memref<1x120x128xf32, #tpu.memory_space<vmem>>
      %dma_wait3A_1319 = tpu.memref_squeeze %dma_wait3A_1318 : memref<1x120x128xf32, #tpu.memory_space<vmem>> -> memref<120x128xf32, #tpu.memory_space<vmem>>
      tpu.wait_dma2 semaphore(%arg16 : memref<!tpu.dma_semaphore, #tpu.memory_space<semaphore_mem>>) src(%dma_wait3A_1319 : memref<120x128xf32, #tpu.memory_space<vmem>>) dst(%dma_wait3A_1315 : memref<120x128xf32, #tpu.memory_space<vmem_shared>>)
      %dma_wait3A_1320 = arith.constant 0 : i32
      %dma_wait3A_1321 = tpu.memref_slice %arg9[%dma_wait3A_1320] : memref<136xf32, #tpu.memory_space<vmem>> -> memref<120xf32, #tpu.memory_space<vmem>>
      %dma_wait3A_1322 = arith.constant 0 : i32
      %dma_wait3A_1323 = tpu.memref_slice %arg13[%dma_wait3A_1322] : memref<10240xf32, #tpu.memory_space<vmem_shared>> -> memref<120xf32, #tpu.memory_space<vmem_shared>>
      %dma_wait3A_1324 = arith.constant 0 : i32
      %dma_wait3A_1325 = tpu.memref_slice %arg13[%dma_wait3A_1324] : memref<10240xf32, #tpu.memory_space<vmem_shared>> -> memref<120xf32, #tpu.memory_space<vmem_shared>>
      %dma_wait3A_1326 = arith.constant 0 : i32
      %dma_wait3A_1327 = tpu.memref_slice %arg9[%dma_wait3A_1326] : memref<136xf32, #tpu.memory_space<vmem>> -> memref<120xf32, #tpu.memory_space<vmem>>
      tpu.wait_dma2 semaphore(%arg16 : memref<!tpu.dma_semaphore, #tpu.memory_space<semaphore_mem>>) src(%dma_wait3A_1327 : memref<120xf32, #tpu.memory_space<vmem>>) dst(%dma_wait3A_1325 : memref<120xf32, #tpu.memory_space<vmem_shared>>)
      %add3A_1328 = arith.constant 2 : i32
      %add3A_1329 = arith.addi %add3A_1304, %add3A_1328 : i32
      %mul3A_1330 = arith.constant 120 : i32
      %mul3A_1331 = arith.muli %add3A_1329, %mul3A_1330 : i32
      %add3A_1332 = arith.addi %mul3A_4, %mul3A_1331 : i32
      %add3A_1333 = arith.constant 320000 : i32
      %add3A_1334 = arith.addi %add3A_1333, %add3A_1332 : i32
      %dma_start3A_1335 = arith.constant 0 : i32
      %dma_start3A_1336 = arith.constant 0 : i32
      %dma_start3A_1337 = tpu.memref_slice %arg6[%dma_start3A_1335, %dma_start3A_1336] : memref<3x120xi32, #tpu.memory_space<vmem>> -> memref<1x120xi32, #tpu.memory_space<vmem>>
      %dma_start3A_1338 = tpu.memref_squeeze %dma_start3A_1337 : memref<1x120xi32, #tpu.memory_space<vmem>> -> memref<120xi32, #tpu.memory_space<vmem>>
      %dma_start3A_1339 = tpu.memref_slice %arg3[%add3A_1334] : memref<640000xi32, #tpu.memory_space<hbm>> -> memref<120xi32, #tpu.memory_space<hbm>>
      %dma_start3A_1340 = arith.constant 0 : i32
      %dma_start3A_1341 = tpu.memref_slice %arg6[%dma_start3A_1335, %dma_start3A_1340] : memref<3x120xi32, #tpu.memory_space<vmem>> -> memref<1x120xi32, #tpu.memory_space<vmem>>
      %dma_start3A_1342 = tpu.memref_squeeze %dma_start3A_1341 : memref<1x120xi32, #tpu.memory_space<vmem>> -> memref<120xi32, #tpu.memory_space<vmem>>
      %dma_start3A_1343 = tpu.memref_slice %arg3[%add3A_1334] : memref<640000xi32, #tpu.memory_space<hbm>> -> memref<120xi32, #tpu.memory_space<hbm>>
      tpu.enqueue_dma source(%dma_start3A_1343 : memref<120xi32, #tpu.memory_space<hbm>>) target(%dma_start3A_1342 : memref<120xi32, #tpu.memory_space<vmem>>) target_semaphore(%arg14 : memref<!tpu.dma_semaphore, #tpu.memory_space<semaphore_mem>>)
      %dma_start3A_1344 = arith.constant 0 : i32
      %dma_start3A_1345 = arith.constant 0 : i32
      %dma_start3A_1346 = tpu.memref_slice %arg7[%dma_start3A_1344, %dma_start3A_1345] : memref<6x120xi32, #tpu.memory_space<vmem>> -> memref<1x120xi32, #tpu.memory_space<vmem>>
      %dma_start3A_1347 = tpu.memref_squeeze %dma_start3A_1346 : memref<1x120xi32, #tpu.memory_space<vmem>> -> memref<120xi32, #tpu.memory_space<vmem>>
      %dma_start3A_1348 = tpu.memref_slice %arg3[%add3A_1332] : memref<640000xi32, #tpu.memory_space<hbm>> -> memref<120xi32, #tpu.memory_space<hbm>>
      %dma_start3A_1349 = arith.constant 0 : i32
      %dma_start3A_1350 = tpu.memref_slice %arg7[%dma_start3A_1344, %dma_start3A_1349] : memref<6x120xi32, #tpu.memory_space<vmem>> -> memref<1x120xi32, #tpu.memory_space<vmem>>
      %dma_start3A_1351 = tpu.memref_squeeze %dma_start3A_1350 : memref<1x120xi32, #tpu.memory_space<vmem>> -> memref<120xi32, #tpu.memory_space<vmem>>
      %dma_start3A_1352 = tpu.memref_slice %arg3[%add3A_1332] : memref<640000xi32, #tpu.memory_space<hbm>> -> memref<120xi32, #tpu.memory_space<hbm>>
      tpu.enqueue_dma source(%dma_start3A_1352 : memref<120xi32, #tpu.memory_space<hbm>>) target(%dma_start3A_1351 : memref<120xi32, #tpu.memory_space<vmem>>) target_semaphore(%arg14 : memref<!tpu.dma_semaphore, #tpu.memory_space<semaphore_mem>>)
      %dma_wait3A_1353 = arith.constant 0 : i32
      %dma_wait3A_1354 = arith.constant 0 : i32
      %dma_wait3A_1355 = tpu.memref_slice %arg6[%dma_wait3A_1353, %dma_wait3A_1354] : memref<3x120xi32, #tpu.memory_space<vmem>> -> memref<1x120xi32, #tpu.memory_space<vmem>>
      %dma_wait3A_1356 = tpu.memref_squeeze %dma_wait3A_1355 : memref<1x120xi32, #tpu.memory_space<vmem>> -> memref<120xi32, #tpu.memory_space<vmem>>
      %dma_wait3A_1357 = arith.constant 0 : i32
      %dma_wait3A_1358 = tpu.memref_slice %arg3[%dma_wait3A_1357] : memref<640000xi32, #tpu.memory_space<hbm>> -> memref<120xi32, #tpu.memory_space<hbm>>
      %dma_wait3A_1359 = arith.constant 0 : i32
      %dma_wait3A_1360 = tpu.memref_slice %arg6[%dma_wait3A_1353, %dma_wait3A_1359] : memref<3x120xi32, #tpu.memory_space<vmem>> -> memref<1x120xi32, #tpu.memory_space<vmem>>
      %dma_wait3A_1361 = tpu.memref_squeeze %dma_wait3A_1360 : memref<1x120xi32, #tpu.memory_space<vmem>> -> memref<120xi32, #tpu.memory_space<vmem>>
      %dma_wait3A_1362 = arith.constant 0 : i32
      %dma_wait3A_1363 = tpu.memref_slice %arg3[%dma_wait3A_1362] : memref<640000xi32, #tpu.memory_space<hbm>> -> memref<120xi32, #tpu.memory_space<hbm>>
      tpu.wait_dma2 semaphore(%arg14 : memref<!tpu.dma_semaphore, #tpu.memory_space<semaphore_mem>>) src(%dma_wait3A_1363 : memref<120xi32, #tpu.memory_space<hbm>>) dst(%dma_wait3A_1361 : memref<120xi32, #tpu.memory_space<vmem>>)
      %dma_wait3A_1364 = arith.constant 0 : i32
      %dma_wait3A_1365 = arith.constant 0 : i32
      %dma_wait3A_1366 = tpu.memref_slice %arg7[%dma_wait3A_1364, %dma_wait3A_1365] : memref<6x120xi32, #tpu.memory_space<vmem>> -> memref<1x120xi32, #tpu.memory_space<vmem>>
      %dma_wait3A_1367 = tpu.memref_squeeze %dma_wait3A_1366 : memref<1x120xi32, #tpu.memory_space<vmem>> -> memref<120xi32, #tpu.memory_space<vmem>>
      %dma_wait3A_1368 = arith.constant 0 : i32
      %dma_wait3A_1369 = tpu.memref_slice %arg3[%dma_wait3A_1368] : memref<640000xi32, #tpu.memory_space<hbm>> -> memref<120xi32, #tpu.memory_space<hbm>>
      %dma_wait3A_1370 = arith.constant 0 : i32
      %dma_wait3A_1371 = tpu.memref_slice %arg7[%dma_wait3A_1364, %dma_wait3A_1370] : memref<6x120xi32, #tpu.memory_space<vmem>> -> memref<1x120xi32, #tpu.memory_space<vmem>>
      %dma_wait3A_1372 = tpu.memref_squeeze %dma_wait3A_1371 : memref<1x120xi32, #tpu.memory_space<vmem>> -> memref<120xi32, #tpu.memory_space<vmem>>
      %dma_wait3A_1373 = arith.constant 0 : i32
      %dma_wait3A_1374 = tpu.memref_slice %arg3[%dma_wait3A_1373] : memref<640000xi32, #tpu.memory_space<hbm>> -> memref<120xi32, #tpu.memory_space<hbm>>
      tpu.wait_dma2 semaphore(%arg14 : memref<!tpu.dma_semaphore, #tpu.memory_space<semaphore_mem>>) src(%dma_wait3A_1374 : memref<120xi32, #tpu.memory_space<hbm>>) dst(%dma_wait3A_1372 : memref<120xi32, #tpu.memory_space<vmem>>)
      %dma_start3A_1375 = arith.constant 2 : i32
      %dma_start3A_1376 = arith.constant 2 : i32
      %dma_start3A_1377 = arith.constant 0 : i32
      %dma_start3A_1378 = arith.constant 0 : i32
      %dma_start3A_1379 = tpu.memref_slice %arg8[%dma_start3A_1376, %dma_start3A_1377, %dma_start3A_1378] : memref<3x120x128xf32, #tpu.memory_space<vmem>> -> memref<1x120x128xf32, #tpu.memory_space<vmem>>
      %dma_start3A_1380 = tpu.memref_squeeze %dma_start3A_1379 : memref<1x120x128xf32, #tpu.memory_space<vmem>> -> memref<120x128xf32, #tpu.memory_space<vmem>>
      %dma_start3A_1381 = arith.constant 0 : i32
      %dma_start3A_1382 = tpu.memref_slice %arg6[%dma_start3A_1375, %dma_start3A_1381] : memref<3x120xi32, #tpu.memory_space<vmem>> -> memref<1x120xi32, #tpu.memory_space<vmem>>
      %dma_start3A_1383 = tpu.memref_squeeze %dma_start3A_1382 : memref<1x120xi32, #tpu.memory_space<vmem>> -> memref<120xi32, #tpu.memory_space<vmem>>
      %dma_start3A_1384 = arith.constant 0 : i32
      %dma_start3A_1385 = arith.constant 0 : i32
      %dma_start3A_1386 = tpu.memref_slice %arg2[%dma_start3A_1384, %dma_start3A_1385] : memref<10000x128xf32, #tpu.memory_space<hbm>> -> memref<10000x128xf32, #tpu.memory_space<hbm>>
      tpu.enqueue_indirect_dma source(%dma_start3A_1386 : memref<10000x128xf32, #tpu.memory_space<hbm>>) target(%dma_start3A_1380 : memref<120x128xf32, #tpu.memory_space<vmem>>) offsets(%dma_start3A_1383 : memref<120xi32, #tpu.memory_space<vmem>>) semaphore(%arg15 : memref<!tpu.dma_semaphore, #tpu.memory_space<semaphore_mem>>)
      %dma_wait3A_1387 = arith.constant 1 : i32
      %dma_wait3A_1388 = arith.constant 0 : i32
      %dma_wait3A_1389 = arith.constant 0 : i32
      %dma_wait3A_1390 = tpu.memref_slice %arg8[%dma_wait3A_1387, %dma_wait3A_1388, %dma_wait3A_1389] : memref<3x120x128xf32, #tpu.memory_space<vmem>> -> memref<1x120x128xf32, #tpu.memory_space<vmem>>
      %dma_wait3A_1391 = tpu.memref_squeeze %dma_wait3A_1390 : memref<1x120x128xf32, #tpu.memory_space<vmem>> -> memref<120x128xf32, #tpu.memory_space<vmem>>
      %dma_wait3A_1392 = arith.constant 0 : i32
      %dma_wait3A_1393 = arith.constant 0 : i32
      %dma_wait3A_1394 = tpu.memref_slice %arg2[%dma_wait3A_1392, %dma_wait3A_1393] : memref<10000x128xf32, #tpu.memory_space<hbm>> -> memref<120x128xf32, #tpu.memory_space<hbm>>
      %dma_wait3A_1395 = arith.constant 0 : i32
      %dma_wait3A_1396 = arith.constant 0 : i32
      %dma_wait3A_1397 = tpu.memref_slice %arg8[%dma_wait3A_1387, %dma_wait3A_1395, %dma_wait3A_1396] : memref<3x120x128xf32, #tpu.memory_space<vmem>> -> memref<1x120x128xf32, #tpu.memory_space<vmem>>
      %dma_wait3A_1398 = tpu.memref_squeeze %dma_wait3A_1397 : memref<1x120x128xf32, #tpu.memory_space<vmem>> -> memref<120x128xf32, #tpu.memory_space<vmem>>
      %dma_wait3A_1399 = arith.constant 0 : i32
      %dma_wait3A_1400 = arith.constant 0 : i32
      %dma_wait3A_1401 = tpu.memref_slice %arg2[%dma_wait3A_1399, %dma_wait3A_1400] : memref<10000x128xf32, #tpu.memory_space<hbm>> -> memref<120x128xf32, #tpu.memory_space<hbm>>
      tpu.wait_dma2 semaphore(%arg15 : memref<!tpu.dma_semaphore, #tpu.memory_space<semaphore_mem>>) src(%dma_wait3A_1401 : memref<120x128xf32, #tpu.memory_space<hbm>>) dst(%dma_wait3A_1398 : memref<120x128xf32, #tpu.memory_space<vmem>>)
      %dma_start3A_1402 = arith.constant 1 : i32
      %dma_start3A_1403 = arith.constant 4 : i32
      %dma_start3A_1404 = arith.constant 0 : i32
      %dma_start3A_1405 = arith.constant 0 : i32
      %dma_start3A_1406 = tpu.memref_slice %arg8[%dma_start3A_1402, %dma_start3A_1404, %dma_start3A_1405] : memref<3x120x128xf32, #tpu.memory_space<vmem>> -> memref<1x120x128xf32, #tpu.memory_space<vmem>>
      %dma_start3A_1407 = tpu.memref_squeeze %dma_start3A_1406 : memref<1x120x128xf32, #tpu.memory_space<vmem>> -> memref<120x128xf32, #tpu.memory_space<vmem>>
      %dma_start3A_1408 = arith.constant 0 : i32
      %dma_start3A_1409 = tpu.memref_slice %arg7[%dma_start3A_1403, %dma_start3A_1408] : memref<6x120xi32, #tpu.memory_space<vmem>> -> memref<1x120xi32, #tpu.memory_space<vmem>>
      %dma_start3A_1410 = tpu.memref_squeeze %dma_start3A_1409 : memref<1x120xi32, #tpu.memory_space<vmem>> -> memref<120xi32, #tpu.memory_space<vmem>>
      %dma_start3A_1411 = arith.constant 0 : i32
      %dma_start3A_1412 = arith.constant 0 : i32
      %dma_start3A_1413 = tpu.memref_slice %arg12[%dma_start3A_1411, %dma_start3A_1412] : memref<10240x128xf32, #tpu.memory_space<vmem_shared>> -> memref<10240x128xf32, #tpu.memory_space<vmem_shared>>
      tpu.enqueue_indirect_dma source(%dma_start3A_1407 : memref<120x128xf32, #tpu.memory_space<vmem>>) target(%dma_start3A_1413 : memref<10240x128xf32, #tpu.memory_space<vmem_shared>>) offsets(%dma_start3A_1410 : memref<120xi32, #tpu.memory_space<vmem>>) semaphore(%arg16 : memref<!tpu.dma_semaphore, #tpu.memory_space<semaphore_mem>>) {add = true}
      %dma_start3A_1414 = arith.constant 4 : i32
      %dma_start3A_1415 = arith.constant 0 : i32
      %dma_start3A_1416 = tpu.memref_slice %arg9[%dma_start3A_1415] : memref<136xf32, #tpu.memory_space<vmem>> -> memref<120xf32, #tpu.memory_space<vmem>>
      %dma_start3A_1417 = arith.constant 0 : i32
      %dma_start3A_1418 = tpu.memref_slice %arg7[%dma_start3A_1414, %dma_start3A_1417] : memref<6x120xi32, #tpu.memory_space<vmem>> -> memref<1x120xi32, #tpu.memory_space<vmem>>
      %dma_start3A_1419 = tpu.memref_squeeze %dma_start3A_1418 : memref<1x120xi32, #tpu.memory_space<vmem>> -> memref<120xi32, #tpu.memory_space<vmem>>
      %dma_start3A_1420 = arith.constant 0 : i32
      %dma_start3A_1421 = tpu.memref_slice %arg13[%dma_start3A_1420] : memref<10240xf32, #tpu.memory_space<vmem_shared>> -> memref<10240xf32, #tpu.memory_space<vmem_shared>>
      tpu.enqueue_indirect_dma source(%dma_start3A_1416 : memref<120xf32, #tpu.memory_space<vmem>>) target(%dma_start3A_1421 : memref<10240xf32, #tpu.memory_space<vmem_shared>>) offsets(%dma_start3A_1419 : memref<120xi32, #tpu.memory_space<vmem>>) semaphore(%arg16 : memref<!tpu.dma_semaphore, #tpu.memory_space<semaphore_mem>>) {add = true}
      %add3A_1422 = arith.constant 3 : i32
      %add3A_1423 = arith.addi %add3A_1064, %add3A_1422 : i32
      %dma_wait3A_1424 = arith.constant 0 : i32
      %dma_wait3A_1425 = arith.constant 0 : i32
      %dma_wait3A_1426 = arith.constant 0 : i32
      %dma_wait3A_1427 = tpu.memref_slice %arg8[%dma_wait3A_1424, %dma_wait3A_1425, %dma_wait3A_1426] : memref<3x120x128xf32, #tpu.memory_space<vmem>> -> memref<1x120x128xf32, #tpu.memory_space<vmem>>
      %dma_wait3A_1428 = tpu.memref_squeeze %dma_wait3A_1427 : memref<1x120x128xf32, #tpu.memory_space<vmem>> -> memref<120x128xf32, #tpu.memory_space<vmem>>
      %dma_wait3A_1429 = arith.constant 0 : i32
      %dma_wait3A_1430 = arith.constant 0 : i32
      %dma_wait3A_1431 = tpu.memref_slice %arg12[%dma_wait3A_1429, %dma_wait3A_1430] : memref<10240x128xf32, #tpu.memory_space<vmem_shared>> -> memref<120x128xf32, #tpu.memory_space<vmem_shared>>
      %dma_wait3A_1432 = arith.constant 0 : i32
      %dma_wait3A_1433 = arith.constant 0 : i32
      %dma_wait3A_1434 = tpu.memref_slice %arg12[%dma_wait3A_1432, %dma_wait3A_1433] : memref<10240x128xf32, #tpu.memory_space<vmem_shared>> -> memref<120x128xf32, #tpu.memory_space<vmem_shared>>
      %dma_wait3A_1435 = arith.constant 0 : i32
      %dma_wait3A_1436 = arith.constant 0 : i32
      %dma_wait3A_1437 = tpu.memref_slice %arg8[%dma_wait3A_1424, %dma_wait3A_1435, %dma_wait3A_1436] : memref<3x120x128xf32, #tpu.memory_space<vmem>> -> memref<1x120x128xf32, #tpu.memory_space<vmem>>
      %dma_wait3A_1438 = tpu.memref_squeeze %dma_wait3A_1437 : memref<1x120x128xf32, #tpu.memory_space<vmem>> -> memref<120x128xf32, #tpu.memory_space<vmem>>
      tpu.wait_dma2 semaphore(%arg16 : memref<!tpu.dma_semaphore, #tpu.memory_space<semaphore_mem>>) src(%dma_wait3A_1438 : memref<120x128xf32, #tpu.memory_space<vmem>>) dst(%dma_wait3A_1434 : memref<120x128xf32, #tpu.memory_space<vmem_shared>>)
      %dma_wait3A_1439 = arith.constant 0 : i32
      %dma_wait3A_1440 = tpu.memref_slice %arg9[%dma_wait3A_1439] : memref<136xf32, #tpu.memory_space<vmem>> -> memref<120xf32, #tpu.memory_space<vmem>>
      %dma_wait3A_1441 = arith.constant 0 : i32
      %dma_wait3A_1442 = tpu.memref_slice %arg13[%dma_wait3A_1441] : memref<10240xf32, #tpu.memory_space<vmem_shared>> -> memref<120xf32, #tpu.memory_space<vmem_shared>>
      %dma_wait3A_1443 = arith.constant 0 : i32
      %dma_wait3A_1444 = tpu.memref_slice %arg13[%dma_wait3A_1443] : memref<10240xf32, #tpu.memory_space<vmem_shared>> -> memref<120xf32, #tpu.memory_space<vmem_shared>>
      %dma_wait3A_1445 = arith.constant 0 : i32
      %dma_wait3A_1446 = tpu.memref_slice %arg9[%dma_wait3A_1445] : memref<136xf32, #tpu.memory_space<vmem>> -> memref<120xf32, #tpu.memory_space<vmem>>
      tpu.wait_dma2 semaphore(%arg16 : memref<!tpu.dma_semaphore, #tpu.memory_space<semaphore_mem>>) src(%dma_wait3A_1446 : memref<120xf32, #tpu.memory_space<vmem>>) dst(%dma_wait3A_1444 : memref<120xf32, #tpu.memory_space<vmem_shared>>)
      %add3A_1447 = arith.constant 2 : i32
      %add3A_1448 = arith.addi %add3A_1423, %add3A_1447 : i32
      %mul3A_1449 = arith.constant 120 : i32
      %mul3A_1450 = arith.muli %add3A_1448, %mul3A_1449 : i32
      %add3A_1451 = arith.addi %mul3A_4, %mul3A_1450 : i32
      %add3A_1452 = arith.constant 320000 : i32
      %add3A_1453 = arith.addi %add3A_1452, %add3A_1451 : i32
      %dma_start3A_1454 = arith.constant 1 : i32
      %dma_start3A_1455 = arith.constant 0 : i32
      %dma_start3A_1456 = tpu.memref_slice %arg6[%dma_start3A_1454, %dma_start3A_1455] : memref<3x120xi32, #tpu.memory_space<vmem>> -> memref<1x120xi32, #tpu.memory_space<vmem>>
      %dma_start3A_1457 = tpu.memref_squeeze %dma_start3A_1456 : memref<1x120xi32, #tpu.memory_space<vmem>> -> memref<120xi32, #tpu.memory_space<vmem>>
      %dma_start3A_1458 = tpu.memref_slice %arg3[%add3A_1453] : memref<640000xi32, #tpu.memory_space<hbm>> -> memref<120xi32, #tpu.memory_space<hbm>>
      %dma_start3A_1459 = arith.constant 0 : i32
      %dma_start3A_1460 = tpu.memref_slice %arg6[%dma_start3A_1454, %dma_start3A_1459] : memref<3x120xi32, #tpu.memory_space<vmem>> -> memref<1x120xi32, #tpu.memory_space<vmem>>
      %dma_start3A_1461 = tpu.memref_squeeze %dma_start3A_1460 : memref<1x120xi32, #tpu.memory_space<vmem>> -> memref<120xi32, #tpu.memory_space<vmem>>
      %dma_start3A_1462 = tpu.memref_slice %arg3[%add3A_1453] : memref<640000xi32, #tpu.memory_space<hbm>> -> memref<120xi32, #tpu.memory_space<hbm>>
      tpu.enqueue_dma source(%dma_start3A_1462 : memref<120xi32, #tpu.memory_space<hbm>>) target(%dma_start3A_1461 : memref<120xi32, #tpu.memory_space<vmem>>) target_semaphore(%arg14 : memref<!tpu.dma_semaphore, #tpu.memory_space<semaphore_mem>>)
      %dma_start3A_1463 = arith.constant 1 : i32
      %dma_start3A_1464 = arith.constant 0 : i32
      %dma_start3A_1465 = tpu.memref_slice %arg7[%dma_start3A_1463, %dma_start3A_1464] : memref<6x120xi32, #tpu.memory_space<vmem>> -> memref<1x120xi32, #tpu.memory_space<vmem>>
      %dma_start3A_1466 = tpu.memref_squeeze %dma_start3A_1465 : memref<1x120xi32, #tpu.memory_space<vmem>> -> memref<120xi32, #tpu.memory_space<vmem>>
      %dma_start3A_1467 = tpu.memref_slice %arg3[%add3A_1451] : memref<640000xi32, #tpu.memory_space<hbm>> -> memref<120xi32, #tpu.memory_space<hbm>>
      %dma_start3A_1468 = arith.constant 0 : i32
      %dma_start3A_1469 = tpu.memref_slice %arg7[%dma_start3A_1463, %dma_start3A_1468] : memref<6x120xi32, #tpu.memory_space<vmem>> -> memref<1x120xi32, #tpu.memory_space<vmem>>
      %dma_start3A_1470 = tpu.memref_squeeze %dma_start3A_1469 : memref<1x120xi32, #tpu.memory_space<vmem>> -> memref<120xi32, #tpu.memory_space<vmem>>
      %dma_start3A_1471 = tpu.memref_slice %arg3[%add3A_1451] : memref<640000xi32, #tpu.memory_space<hbm>> -> memref<120xi32, #tpu.memory_space<hbm>>
      tpu.enqueue_dma source(%dma_start3A_1471 : memref<120xi32, #tpu.memory_space<hbm>>) target(%dma_start3A_1470 : memref<120xi32, #tpu.memory_space<vmem>>) target_semaphore(%arg14 : memref<!tpu.dma_semaphore, #tpu.memory_space<semaphore_mem>>)
      %dma_wait3A_1472 = arith.constant 0 : i32
      %dma_wait3A_1473 = arith.constant 0 : i32
      %dma_wait3A_1474 = tpu.memref_slice %arg6[%dma_wait3A_1472, %dma_wait3A_1473] : memref<3x120xi32, #tpu.memory_space<vmem>> -> memref<1x120xi32, #tpu.memory_space<vmem>>
      %dma_wait3A_1475 = tpu.memref_squeeze %dma_wait3A_1474 : memref<1x120xi32, #tpu.memory_space<vmem>> -> memref<120xi32, #tpu.memory_space<vmem>>
      %dma_wait3A_1476 = arith.constant 0 : i32
      %dma_wait3A_1477 = tpu.memref_slice %arg3[%dma_wait3A_1476] : memref<640000xi32, #tpu.memory_space<hbm>> -> memref<120xi32, #tpu.memory_space<hbm>>
      %dma_wait3A_1478 = arith.constant 0 : i32
      %dma_wait3A_1479 = tpu.memref_slice %arg6[%dma_wait3A_1472, %dma_wait3A_1478] : memref<3x120xi32, #tpu.memory_space<vmem>> -> memref<1x120xi32, #tpu.memory_space<vmem>>
      %dma_wait3A_1480 = tpu.memref_squeeze %dma_wait3A_1479 : memref<1x120xi32, #tpu.memory_space<vmem>> -> memref<120xi32, #tpu.memory_space<vmem>>
      %dma_wait3A_1481 = arith.constant 0 : i32
      %dma_wait3A_1482 = tpu.memref_slice %arg3[%dma_wait3A_1481] : memref<640000xi32, #tpu.memory_space<hbm>> -> memref<120xi32, #tpu.memory_space<hbm>>
      tpu.wait_dma2 semaphore(%arg14 : memref<!tpu.dma_semaphore, #tpu.memory_space<semaphore_mem>>) src(%dma_wait3A_1482 : memref<120xi32, #tpu.memory_space<hbm>>) dst(%dma_wait3A_1480 : memref<120xi32, #tpu.memory_space<vmem>>)
      %dma_wait3A_1483 = arith.constant 0 : i32
      %dma_wait3A_1484 = arith.constant 0 : i32
      %dma_wait3A_1485 = tpu.memref_slice %arg7[%dma_wait3A_1483, %dma_wait3A_1484] : memref<6x120xi32, #tpu.memory_space<vmem>> -> memref<1x120xi32, #tpu.memory_space<vmem>>
      %dma_wait3A_1486 = tpu.memref_squeeze %dma_wait3A_1485 : memref<1x120xi32, #tpu.memory_space<vmem>> -> memref<120xi32, #tpu.memory_space<vmem>>
      %dma_wait3A_1487 = arith.constant 0 : i32
      %dma_wait3A_1488 = tpu.memref_slice %arg3[%dma_wait3A_1487] : memref<640000xi32, #tpu.memory_space<hbm>> -> memref<120xi32, #tpu.memory_space<hbm>>
      %dma_wait3A_1489 = arith.constant 0 : i32
      %dma_wait3A_1490 = tpu.memref_slice %arg7[%dma_wait3A_1483, %dma_wait3A_1489] : memref<6x120xi32, #tpu.memory_space<vmem>> -> memref<1x120xi32, #tpu.memory_space<vmem>>
      %dma_wait3A_1491 = tpu.memref_squeeze %dma_wait3A_1490 : memref<1x120xi32, #tpu.memory_space<vmem>> -> memref<120xi32, #tpu.memory_space<vmem>>
      %dma_wait3A_1492 = arith.constant 0 : i32
      %dma_wait3A_1493 = tpu.memref_slice %arg3[%dma_wait3A_1492] : memref<640000xi32, #tpu.memory_space<hbm>> -> memref<120xi32, #tpu.memory_space<hbm>>
      tpu.wait_dma2 semaphore(%arg14 : memref<!tpu.dma_semaphore, #tpu.memory_space<semaphore_mem>>) src(%dma_wait3A_1493 : memref<120xi32, #tpu.memory_space<hbm>>) dst(%dma_wait3A_1491 : memref<120xi32, #tpu.memory_space<vmem>>)
      %dma_start3A_1494 = arith.constant 0 : i32
      %dma_start3A_1495 = arith.constant 0 : i32
      %dma_start3A_1496 = arith.constant 0 : i32
      %dma_start3A_1497 = arith.constant 0 : i32
      %dma_start3A_1498 = tpu.memref_slice %arg8[%dma_start3A_1495, %dma_start3A_1496, %dma_start3A_1497] : memref<3x120x128xf32, #tpu.memory_space<vmem>> -> memref<1x120x128xf32, #tpu.memory_space<vmem>>
      %dma_start3A_1499 = tpu.memref_squeeze %dma_start3A_1498 : memref<1x120x128xf32, #tpu.memory_space<vmem>> -> memref<120x128xf32, #tpu.memory_space<vmem>>
      %dma_start3A_1500 = arith.constant 0 : i32
      %dma_start3A_1501 = tpu.memref_slice %arg6[%dma_start3A_1494, %dma_start3A_1500] : memref<3x120xi32, #tpu.memory_space<vmem>> -> memref<1x120xi32, #tpu.memory_space<vmem>>
      %dma_start3A_1502 = tpu.memref_squeeze %dma_start3A_1501 : memref<1x120xi32, #tpu.memory_space<vmem>> -> memref<120xi32, #tpu.memory_space<vmem>>
      %dma_start3A_1503 = arith.constant 0 : i32
      %dma_start3A_1504 = arith.constant 0 : i32
      %dma_start3A_1505 = tpu.memref_slice %arg2[%dma_start3A_1503, %dma_start3A_1504] : memref<10000x128xf32, #tpu.memory_space<hbm>> -> memref<10000x128xf32, #tpu.memory_space<hbm>>
      tpu.enqueue_indirect_dma source(%dma_start3A_1505 : memref<10000x128xf32, #tpu.memory_space<hbm>>) target(%dma_start3A_1499 : memref<120x128xf32, #tpu.memory_space<vmem>>) offsets(%dma_start3A_1502 : memref<120xi32, #tpu.memory_space<vmem>>) semaphore(%arg15 : memref<!tpu.dma_semaphore, #tpu.memory_space<semaphore_mem>>)
      %dma_wait3A_1506 = arith.constant 2 : i32
      %dma_wait3A_1507 = arith.constant 0 : i32
      %dma_wait3A_1508 = arith.constant 0 : i32
      %dma_wait3A_1509 = tpu.memref_slice %arg8[%dma_wait3A_1506, %dma_wait3A_1507, %dma_wait3A_1508] : memref<3x120x128xf32, #tpu.memory_space<vmem>> -> memref<1x120x128xf32, #tpu.memory_space<vmem>>
      %dma_wait3A_1510 = tpu.memref_squeeze %dma_wait3A_1509 : memref<1x120x128xf32, #tpu.memory_space<vmem>> -> memref<120x128xf32, #tpu.memory_space<vmem>>
      %dma_wait3A_1511 = arith.constant 0 : i32
      %dma_wait3A_1512 = arith.constant 0 : i32
      %dma_wait3A_1513 = tpu.memref_slice %arg2[%dma_wait3A_1511, %dma_wait3A_1512] : memref<10000x128xf32, #tpu.memory_space<hbm>> -> memref<120x128xf32, #tpu.memory_space<hbm>>
      %dma_wait3A_1514 = arith.constant 0 : i32
      %dma_wait3A_1515 = arith.constant 0 : i32
      %dma_wait3A_1516 = tpu.memref_slice %arg8[%dma_wait3A_1506, %dma_wait3A_1514, %dma_wait3A_1515] : memref<3x120x128xf32, #tpu.memory_space<vmem>> -> memref<1x120x128xf32, #tpu.memory_space<vmem>>
      %dma_wait3A_1517 = tpu.memref_squeeze %dma_wait3A_1516 : memref<1x120x128xf32, #tpu.memory_space<vmem>> -> memref<120x128xf32, #tpu.memory_space<vmem>>
      %dma_wait3A_1518 = arith.constant 0 : i32
      %dma_wait3A_1519 = arith.constant 0 : i32
      %dma_wait3A_1520 = tpu.memref_slice %arg2[%dma_wait3A_1518, %dma_wait3A_1519] : memref<10000x128xf32, #tpu.memory_space<hbm>> -> memref<120x128xf32, #tpu.memory_space<hbm>>
      tpu.wait_dma2 semaphore(%arg15 : memref<!tpu.dma_semaphore, #tpu.memory_space<semaphore_mem>>) src(%dma_wait3A_1520 : memref<120x128xf32, #tpu.memory_space<hbm>>) dst(%dma_wait3A_1517 : memref<120x128xf32, #tpu.memory_space<vmem>>)
      %dma_start3A_1521 = arith.constant 2 : i32
      %dma_start3A_1522 = arith.constant 5 : i32
      %dma_start3A_1523 = arith.constant 0 : i32
      %dma_start3A_1524 = arith.constant 0 : i32
      %dma_start3A_1525 = tpu.memref_slice %arg8[%dma_start3A_1521, %dma_start3A_1523, %dma_start3A_1524] : memref<3x120x128xf32, #tpu.memory_space<vmem>> -> memref<1x120x128xf32, #tpu.memory_space<vmem>>
      %dma_start3A_1526 = tpu.memref_squeeze %dma_start3A_1525 : memref<1x120x128xf32, #tpu.memory_space<vmem>> -> memref<120x128xf32, #tpu.memory_space<vmem>>
      %dma_start3A_1527 = arith.constant 0 : i32
      %dma_start3A_1528 = tpu.memref_slice %arg7[%dma_start3A_1522, %dma_start3A_1527] : memref<6x120xi32, #tpu.memory_space<vmem>> -> memref<1x120xi32, #tpu.memory_space<vmem>>
      %dma_start3A_1529 = tpu.memref_squeeze %dma_start3A_1528 : memref<1x120xi32, #tpu.memory_space<vmem>> -> memref<120xi32, #tpu.memory_space<vmem>>
      %dma_start3A_1530 = arith.constant 0 : i32
      %dma_start3A_1531 = arith.constant 0 : i32
      %dma_start3A_1532 = tpu.memref_slice %arg12[%dma_start3A_1530, %dma_start3A_1531] : memref<10240x128xf32, #tpu.memory_space<vmem_shared>> -> memref<10240x128xf32, #tpu.memory_space<vmem_shared>>
      tpu.enqueue_indirect_dma source(%dma_start3A_1526 : memref<120x128xf32, #tpu.memory_space<vmem>>) target(%dma_start3A_1532 : memref<10240x128xf32, #tpu.memory_space<vmem_shared>>) offsets(%dma_start3A_1529 : memref<120xi32, #tpu.memory_space<vmem>>) semaphore(%arg16 : memref<!tpu.dma_semaphore, #tpu.memory_space<semaphore_mem>>) {add = true}
      %dma_start3A_1533 = arith.constant 5 : i32
      %dma_start3A_1534 = arith.constant 0 : i32
      %dma_start3A_1535 = tpu.memref_slice %arg9[%dma_start3A_1534] : memref<136xf32, #tpu.memory_space<vmem>> -> memref<120xf32, #tpu.memory_space<vmem>>
      %dma_start3A_1536 = arith.constant 0 : i32
      %dma_start3A_1537 = tpu.memref_slice %arg7[%dma_start3A_1533, %dma_start3A_1536] : memref<6x120xi32, #tpu.memory_space<vmem>> -> memref<1x120xi32, #tpu.memory_space<vmem>>
      %dma_start3A_1538 = tpu.memref_squeeze %dma_start3A_1537 : memref<1x120xi32, #tpu.memory_space<vmem>> -> memref<120xi32, #tpu.memory_space<vmem>>
      %dma_start3A_1539 = arith.constant 0 : i32
      %dma_start3A_1540 = tpu.memref_slice %arg13[%dma_start3A_1539] : memref<10240xf32, #tpu.memory_space<vmem_shared>> -> memref<10240xf32, #tpu.memory_space<vmem_shared>>
      tpu.enqueue_indirect_dma source(%dma_start3A_1535 : memref<120xf32, #tpu.memory_space<vmem>>) target(%dma_start3A_1540 : memref<10240xf32, #tpu.memory_space<vmem_shared>>) offsets(%dma_start3A_1538 : memref<120xi32, #tpu.memory_space<vmem>>) semaphore(%arg16 : memref<!tpu.dma_semaphore, #tpu.memory_space<semaphore_mem>>) {add = true}
      %add3A_1541 = arith.constant 4 : i32
      %add3A_1542 = arith.addi %add3A_1064, %add3A_1541 : i32
      %dma_wait3A_1543 = arith.constant 0 : i32
      %dma_wait3A_1544 = arith.constant 0 : i32
      %dma_wait3A_1545 = arith.constant 0 : i32
      %dma_wait3A_1546 = tpu.memref_slice %arg8[%dma_wait3A_1543, %dma_wait3A_1544, %dma_wait3A_1545] : memref<3x120x128xf32, #tpu.memory_space<vmem>> -> memref<1x120x128xf32, #tpu.memory_space<vmem>>
      %dma_wait3A_1547 = tpu.memref_squeeze %dma_wait3A_1546 : memref<1x120x128xf32, #tpu.memory_space<vmem>> -> memref<120x128xf32, #tpu.memory_space<vmem>>
      %dma_wait3A_1548 = arith.constant 0 : i32
      %dma_wait3A_1549 = arith.constant 0 : i32
      %dma_wait3A_1550 = tpu.memref_slice %arg12[%dma_wait3A_1548, %dma_wait3A_1549] : memref<10240x128xf32, #tpu.memory_space<vmem_shared>> -> memref<120x128xf32, #tpu.memory_space<vmem_shared>>
      %dma_wait3A_1551 = arith.constant 0 : i32
      %dma_wait3A_1552 = arith.constant 0 : i32
      %dma_wait3A_1553 = tpu.memref_slice %arg12[%dma_wait3A_1551, %dma_wait3A_1552] : memref<10240x128xf32, #tpu.memory_space<vmem_shared>> -> memref<120x128xf32, #tpu.memory_space<vmem_shared>>
      %dma_wait3A_1554 = arith.constant 0 : i32
      %dma_wait3A_1555 = arith.constant 0 : i32
      %dma_wait3A_1556 = tpu.memref_slice %arg8[%dma_wait3A_1543, %dma_wait3A_1554, %dma_wait3A_1555] : memref<3x120x128xf32, #tpu.memory_space<vmem>> -> memref<1x120x128xf32, #tpu.memory_space<vmem>>
      %dma_wait3A_1557 = tpu.memref_squeeze %dma_wait3A_1556 : memref<1x120x128xf32, #tpu.memory_space<vmem>> -> memref<120x128xf32, #tpu.memory_space<vmem>>
      tpu.wait_dma2 semaphore(%arg16 : memref<!tpu.dma_semaphore, #tpu.memory_space<semaphore_mem>>) src(%dma_wait3A_1557 : memref<120x128xf32, #tpu.memory_space<vmem>>) dst(%dma_wait3A_1553 : memref<120x128xf32, #tpu.memory_space<vmem_shared>>)
      %dma_wait3A_1558 = arith.constant 0 : i32
      %dma_wait3A_1559 = tpu.memref_slice %arg9[%dma_wait3A_1558] : memref<136xf32, #tpu.memory_space<vmem>> -> memref<120xf32, #tpu.memory_space<vmem>>
      %dma_wait3A_1560 = arith.constant 0 : i32
      %dma_wait3A_1561 = tpu.memref_slice %arg13[%dma_wait3A_1560] : memref<10240xf32, #tpu.memory_space<vmem_shared>> -> memref<120xf32, #tpu.memory_space<vmem_shared>>
      %dma_wait3A_1562 = arith.constant 0 : i32
      %dma_wait3A_1563 = tpu.memref_slice %arg13[%dma_wait3A_1562] : memref<10240xf32, #tpu.memory_space<vmem_shared>> -> memref<120xf32, #tpu.memory_space<vmem_shared>>
      %dma_wait3A_1564 = arith.constant 0 : i32
      %dma_wait3A_1565 = tpu.memref_slice %arg9[%dma_wait3A_1564] : memref<136xf32, #tpu.memory_space<vmem>> -> memref<120xf32, #tpu.memory_space<vmem>>
      tpu.wait_dma2 semaphore(%arg16 : memref<!tpu.dma_semaphore, #tpu.memory_space<semaphore_mem>>) src(%dma_wait3A_1565 : memref<120xf32, #tpu.memory_space<vmem>>) dst(%dma_wait3A_1563 : memref<120xf32, #tpu.memory_space<vmem_shared>>)
      %add3A_1566 = arith.constant 2 : i32
      %add3A_1567 = arith.addi %add3A_1542, %add3A_1566 : i32
      %mul3A_1568 = arith.constant 120 : i32
      %mul3A_1569 = arith.muli %add3A_1567, %mul3A_1568 : i32
      %add3A_1570 = arith.addi %mul3A_4, %mul3A_1569 : i32
      %add3A_1571 = arith.constant 320000 : i32
      %add3A_1572 = arith.addi %add3A_1571, %add3A_1570 : i32
      %dma_start3A_1573 = arith.constant 2 : i32
      %dma_start3A_1574 = arith.constant 0 : i32
      %dma_start3A_1575 = tpu.memref_slice %arg6[%dma_start3A_1573, %dma_start3A_1574] : memref<3x120xi32, #tpu.memory_space<vmem>> -> memref<1x120xi32, #tpu.memory_space<vmem>>
      %dma_start3A_1576 = tpu.memref_squeeze %dma_start3A_1575 : memref<1x120xi32, #tpu.memory_space<vmem>> -> memref<120xi32, #tpu.memory_space<vmem>>
      %dma_start3A_1577 = tpu.memref_slice %arg3[%add3A_1572] : memref<640000xi32, #tpu.memory_space<hbm>> -> memref<120xi32, #tpu.memory_space<hbm>>
      %dma_start3A_1578 = arith.constant 0 : i32
      %dma_start3A_1579 = tpu.memref_slice %arg6[%dma_start3A_1573, %dma_start3A_1578] : memref<3x120xi32, #tpu.memory_space<vmem>> -> memref<1x120xi32, #tpu.memory_space<vmem>>
      %dma_start3A_1580 = tpu.memref_squeeze %dma_start3A_1579 : memref<1x120xi32, #tpu.memory_space<vmem>> -> memref<120xi32, #tpu.memory_space<vmem>>
      %dma_start3A_1581 = tpu.memref_slice %arg3[%add3A_1572] : memref<640000xi32, #tpu.memory_space<hbm>> -> memref<120xi32, #tpu.memory_space<hbm>>
      tpu.enqueue_dma source(%dma_start3A_1581 : memref<120xi32, #tpu.memory_space<hbm>>) target(%dma_start3A_1580 : memref<120xi32, #tpu.memory_space<vmem>>) target_semaphore(%arg14 : memref<!tpu.dma_semaphore, #tpu.memory_space<semaphore_mem>>)
      %dma_start3A_1582 = arith.constant 2 : i32
      %dma_start3A_1583 = arith.constant 0 : i32
      %dma_start3A_1584 = tpu.memref_slice %arg7[%dma_start3A_1582, %dma_start3A_1583] : memref<6x120xi32, #tpu.memory_space<vmem>> -> memref<1x120xi32, #tpu.memory_space<vmem>>
      %dma_start3A_1585 = tpu.memref_squeeze %dma_start3A_1584 : memref<1x120xi32, #tpu.memory_space<vmem>> -> memref<120xi32, #tpu.memory_space<vmem>>
      %dma_start3A_1586 = tpu.memref_slice %arg3[%add3A_1570] : memref<640000xi32, #tpu.memory_space<hbm>> -> memref<120xi32, #tpu.memory_space<hbm>>
      %dma_start3A_1587 = arith.constant 0 : i32
      %dma_start3A_1588 = tpu.memref_slice %arg7[%dma_start3A_1582, %dma_start3A_1587] : memref<6x120xi32, #tpu.memory_space<vmem>> -> memref<1x120xi32, #tpu.memory_space<vmem>>
      %dma_start3A_1589 = tpu.memref_squeeze %dma_start3A_1588 : memref<1x120xi32, #tpu.memory_space<vmem>> -> memref<120xi32, #tpu.memory_space<vmem>>
      %dma_start3A_1590 = tpu.memref_slice %arg3[%add3A_1570] : memref<640000xi32, #tpu.memory_space<hbm>> -> memref<120xi32, #tpu.memory_space<hbm>>
      tpu.enqueue_dma source(%dma_start3A_1590 : memref<120xi32, #tpu.memory_space<hbm>>) target(%dma_start3A_1589 : memref<120xi32, #tpu.memory_space<vmem>>) target_semaphore(%arg14 : memref<!tpu.dma_semaphore, #tpu.memory_space<semaphore_mem>>)
      %dma_wait3A_1591 = arith.constant 0 : i32
      %dma_wait3A_1592 = arith.constant 0 : i32
      %dma_wait3A_1593 = tpu.memref_slice %arg6[%dma_wait3A_1591, %dma_wait3A_1592] : memref<3x120xi32, #tpu.memory_space<vmem>> -> memref<1x120xi32, #tpu.memory_space<vmem>>
      %dma_wait3A_1594 = tpu.memref_squeeze %dma_wait3A_1593 : memref<1x120xi32, #tpu.memory_space<vmem>> -> memref<120xi32, #tpu.memory_space<vmem>>
      %dma_wait3A_1595 = arith.constant 0 : i32
      %dma_wait3A_1596 = tpu.memref_slice %arg3[%dma_wait3A_1595] : memref<640000xi32, #tpu.memory_space<hbm>> -> memref<120xi32, #tpu.memory_space<hbm>>
      %dma_wait3A_1597 = arith.constant 0 : i32
      %dma_wait3A_1598 = tpu.memref_slice %arg6[%dma_wait3A_1591, %dma_wait3A_1597] : memref<3x120xi32, #tpu.memory_space<vmem>> -> memref<1x120xi32, #tpu.memory_space<vmem>>
      %dma_wait3A_1599 = tpu.memref_squeeze %dma_wait3A_1598 : memref<1x120xi32, #tpu.memory_space<vmem>> -> memref<120xi32, #tpu.memory_space<vmem>>
      %dma_wait3A_1600 = arith.constant 0 : i32
      %dma_wait3A_1601 = tpu.memref_slice %arg3[%dma_wait3A_1600] : memref<640000xi32, #tpu.memory_space<hbm>> -> memref<120xi32, #tpu.memory_space<hbm>>
      tpu.wait_dma2 semaphore(%arg14 : memref<!tpu.dma_semaphore, #tpu.memory_space<semaphore_mem>>) src(%dma_wait3A_1601 : memref<120xi32, #tpu.memory_space<hbm>>) dst(%dma_wait3A_1599 : memref<120xi32, #tpu.memory_space<vmem>>)
      %dma_wait3A_1602 = arith.constant 0 : i32
      %dma_wait3A_1603 = arith.constant 0 : i32
      %dma_wait3A_1604 = tpu.memref_slice %arg7[%dma_wait3A_1602, %dma_wait3A_1603] : memref<6x120xi32, #tpu.memory_space<vmem>> -> memref<1x120xi32, #tpu.memory_space<vmem>>
      %dma_wait3A_1605 = tpu.memref_squeeze %dma_wait3A_1604 : memref<1x120xi32, #tpu.memory_space<vmem>> -> memref<120xi32, #tpu.memory_space<vmem>>
      %dma_wait3A_1606 = arith.constant 0 : i32
      %dma_wait3A_1607 = tpu.memref_slice %arg3[%dma_wait3A_1606] : memref<640000xi32, #tpu.memory_space<hbm>> -> memref<120xi32, #tpu.memory_space<hbm>>
      %dma_wait3A_1608 = arith.constant 0 : i32
      %dma_wait3A_1609 = tpu.memref_slice %arg7[%dma_wait3A_1602, %dma_wait3A_1608] : memref<6x120xi32, #tpu.memory_space<vmem>> -> memref<1x120xi32, #tpu.memory_space<vmem>>
      %dma_wait3A_1610 = tpu.memref_squeeze %dma_wait3A_1609 : memref<1x120xi32, #tpu.memory_space<vmem>> -> memref<120xi32, #tpu.memory_space<vmem>>
      %dma_wait3A_1611 = arith.constant 0 : i32
      %dma_wait3A_1612 = tpu.memref_slice %arg3[%dma_wait3A_1611] : memref<640000xi32, #tpu.memory_space<hbm>> -> memref<120xi32, #tpu.memory_space<hbm>>
      tpu.wait_dma2 semaphore(%arg14 : memref<!tpu.dma_semaphore, #tpu.memory_space<semaphore_mem>>) src(%dma_wait3A_1612 : memref<120xi32, #tpu.memory_space<hbm>>) dst(%dma_wait3A_1610 : memref<120xi32, #tpu.memory_space<vmem>>)
      %dma_start3A_1613 = arith.constant 1 : i32
      %dma_start3A_1614 = arith.constant 1 : i32
      %dma_start3A_1615 = arith.constant 0 : i32
      %dma_start3A_1616 = arith.constant 0 : i32
      %dma_start3A_1617 = tpu.memref_slice %arg8[%dma_start3A_1614, %dma_start3A_1615, %dma_start3A_1616] : memref<3x120x128xf32, #tpu.memory_space<vmem>> -> memref<1x120x128xf32, #tpu.memory_space<vmem>>
      %dma_start3A_1618 = tpu.memref_squeeze %dma_start3A_1617 : memref<1x120x128xf32, #tpu.memory_space<vmem>> -> memref<120x128xf32, #tpu.memory_space<vmem>>
      %dma_start3A_1619 = arith.constant 0 : i32
      %dma_start3A_1620 = tpu.memref_slice %arg6[%dma_start3A_1613, %dma_start3A_1619] : memref<3x120xi32, #tpu.memory_space<vmem>> -> memref<1x120xi32, #tpu.memory_space<vmem>>
      %dma_start3A_1621 = tpu.memref_squeeze %dma_start3A_1620 : memref<1x120xi32, #tpu.memory_space<vmem>> -> memref<120xi32, #tpu.memory_space<vmem>>
      %dma_start3A_1622 = arith.constant 0 : i32
      %dma_start3A_1623 = arith.constant 0 : i32
      %dma_start3A_1624 = tpu.memref_slice %arg2[%dma_start3A_1622, %dma_start3A_1623] : memref<10000x128xf32, #tpu.memory_space<hbm>> -> memref<10000x128xf32, #tpu.memory_space<hbm>>
      tpu.enqueue_indirect_dma source(%dma_start3A_1624 : memref<10000x128xf32, #tpu.memory_space<hbm>>) target(%dma_start3A_1618 : memref<120x128xf32, #tpu.memory_space<vmem>>) offsets(%dma_start3A_1621 : memref<120xi32, #tpu.memory_space<vmem>>) semaphore(%arg15 : memref<!tpu.dma_semaphore, #tpu.memory_space<semaphore_mem>>)
      %dma_wait3A_1625 = arith.constant 0 : i32
      %dma_wait3A_1626 = arith.constant 0 : i32
      %dma_wait3A_1627 = arith.constant 0 : i32
      %dma_wait3A_1628 = tpu.memref_slice %arg8[%dma_wait3A_1625, %dma_wait3A_1626, %dma_wait3A_1627] : memref<3x120x128xf32, #tpu.memory_space<vmem>> -> memref<1x120x128xf32, #tpu.memory_space<vmem>>
      %dma_wait3A_1629 = tpu.memref_squeeze %dma_wait3A_1628 : memref<1x120x128xf32, #tpu.memory_space<vmem>> -> memref<120x128xf32, #tpu.memory_space<vmem>>
      %dma_wait3A_1630 = arith.constant 0 : i32
      %dma_wait3A_1631 = arith.constant 0 : i32
      %dma_wait3A_1632 = tpu.memref_slice %arg2[%dma_wait3A_1630, %dma_wait3A_1631] : memref<10000x128xf32, #tpu.memory_space<hbm>> -> memref<120x128xf32, #tpu.memory_space<hbm>>
      %dma_wait3A_1633 = arith.constant 0 : i32
      %dma_wait3A_1634 = arith.constant 0 : i32
      %dma_wait3A_1635 = tpu.memref_slice %arg8[%dma_wait3A_1625, %dma_wait3A_1633, %dma_wait3A_1634] : memref<3x120x128xf32, #tpu.memory_space<vmem>> -> memref<1x120x128xf32, #tpu.memory_space<vmem>>
      %dma_wait3A_1636 = tpu.memref_squeeze %dma_wait3A_1635 : memref<1x120x128xf32, #tpu.memory_space<vmem>> -> memref<120x128xf32, #tpu.memory_space<vmem>>
      %dma_wait3A_1637 = arith.constant 0 : i32
      %dma_wait3A_1638 = arith.constant 0 : i32
      %dma_wait3A_1639 = tpu.memref_slice %arg2[%dma_wait3A_1637, %dma_wait3A_1638] : memref<10000x128xf32, #tpu.memory_space<hbm>> -> memref<120x128xf32, #tpu.memory_space<hbm>>
      tpu.wait_dma2 semaphore(%arg15 : memref<!tpu.dma_semaphore, #tpu.memory_space<semaphore_mem>>) src(%dma_wait3A_1639 : memref<120x128xf32, #tpu.memory_space<hbm>>) dst(%dma_wait3A_1636 : memref<120x128xf32, #tpu.memory_space<vmem>>)
      %dma_start3A_1640 = arith.constant 0 : i32
      %dma_start3A_1641 = arith.constant 0 : i32
      %dma_start3A_1642 = arith.constant 0 : i32
      %dma_start3A_1643 = arith.constant 0 : i32
      %dma_start3A_1644 = tpu.memref_slice %arg8[%dma_start3A_1640, %dma_start3A_1642, %dma_start3A_1643] : memref<3x120x128xf32, #tpu.memory_space<vmem>> -> memref<1x120x128xf32, #tpu.memory_space<vmem>>
      %dma_start3A_1645 = tpu.memref_squeeze %dma_start3A_1644 : memref<1x120x128xf32, #tpu.memory_space<vmem>> -> memref<120x128xf32, #tpu.memory_space<vmem>>
      %dma_start3A_1646 = arith.constant 0 : i32
      %dma_start3A_1647 = tpu.memref_slice %arg7[%dma_start3A_1641, %dma_start3A_1646] : memref<6x120xi32, #tpu.memory_space<vmem>> -> memref<1x120xi32, #tpu.memory_space<vmem>>
      %dma_start3A_1648 = tpu.memref_squeeze %dma_start3A_1647 : memref<1x120xi32, #tpu.memory_space<vmem>> -> memref<120xi32, #tpu.memory_space<vmem>>
      %dma_start3A_1649 = arith.constant 0 : i32
      %dma_start3A_1650 = arith.constant 0 : i32
      %dma_start3A_1651 = tpu.memref_slice %arg12[%dma_start3A_1649, %dma_start3A_1650] : memref<10240x128xf32, #tpu.memory_space<vmem_shared>> -> memref<10240x128xf32, #tpu.memory_space<vmem_shared>>
      tpu.enqueue_indirect_dma source(%dma_start3A_1645 : memref<120x128xf32, #tpu.memory_space<vmem>>) target(%dma_start3A_1651 : memref<10240x128xf32, #tpu.memory_space<vmem_shared>>) offsets(%dma_start3A_1648 : memref<120xi32, #tpu.memory_space<vmem>>) semaphore(%arg16 : memref<!tpu.dma_semaphore, #tpu.memory_space<semaphore_mem>>) {add = true}
      %dma_start3A_1652 = arith.constant 0 : i32
      %dma_start3A_1653 = arith.constant 0 : i32
      %dma_start3A_1654 = tpu.memref_slice %arg9[%dma_start3A_1653] : memref<136xf32, #tpu.memory_space<vmem>> -> memref<120xf32, #tpu.memory_space<vmem>>
      %dma_start3A_1655 = arith.constant 0 : i32
      %dma_start3A_1656 = tpu.memref_slice %arg7[%dma_start3A_1652, %dma_start3A_1655] : memref<6x120xi32, #tpu.memory_space<vmem>> -> memref<1x120xi32, #tpu.memory_space<vmem>>
      %dma_start3A_1657 = tpu.memref_squeeze %dma_start3A_1656 : memref<1x120xi32, #tpu.memory_space<vmem>> -> memref<120xi32, #tpu.memory_space<vmem>>
      %dma_start3A_1658 = arith.constant 0 : i32
      %dma_start3A_1659 = tpu.memref_slice %arg13[%dma_start3A_1658] : memref<10240xf32, #tpu.memory_space<vmem_shared>> -> memref<10240xf32, #tpu.memory_space<vmem_shared>>
      tpu.enqueue_indirect_dma source(%dma_start3A_1654 : memref<120xf32, #tpu.memory_space<vmem>>) target(%dma_start3A_1659 : memref<10240xf32, #tpu.memory_space<vmem_shared>>) offsets(%dma_start3A_1657 : memref<120xi32, #tpu.memory_space<vmem>>) semaphore(%arg16 : memref<!tpu.dma_semaphore, #tpu.memory_space<semaphore_mem>>) {add = true}
      %add3A_1660 = arith.constant 5 : i32
      %add3A_1661 = arith.addi %add3A_1064, %add3A_1660 : i32
      %dma_wait3A_1662 = arith.constant 0 : i32
      %dma_wait3A_1663 = arith.constant 0 : i32
      %dma_wait3A_1664 = arith.constant 0 : i32
      %dma_wait3A_1665 = tpu.memref_slice %arg8[%dma_wait3A_1662, %dma_wait3A_1663, %dma_wait3A_1664] : memref<3x120x128xf32, #tpu.memory_space<vmem>> -> memref<1x120x128xf32, #tpu.memory_space<vmem>>
      %dma_wait3A_1666 = tpu.memref_squeeze %dma_wait3A_1665 : memref<1x120x128xf32, #tpu.memory_space<vmem>> -> memref<120x128xf32, #tpu.memory_space<vmem>>
      %dma_wait3A_1667 = arith.constant 0 : i32
      %dma_wait3A_1668 = arith.constant 0 : i32
      %dma_wait3A_1669 = tpu.memref_slice %arg12[%dma_wait3A_1667, %dma_wait3A_1668] : memref<10240x128xf32, #tpu.memory_space<vmem_shared>> -> memref<120x128xf32, #tpu.memory_space<vmem_shared>>
      %dma_wait3A_1670 = arith.constant 0 : i32
      %dma_wait3A_1671 = arith.constant 0 : i32
      %dma_wait3A_1672 = tpu.memref_slice %arg12[%dma_wait3A_1670, %dma_wait3A_1671] : memref<10240x128xf32, #tpu.memory_space<vmem_shared>> -> memref<120x128xf32, #tpu.memory_space<vmem_shared>>
      %dma_wait3A_1673 = arith.constant 0 : i32
      %dma_wait3A_1674 = arith.constant 0 : i32
      %dma_wait3A_1675 = tpu.memref_slice %arg8[%dma_wait3A_1662, %dma_wait3A_1673, %dma_wait3A_1674] : memref<3x120x128xf32, #tpu.memory_space<vmem>> -> memref<1x120x128xf32, #tpu.memory_space<vmem>>
      %dma_wait3A_1676 = tpu.memref_squeeze %dma_wait3A_1675 : memref<1x120x128xf32, #tpu.memory_space<vmem>> -> memref<120x128xf32, #tpu.memory_space<vmem>>
      tpu.wait_dma2 semaphore(%arg16 : memref<!tpu.dma_semaphore, #tpu.memory_space<semaphore_mem>>) src(%dma_wait3A_1676 : memref<120x128xf32, #tpu.memory_space<vmem>>) dst(%dma_wait3A_1672 : memref<120x128xf32, #tpu.memory_space<vmem_shared>>)
      %dma_wait3A_1677 = arith.constant 0 : i32
      %dma_wait3A_1678 = tpu.memref_slice %arg9[%dma_wait3A_1677] : memref<136xf32, #tpu.memory_space<vmem>> -> memref<120xf32, #tpu.memory_space<vmem>>
      %dma_wait3A_1679 = arith.constant 0 : i32
      %dma_wait3A_1680 = tpu.memref_slice %arg13[%dma_wait3A_1679] : memref<10240xf32, #tpu.memory_space<vmem_shared>> -> memref<120xf32, #tpu.memory_space<vmem_shared>>
      %dma_wait3A_1681 = arith.constant 0 : i32
      %dma_wait3A_1682 = tpu.memref_slice %arg13[%dma_wait3A_1681] : memref<10240xf32, #tpu.memory_space<vmem_shared>> -> memref<120xf32, #tpu.memory_space<vmem_shared>>
      %dma_wait3A_1683 = arith.constant 0 : i32
      %dma_wait3A_1684 = tpu.memref_slice %arg9[%dma_wait3A_1683] : memref<136xf32, #tpu.memory_space<vmem>> -> memref<120xf32, #tpu.memory_space<vmem>>
      tpu.wait_dma2 semaphore(%arg16 : memref<!tpu.dma_semaphore, #tpu.memory_space<semaphore_mem>>) src(%dma_wait3A_1684 : memref<120xf32, #tpu.memory_space<vmem>>) dst(%dma_wait3A_1682 : memref<120xf32, #tpu.memory_space<vmem_shared>>)
      %add3A_1685 = arith.constant 2 : i32
      %add3A_1686 = arith.addi %add3A_1661, %add3A_1685 : i32
      %mul3A_1687 = arith.constant 120 : i32
      %mul3A_1688 = arith.muli %add3A_1686, %mul3A_1687 : i32
      %add3A_1689 = arith.addi %mul3A_4, %mul3A_1688 : i32
      %add3A_1690 = arith.constant 320000 : i32
      %add3A_1691 = arith.addi %add3A_1690, %add3A_1689 : i32
      %dma_start3A_1692 = arith.constant 0 : i32
      %dma_start3A_1693 = arith.constant 0 : i32
      %dma_start3A_1694 = tpu.memref_slice %arg6[%dma_start3A_1692, %dma_start3A_1693] : memref<3x120xi32, #tpu.memory_space<vmem>> -> memref<1x120xi32, #tpu.memory_space<vmem>>
      %dma_start3A_1695 = tpu.memref_squeeze %dma_start3A_1694 : memref<1x120xi32, #tpu.memory_space<vmem>> -> memref<120xi32, #tpu.memory_space<vmem>>
      %dma_start3A_1696 = tpu.memref_slice %arg3[%add3A_1691] : memref<640000xi32, #tpu.memory_space<hbm>> -> memref<120xi32, #tpu.memory_space<hbm>>
      %dma_start3A_1697 = arith.constant 0 : i32
      %dma_start3A_1698 = tpu.memref_slice %arg6[%dma_start3A_1692, %dma_start3A_1697] : memref<3x120xi32, #tpu.memory_space<vmem>> -> memref<1x120xi32, #tpu.memory_space<vmem>>
      %dma_start3A_1699 = tpu.memref_squeeze %dma_start3A_1698 : memref<1x120xi32, #tpu.memory_space<vmem>> -> memref<120xi32, #tpu.memory_space<vmem>>
      %dma_start3A_1700 = tpu.memref_slice %arg3[%add3A_1691] : memref<640000xi32, #tpu.memory_space<hbm>> -> memref<120xi32, #tpu.memory_space<hbm>>
      tpu.enqueue_dma source(%dma_start3A_1700 : memref<120xi32, #tpu.memory_space<hbm>>) target(%dma_start3A_1699 : memref<120xi32, #tpu.memory_space<vmem>>) target_semaphore(%arg14 : memref<!tpu.dma_semaphore, #tpu.memory_space<semaphore_mem>>)
      %dma_start3A_1701 = arith.constant 3 : i32
      %dma_start3A_1702 = arith.constant 0 : i32
      %dma_start3A_1703 = tpu.memref_slice %arg7[%dma_start3A_1701, %dma_start3A_1702] : memref<6x120xi32, #tpu.memory_space<vmem>> -> memref<1x120xi32, #tpu.memory_space<vmem>>
      %dma_start3A_1704 = tpu.memref_squeeze %dma_start3A_1703 : memref<1x120xi32, #tpu.memory_space<vmem>> -> memref<120xi32, #tpu.memory_space<vmem>>
      %dma_start3A_1705 = tpu.memref_slice %arg3[%add3A_1689] : memref<640000xi32, #tpu.memory_space<hbm>> -> memref<120xi32, #tpu.memory_space<hbm>>
      %dma_start3A_1706 = arith.constant 0 : i32
      %dma_start3A_1707 = tpu.memref_slice %arg7[%dma_start3A_1701, %dma_start3A_1706] : memref<6x120xi32, #tpu.memory_space<vmem>> -> memref<1x120xi32, #tpu.memory_space<vmem>>
      %dma_start3A_1708 = tpu.memref_squeeze %dma_start3A_1707 : memref<1x120xi32, #tpu.memory_space<vmem>> -> memref<120xi32, #tpu.memory_space<vmem>>
      %dma_start3A_1709 = tpu.memref_slice %arg3[%add3A_1689] : memref<640000xi32, #tpu.memory_space<hbm>> -> memref<120xi32, #tpu.memory_space<hbm>>
      tpu.enqueue_dma source(%dma_start3A_1709 : memref<120xi32, #tpu.memory_space<hbm>>) target(%dma_start3A_1708 : memref<120xi32, #tpu.memory_space<vmem>>) target_semaphore(%arg14 : memref<!tpu.dma_semaphore, #tpu.memory_space<semaphore_mem>>)
      %dma_wait3A_1710 = arith.constant 0 : i32
      %dma_wait3A_1711 = arith.constant 0 : i32
      %dma_wait3A_1712 = tpu.memref_slice %arg6[%dma_wait3A_1710, %dma_wait3A_1711] : memref<3x120xi32, #tpu.memory_space<vmem>> -> memref<1x120xi32, #tpu.memory_space<vmem>>
      %dma_wait3A_1713 = tpu.memref_squeeze %dma_wait3A_1712 : memref<1x120xi32, #tpu.memory_space<vmem>> -> memref<120xi32, #tpu.memory_space<vmem>>
      %dma_wait3A_1714 = arith.constant 0 : i32
      %dma_wait3A_1715 = tpu.memref_slice %arg3[%dma_wait3A_1714] : memref<640000xi32, #tpu.memory_space<hbm>> -> memref<120xi32, #tpu.memory_space<hbm>>
      %dma_wait3A_1716 = arith.constant 0 : i32
      %dma_wait3A_1717 = tpu.memref_slice %arg6[%dma_wait3A_1710, %dma_wait3A_1716] : memref<3x120xi32, #tpu.memory_space<vmem>> -> memref<1x120xi32, #tpu.memory_space<vmem>>
      %dma_wait3A_1718 = tpu.memref_squeeze %dma_wait3A_1717 : memref<1x120xi32, #tpu.memory_space<vmem>> -> memref<120xi32, #tpu.memory_space<vmem>>
      %dma_wait3A_1719 = arith.constant 0 : i32
      %dma_wait3A_1720 = tpu.memref_slice %arg3[%dma_wait3A_1719] : memref<640000xi32, #tpu.memory_space<hbm>> -> memref<120xi32, #tpu.memory_space<hbm>>
      tpu.wait_dma2 semaphore(%arg14 : memref<!tpu.dma_semaphore, #tpu.memory_space<semaphore_mem>>) src(%dma_wait3A_1720 : memref<120xi32, #tpu.memory_space<hbm>>) dst(%dma_wait3A_1718 : memref<120xi32, #tpu.memory_space<vmem>>)
      %dma_wait3A_1721 = arith.constant 0 : i32
      %dma_wait3A_1722 = arith.constant 0 : i32
      %dma_wait3A_1723 = tpu.memref_slice %arg7[%dma_wait3A_1721, %dma_wait3A_1722] : memref<6x120xi32, #tpu.memory_space<vmem>> -> memref<1x120xi32, #tpu.memory_space<vmem>>
      %dma_wait3A_1724 = tpu.memref_squeeze %dma_wait3A_1723 : memref<1x120xi32, #tpu.memory_space<vmem>> -> memref<120xi32, #tpu.memory_space<vmem>>
      %dma_wait3A_1725 = arith.constant 0 : i32
      %dma_wait3A_1726 = tpu.memref_slice %arg3[%dma_wait3A_1725] : memref<640000xi32, #tpu.memory_space<hbm>> -> memref<120xi32, #tpu.memory_space<hbm>>
      %dma_wait3A_1727 = arith.constant 0 : i32
      %dma_wait3A_1728 = tpu.memref_slice %arg7[%dma_wait3A_1721, %dma_wait3A_1727] : memref<6x120xi32, #tpu.memory_space<vmem>> -> memref<1x120xi32, #tpu.memory_space<vmem>>
      %dma_wait3A_1729 = tpu.memref_squeeze %dma_wait3A_1728 : memref<1x120xi32, #tpu.memory_space<vmem>> -> memref<120xi32, #tpu.memory_space<vmem>>
      %dma_wait3A_1730 = arith.constant 0 : i32
      %dma_wait3A_1731 = tpu.memref_slice %arg3[%dma_wait3A_1730] : memref<640000xi32, #tpu.memory_space<hbm>> -> memref<120xi32, #tpu.memory_space<hbm>>
      tpu.wait_dma2 semaphore(%arg14 : memref<!tpu.dma_semaphore, #tpu.memory_space<semaphore_mem>>) src(%dma_wait3A_1731 : memref<120xi32, #tpu.memory_space<hbm>>) dst(%dma_wait3A_1729 : memref<120xi32, #tpu.memory_space<vmem>>)
      %dma_start3A_1732 = arith.constant 2 : i32
      %dma_start3A_1733 = arith.constant 2 : i32
      %dma_start3A_1734 = arith.constant 0 : i32
      %dma_start3A_1735 = arith.constant 0 : i32
      %dma_start3A_1736 = tpu.memref_slice %arg8[%dma_start3A_1733, %dma_start3A_1734, %dma_start3A_1735] : memref<3x120x128xf32, #tpu.memory_space<vmem>> -> memref<1x120x128xf32, #tpu.memory_space<vmem>>
      %dma_start3A_1737 = tpu.memref_squeeze %dma_start3A_1736 : memref<1x120x128xf32, #tpu.memory_space<vmem>> -> memref<120x128xf32, #tpu.memory_space<vmem>>
      %dma_start3A_1738 = arith.constant 0 : i32
      %dma_start3A_1739 = tpu.memref_slice %arg6[%dma_start3A_1732, %dma_start3A_1738] : memref<3x120xi32, #tpu.memory_space<vmem>> -> memref<1x120xi32, #tpu.memory_space<vmem>>
      %dma_start3A_1740 = tpu.memref_squeeze %dma_start3A_1739 : memref<1x120xi32, #tpu.memory_space<vmem>> -> memref<120xi32, #tpu.memory_space<vmem>>
      %dma_start3A_1741 = arith.constant 0 : i32
      %dma_start3A_1742 = arith.constant 0 : i32
      %dma_start3A_1743 = tpu.memref_slice %arg2[%dma_start3A_1741, %dma_start3A_1742] : memref<10000x128xf32, #tpu.memory_space<hbm>> -> memref<10000x128xf32, #tpu.memory_space<hbm>>
      tpu.enqueue_indirect_dma source(%dma_start3A_1743 : memref<10000x128xf32, #tpu.memory_space<hbm>>) target(%dma_start3A_1737 : memref<120x128xf32, #tpu.memory_space<vmem>>) offsets(%dma_start3A_1740 : memref<120xi32, #tpu.memory_space<vmem>>) semaphore(%arg15 : memref<!tpu.dma_semaphore, #tpu.memory_space<semaphore_mem>>)
      %dma_wait3A_1744 = arith.constant 1 : i32
      %dma_wait3A_1745 = arith.constant 0 : i32
      %dma_wait3A_1746 = arith.constant 0 : i32
      %dma_wait3A_1747 = tpu.memref_slice %arg8[%dma_wait3A_1744, %dma_wait3A_1745, %dma_wait3A_1746] : memref<3x120x128xf32, #tpu.memory_space<vmem>> -> memref<1x120x128xf32, #tpu.memory_space<vmem>>
      %dma_wait3A_1748 = tpu.memref_squeeze %dma_wait3A_1747 : memref<1x120x128xf32, #tpu.memory_space<vmem>> -> memref<120x128xf32, #tpu.memory_space<vmem>>
      %dma_wait3A_1749 = arith.constant 0 : i32
      %dma_wait3A_1750 = arith.constant 0 : i32
      %dma_wait3A_1751 = tpu.memref_slice %arg2[%dma_wait3A_1749, %dma_wait3A_1750] : memref<10000x128xf32, #tpu.memory_space<hbm>> -> memref<120x128xf32, #tpu.memory_space<hbm>>
      %dma_wait3A_1752 = arith.constant 0 : i32
      %dma_wait3A_1753 = arith.constant 0 : i32
      %dma_wait3A_1754 = tpu.memref_slice %arg8[%dma_wait3A_1744, %dma_wait3A_1752, %dma_wait3A_1753] : memref<3x120x128xf32, #tpu.memory_space<vmem>> -> memref<1x120x128xf32, #tpu.memory_space<vmem>>
      %dma_wait3A_1755 = tpu.memref_squeeze %dma_wait3A_1754 : memref<1x120x128xf32, #tpu.memory_space<vmem>> -> memref<120x128xf32, #tpu.memory_space<vmem>>
      %dma_wait3A_1756 = arith.constant 0 : i32
      %dma_wait3A_1757 = arith.constant 0 : i32
      %dma_wait3A_1758 = tpu.memref_slice %arg2[%dma_wait3A_1756, %dma_wait3A_1757] : memref<10000x128xf32, #tpu.memory_space<hbm>> -> memref<120x128xf32, #tpu.memory_space<hbm>>
      tpu.wait_dma2 semaphore(%arg15 : memref<!tpu.dma_semaphore, #tpu.memory_space<semaphore_mem>>) src(%dma_wait3A_1758 : memref<120x128xf32, #tpu.memory_space<hbm>>) dst(%dma_wait3A_1755 : memref<120x128xf32, #tpu.memory_space<vmem>>)
      %dma_start3A_1759 = arith.constant 1 : i32
      %dma_start3A_1760 = arith.constant 1 : i32
      %dma_start3A_1761 = arith.constant 0 : i32
      %dma_start3A_1762 = arith.constant 0 : i32
      %dma_start3A_1763 = tpu.memref_slice %arg8[%dma_start3A_1759, %dma_start3A_1761, %dma_start3A_1762] : memref<3x120x128xf32, #tpu.memory_space<vmem>> -> memref<1x120x128xf32, #tpu.memory_space<vmem>>
      %dma_start3A_1764 = tpu.memref_squeeze %dma_start3A_1763 : memref<1x120x128xf32, #tpu.memory_space<vmem>> -> memref<120x128xf32, #tpu.memory_space<vmem>>
      %dma_start3A_1765 = arith.constant 0 : i32
      %dma_start3A_1766 = tpu.memref_slice %arg7[%dma_start3A_1760, %dma_start3A_1765] : memref<6x120xi32, #tpu.memory_space<vmem>> -> memref<1x120xi32, #tpu.memory_space<vmem>>
      %dma_start3A_1767 = tpu.memref_squeeze %dma_start3A_1766 : memref<1x120xi32, #tpu.memory_space<vmem>> -> memref<120xi32, #tpu.memory_space<vmem>>
      %dma_start3A_1768 = arith.constant 0 : i32
      %dma_start3A_1769 = arith.constant 0 : i32
      %dma_start3A_1770 = tpu.memref_slice %arg12[%dma_start3A_1768, %dma_start3A_1769] : memref<10240x128xf32, #tpu.memory_space<vmem_shared>> -> memref<10240x128xf32, #tpu.memory_space<vmem_shared>>
      tpu.enqueue_indirect_dma source(%dma_start3A_1764 : memref<120x128xf32, #tpu.memory_space<vmem>>) target(%dma_start3A_1770 : memref<10240x128xf32, #tpu.memory_space<vmem_shared>>) offsets(%dma_start3A_1767 : memref<120xi32, #tpu.memory_space<vmem>>) semaphore(%arg16 : memref<!tpu.dma_semaphore, #tpu.memory_space<semaphore_mem>>) {add = true}
      %dma_start3A_1771 = arith.constant 1 : i32
      %dma_start3A_1772 = arith.constant 0 : i32
      %dma_start3A_1773 = tpu.memref_slice %arg9[%dma_start3A_1772] : memref<136xf32, #tpu.memory_space<vmem>> -> memref<120xf32, #tpu.memory_space<vmem>>
      %dma_start3A_1774 = arith.constant 0 : i32
      %dma_start3A_1775 = tpu.memref_slice %arg7[%dma_start3A_1771, %dma_start3A_1774] : memref<6x120xi32, #tpu.memory_space<vmem>> -> memref<1x120xi32, #tpu.memory_space<vmem>>
      %dma_start3A_1776 = tpu.memref_squeeze %dma_start3A_1775 : memref<1x120xi32, #tpu.memory_space<vmem>> -> memref<120xi32, #tpu.memory_space<vmem>>
      %dma_start3A_1777 = arith.constant 0 : i32
      %dma_start3A_1778 = tpu.memref_slice %arg13[%dma_start3A_1777] : memref<10240xf32, #tpu.memory_space<vmem_shared>> -> memref<10240xf32, #tpu.memory_space<vmem_shared>>
      tpu.enqueue_indirect_dma source(%dma_start3A_1773 : memref<120xf32, #tpu.memory_space<vmem>>) target(%dma_start3A_1778 : memref<10240xf32, #tpu.memory_space<vmem_shared>>) offsets(%dma_start3A_1776 : memref<120xi32, #tpu.memory_space<vmem>>) semaphore(%arg16 : memref<!tpu.dma_semaphore, #tpu.memory_space<semaphore_mem>>) {add = true}
    }
    %scan3A_681 = arith.constant 13 : i32
    %dma_wait3A_682 = arith.constant 0 : i32
    %dma_wait3A_683 = arith.constant 0 : i32
    %dma_wait3A_684 = arith.constant 0 : i32
    %dma_wait3A_685 = tpu.memref_slice %arg8[%dma_wait3A_682, %dma_wait3A_683, %dma_wait3A_684] : memref<3x120x128xf32, #tpu.memory_space<vmem>> -> memref<1x120x128xf32, #tpu.memory_space<vmem>>
    %dma_wait3A_686 = tpu.memref_squeeze %dma_wait3A_685 : memref<1x120x128xf32, #tpu.memory_space<vmem>> -> memref<120x128xf32, #tpu.memory_space<vmem>>
    %dma_wait3A_687 = arith.constant 0 : i32
    %dma_wait3A_688 = arith.constant 0 : i32
    %dma_wait3A_689 = tpu.memref_slice %arg12[%dma_wait3A_687, %dma_wait3A_688] : memref<10240x128xf32, #tpu.memory_space<vmem_shared>> -> memref<120x128xf32, #tpu.memory_space<vmem_shared>>
    %dma_wait3A_690 = arith.constant 0 : i32
    %dma_wait3A_691 = arith.constant 0 : i32
    %dma_wait3A_692 = tpu.memref_slice %arg12[%dma_wait3A_690, %dma_wait3A_691] : memref<10240x128xf32, #tpu.memory_space<vmem_shared>> -> memref<120x128xf32, #tpu.memory_space<vmem_shared>>
    %dma_wait3A_693 = arith.constant 0 : i32
    %dma_wait3A_694 = arith.constant 0 : i32
    %dma_wait3A_695 = tpu.memref_slice %arg8[%dma_wait3A_682, %dma_wait3A_693, %dma_wait3A_694] : memref<3x120x128xf32, #tpu.memory_space<vmem>> -> memref<1x120x128xf32, #tpu.memory_space<vmem>>
    %dma_wait3A_696 = tpu.memref_squeeze %dma_wait3A_695 : memref<1x120x128xf32, #tpu.memory_space<vmem>> -> memref<120x128xf32, #tpu.memory_space<vmem>>
    tpu.wait_dma2 semaphore(%arg16 : memref<!tpu.dma_semaphore, #tpu.memory_space<semaphore_mem>>) src(%dma_wait3A_696 : memref<120x128xf32, #tpu.memory_space<vmem>>) dst(%dma_wait3A_692 : memref<120x128xf32, #tpu.memory_space<vmem_shared>>)
    %dma_wait3A_697 = arith.constant 0 : i32
    %dma_wait3A_698 = tpu.memref_slice %arg9[%dma_wait3A_697] : memref<136xf32, #tpu.memory_space<vmem>> -> memref<120xf32, #tpu.memory_space<vmem>>
    %dma_wait3A_699 = arith.constant 0 : i32
    %dma_wait3A_700 = tpu.memref_slice %arg13[%dma_wait3A_699] : memref<10240xf32, #tpu.memory_space<vmem_shared>> -> memref<120xf32, #tpu.memory_space<vmem_shared>>
    %dma_wait3A_701 = arith.constant 0 : i32
    %dma_wait3A_702 = tpu.memref_slice %arg13[%dma_wait3A_701] : memref<10240xf32, #tpu.memory_space<vmem_shared>> -> memref<120xf32, #tpu.memory_space<vmem_shared>>
    %dma_wait3A_703 = arith.constant 0 : i32
    %dma_wait3A_704 = tpu.memref_slice %arg9[%dma_wait3A_703] : memref<136xf32, #tpu.memory_space<vmem>> -> memref<120xf32, #tpu.memory_space<vmem>>
    tpu.wait_dma2 semaphore(%arg16 : memref<!tpu.dma_semaphore, #tpu.memory_space<semaphore_mem>>) src(%dma_wait3A_704 : memref<120xf32, #tpu.memory_space<vmem>>) dst(%dma_wait3A_702 : memref<120xf32, #tpu.memory_space<vmem_shared>>)
    %add3A_705 = arith.constant 9840 : i32
    %add3A_706 = arith.addi %mul3A_4, %add3A_705 : i32
    %add3A_707 = arith.constant 320000 : i32
    %add3A_708 = arith.addi %add3A_707, %add3A_706 : i32
    %dma_start3A_709 = arith.constant 1 : i32
    %dma_start3A_710 = arith.constant 0 : i32
    %dma_start3A_711 = tpu.memref_slice %arg6[%dma_start3A_709, %dma_start3A_710] : memref<3x120xi32, #tpu.memory_space<vmem>> -> memref<1x120xi32, #tpu.memory_space<vmem>>
    %dma_start3A_712 = tpu.memref_squeeze %dma_start3A_711 : memref<1x120xi32, #tpu.memory_space<vmem>> -> memref<120xi32, #tpu.memory_space<vmem>>
    %dma_start3A_713 = tpu.memref_slice %arg3[%add3A_708] : memref<640000xi32, #tpu.memory_space<hbm>> -> memref<120xi32, #tpu.memory_space<hbm>>
    %dma_start3A_714 = arith.constant 0 : i32
    %dma_start3A_715 = tpu.memref_slice %arg6[%dma_start3A_709, %dma_start3A_714] : memref<3x120xi32, #tpu.memory_space<vmem>> -> memref<1x120xi32, #tpu.memory_space<vmem>>
    %dma_start3A_716 = tpu.memref_squeeze %dma_start3A_715 : memref<1x120xi32, #tpu.memory_space<vmem>> -> memref<120xi32, #tpu.memory_space<vmem>>
    %dma_start3A_717 = tpu.memref_slice %arg3[%add3A_708] : memref<640000xi32, #tpu.memory_space<hbm>> -> memref<120xi32, #tpu.memory_space<hbm>>
    tpu.enqueue_dma source(%dma_start3A_717 : memref<120xi32, #tpu.memory_space<hbm>>) target(%dma_start3A_716 : memref<120xi32, #tpu.memory_space<vmem>>) target_semaphore(%arg14 : memref<!tpu.dma_semaphore, #tpu.memory_space<semaphore_mem>>)
    %dma_start3A_718 = arith.constant 4 : i32
    %dma_start3A_719 = arith.constant 0 : i32
    %dma_start3A_720 = tpu.memref_slice %arg7[%dma_start3A_718, %dma_start3A_719] : memref<6x120xi32, #tpu.memory_space<vmem>> -> memref<1x120xi32, #tpu.memory_space<vmem>>
    %dma_start3A_721 = tpu.memref_squeeze %dma_start3A_720 : memref<1x120xi32, #tpu.memory_space<vmem>> -> memref<120xi32, #tpu.memory_space<vmem>>
    %dma_start3A_722 = tpu.memref_slice %arg3[%add3A_706] : memref<640000xi32, #tpu.memory_space<hbm>> -> memref<120xi32, #tpu.memory_space<hbm>>
    %dma_start3A_723 = arith.constant 0 : i32
    %dma_start3A_724 = tpu.memref_slice %arg7[%dma_start3A_718, %dma_start3A_723] : memref<6x120xi32, #tpu.memory_space<vmem>> -> memref<1x120xi32, #tpu.memory_space<vmem>>
    %dma_start3A_725 = tpu.memref_squeeze %dma_start3A_724 : memref<1x120xi32, #tpu.memory_space<vmem>> -> memref<120xi32, #tpu.memory_space<vmem>>
    %dma_start3A_726 = tpu.memref_slice %arg3[%add3A_706] : memref<640000xi32, #tpu.memory_space<hbm>> -> memref<120xi32, #tpu.memory_space<hbm>>
    tpu.enqueue_dma source(%dma_start3A_726 : memref<120xi32, #tpu.memory_space<hbm>>) target(%dma_start3A_725 : memref<120xi32, #tpu.memory_space<vmem>>) target_semaphore(%arg14 : memref<!tpu.dma_semaphore, #tpu.memory_space<semaphore_mem>>)
    %dma_wait3A_727 = arith.constant 0 : i32
    %dma_wait3A_728 = arith.constant 0 : i32
    %dma_wait3A_729 = tpu.memref_slice %arg6[%dma_wait3A_727, %dma_wait3A_728] : memref<3x120xi32, #tpu.memory_space<vmem>> -> memref<1x120xi32, #tpu.memory_space<vmem>>
    %dma_wait3A_730 = tpu.memref_squeeze %dma_wait3A_729 : memref<1x120xi32, #tpu.memory_space<vmem>> -> memref<120xi32, #tpu.memory_space<vmem>>
    %dma_wait3A_731 = arith.constant 0 : i32
    %dma_wait3A_732 = tpu.memref_slice %arg3[%dma_wait3A_731] : memref<640000xi32, #tpu.memory_space<hbm>> -> memref<120xi32, #tpu.memory_space<hbm>>
    %dma_wait3A_733 = arith.constant 0 : i32
    %dma_wait3A_734 = tpu.memref_slice %arg6[%dma_wait3A_727, %dma_wait3A_733] : memref<3x120xi32, #tpu.memory_space<vmem>> -> memref<1x120xi32, #tpu.memory_space<vmem>>
    %dma_wait3A_735 = tpu.memref_squeeze %dma_wait3A_734 : memref<1x120xi32, #tpu.memory_space<vmem>> -> memref<120xi32, #tpu.memory_space<vmem>>
    %dma_wait3A_736 = arith.constant 0 : i32
    %dma_wait3A_737 = tpu.memref_slice %arg3[%dma_wait3A_736] : memref<640000xi32, #tpu.memory_space<hbm>> -> memref<120xi32, #tpu.memory_space<hbm>>
    tpu.wait_dma2 semaphore(%arg14 : memref<!tpu.dma_semaphore, #tpu.memory_space<semaphore_mem>>) src(%dma_wait3A_737 : memref<120xi32, #tpu.memory_space<hbm>>) dst(%dma_wait3A_735 : memref<120xi32, #tpu.memory_space<vmem>>)
    %dma_wait3A_738 = arith.constant 0 : i32
    %dma_wait3A_739 = arith.constant 0 : i32
    %dma_wait3A_740 = tpu.memref_slice %arg7[%dma_wait3A_738, %dma_wait3A_739] : memref<6x120xi32, #tpu.memory_space<vmem>> -> memref<1x120xi32, #tpu.memory_space<vmem>>
    %dma_wait3A_741 = tpu.memref_squeeze %dma_wait3A_740 : memref<1x120xi32, #tpu.memory_space<vmem>> -> memref<120xi32, #tpu.memory_space<vmem>>
    %dma_wait3A_742 = arith.constant 0 : i32
    %dma_wait3A_743 = tpu.memref_slice %arg3[%dma_wait3A_742] : memref<640000xi32, #tpu.memory_space<hbm>> -> memref<120xi32, #tpu.memory_space<hbm>>
    %dma_wait3A_744 = arith.constant 0 : i32
    %dma_wait3A_745 = tpu.memref_slice %arg7[%dma_wait3A_738, %dma_wait3A_744] : memref<6x120xi32, #tpu.memory_space<vmem>> -> memref<1x120xi32, #tpu.memory_space<vmem>>
    %dma_wait3A_746 = tpu.memref_squeeze %dma_wait3A_745 : memref<1x120xi32, #tpu.memory_space<vmem>> -> memref<120xi32, #tpu.memory_space<vmem>>
    %dma_wait3A_747 = arith.constant 0 : i32
    %dma_wait3A_748 = tpu.memref_slice %arg3[%dma_wait3A_747] : memref<640000xi32, #tpu.memory_space<hbm>> -> memref<120xi32, #tpu.memory_space<hbm>>
    tpu.wait_dma2 semaphore(%arg14 : memref<!tpu.dma_semaphore, #tpu.memory_space<semaphore_mem>>) src(%dma_wait3A_748 : memref<120xi32, #tpu.memory_space<hbm>>) dst(%dma_wait3A_746 : memref<120xi32, #tpu.memory_space<vmem>>)
    %dma_start3A_749 = arith.constant 0 : i32
    %dma_start3A_750 = arith.constant 0 : i32
    %dma_start3A_751 = arith.constant 0 : i32
    %dma_start3A_752 = arith.constant 0 : i32
    %dma_start3A_753 = tpu.memref_slice %arg8[%dma_start3A_750, %dma_start3A_751, %dma_start3A_752] : memref<3x120x128xf32, #tpu.memory_space<vmem>> -> memref<1x120x128xf32, #tpu.memory_space<vmem>>
    %dma_start3A_754 = tpu.memref_squeeze %dma_start3A_753 : memref<1x120x128xf32, #tpu.memory_space<vmem>> -> memref<120x128xf32, #tpu.memory_space<vmem>>
    %dma_start3A_755 = arith.constant 0 : i32
    %dma_start3A_756 = tpu.memref_slice %arg6[%dma_start3A_749, %dma_start3A_755] : memref<3x120xi32, #tpu.memory_space<vmem>> -> memref<1x120xi32, #tpu.memory_space<vmem>>
    %dma_start3A_757 = tpu.memref_squeeze %dma_start3A_756 : memref<1x120xi32, #tpu.memory_space<vmem>> -> memref<120xi32, #tpu.memory_space<vmem>>
    %dma_start3A_758 = arith.constant 0 : i32
    %dma_start3A_759 = arith.constant 0 : i32
    %dma_start3A_760 = tpu.memref_slice %arg2[%dma_start3A_758, %dma_start3A_759] : memref<10000x128xf32, #tpu.memory_space<hbm>> -> memref<10000x128xf32, #tpu.memory_space<hbm>>
    tpu.enqueue_indirect_dma source(%dma_start3A_760 : memref<10000x128xf32, #tpu.memory_space<hbm>>) target(%dma_start3A_754 : memref<120x128xf32, #tpu.memory_space<vmem>>) offsets(%dma_start3A_757 : memref<120xi32, #tpu.memory_space<vmem>>) semaphore(%arg15 : memref<!tpu.dma_semaphore, #tpu.memory_space<semaphore_mem>>)
    %dma_wait3A_761 = arith.constant 2 : i32
    %dma_wait3A_762 = arith.constant 0 : i32
    %dma_wait3A_763 = arith.constant 0 : i32
    %dma_wait3A_764 = tpu.memref_slice %arg8[%dma_wait3A_761, %dma_wait3A_762, %dma_wait3A_763] : memref<3x120x128xf32, #tpu.memory_space<vmem>> -> memref<1x120x128xf32, #tpu.memory_space<vmem>>
    %dma_wait3A_765 = tpu.memref_squeeze %dma_wait3A_764 : memref<1x120x128xf32, #tpu.memory_space<vmem>> -> memref<120x128xf32, #tpu.memory_space<vmem>>
    %dma_wait3A_766 = arith.constant 0 : i32
    %dma_wait3A_767 = arith.constant 0 : i32
    %dma_wait3A_768 = tpu.memref_slice %arg2[%dma_wait3A_766, %dma_wait3A_767] : memref<10000x128xf32, #tpu.memory_space<hbm>> -> memref<120x128xf32, #tpu.memory_space<hbm>>
    %dma_wait3A_769 = arith.constant 0 : i32
    %dma_wait3A_770 = arith.constant 0 : i32
    %dma_wait3A_771 = tpu.memref_slice %arg8[%dma_wait3A_761, %dma_wait3A_769, %dma_wait3A_770] : memref<3x120x128xf32, #tpu.memory_space<vmem>> -> memref<1x120x128xf32, #tpu.memory_space<vmem>>
    %dma_wait3A_772 = tpu.memref_squeeze %dma_wait3A_771 : memref<1x120x128xf32, #tpu.memory_space<vmem>> -> memref<120x128xf32, #tpu.memory_space<vmem>>
    %dma_wait3A_773 = arith.constant 0 : i32
    %dma_wait3A_774 = arith.constant 0 : i32
    %dma_wait3A_775 = tpu.memref_slice %arg2[%dma_wait3A_773, %dma_wait3A_774] : memref<10000x128xf32, #tpu.memory_space<hbm>> -> memref<120x128xf32, #tpu.memory_space<hbm>>
    tpu.wait_dma2 semaphore(%arg15 : memref<!tpu.dma_semaphore, #tpu.memory_space<semaphore_mem>>) src(%dma_wait3A_775 : memref<120x128xf32, #tpu.memory_space<hbm>>) dst(%dma_wait3A_772 : memref<120x128xf32, #tpu.memory_space<vmem>>)
    %dma_start3A_776 = arith.constant 2 : i32
    %dma_start3A_777 = arith.constant 2 : i32
    %dma_start3A_778 = arith.constant 0 : i32
    %dma_start3A_779 = arith.constant 0 : i32
    %dma_start3A_780 = tpu.memref_slice %arg8[%dma_start3A_776, %dma_start3A_778, %dma_start3A_779] : memref<3x120x128xf32, #tpu.memory_space<vmem>> -> memref<1x120x128xf32, #tpu.memory_space<vmem>>
    %dma_start3A_781 = tpu.memref_squeeze %dma_start3A_780 : memref<1x120x128xf32, #tpu.memory_space<vmem>> -> memref<120x128xf32, #tpu.memory_space<vmem>>
    %dma_start3A_782 = arith.constant 0 : i32
    %dma_start3A_783 = tpu.memref_slice %arg7[%dma_start3A_777, %dma_start3A_782] : memref<6x120xi32, #tpu.memory_space<vmem>> -> memref<1x120xi32, #tpu.memory_space<vmem>>
    %dma_start3A_784 = tpu.memref_squeeze %dma_start3A_783 : memref<1x120xi32, #tpu.memory_space<vmem>> -> memref<120xi32, #tpu.memory_space<vmem>>
    %dma_start3A_785 = arith.constant 0 : i32
    %dma_start3A_786 = arith.constant 0 : i32
    %dma_start3A_787 = tpu.memref_slice %arg12[%dma_start3A_785, %dma_start3A_786] : memref<10240x128xf32, #tpu.memory_space<vmem_shared>> -> memref<10240x128xf32, #tpu.memory_space<vmem_shared>>
    tpu.enqueue_indirect_dma source(%dma_start3A_781 : memref<120x128xf32, #tpu.memory_space<vmem>>) target(%dma_start3A_787 : memref<10240x128xf32, #tpu.memory_space<vmem_shared>>) offsets(%dma_start3A_784 : memref<120xi32, #tpu.memory_space<vmem>>) semaphore(%arg16 : memref<!tpu.dma_semaphore, #tpu.memory_space<semaphore_mem>>) {add = true}
    %dma_start3A_788 = arith.constant 2 : i32
    %dma_start3A_789 = arith.constant 0 : i32
    %dma_start3A_790 = tpu.memref_slice %arg9[%dma_start3A_789] : memref<136xf32, #tpu.memory_space<vmem>> -> memref<120xf32, #tpu.memory_space<vmem>>
    %dma_start3A_791 = arith.constant 0 : i32
    %dma_start3A_792 = tpu.memref_slice %arg7[%dma_start3A_788, %dma_start3A_791] : memref<6x120xi32, #tpu.memory_space<vmem>> -> memref<1x120xi32, #tpu.memory_space<vmem>>
    %dma_start3A_793 = tpu.memref_squeeze %dma_start3A_792 : memref<1x120xi32, #tpu.memory_space<vmem>> -> memref<120xi32, #tpu.memory_space<vmem>>
    %dma_start3A_794 = arith.constant 0 : i32
    %dma_start3A_795 = tpu.memref_slice %arg13[%dma_start3A_794] : memref<10240xf32, #tpu.memory_space<vmem_shared>> -> memref<10240xf32, #tpu.memory_space<vmem_shared>>
    tpu.enqueue_indirect_dma source(%dma_start3A_790 : memref<120xf32, #tpu.memory_space<vmem>>) target(%dma_start3A_795 : memref<10240xf32, #tpu.memory_space<vmem_shared>>) offsets(%dma_start3A_793 : memref<120xi32, #tpu.memory_space<vmem>>) semaphore(%arg16 : memref<!tpu.dma_semaphore, #tpu.memory_space<semaphore_mem>>) {add = true}
    %dma_wait3A_796 = arith.constant 0 : i32
    %dma_wait3A_797 = arith.constant 0 : i32
    %dma_wait3A_798 = arith.constant 0 : i32
    %dma_wait3A_799 = tpu.memref_slice %arg8[%dma_wait3A_796, %dma_wait3A_797, %dma_wait3A_798] : memref<3x120x128xf32, #tpu.memory_space<vmem>> -> memref<1x120x128xf32, #tpu.memory_space<vmem>>
    %dma_wait3A_800 = tpu.memref_squeeze %dma_wait3A_799 : memref<1x120x128xf32, #tpu.memory_space<vmem>> -> memref<120x128xf32, #tpu.memory_space<vmem>>
    %dma_wait3A_801 = arith.constant 0 : i32
    %dma_wait3A_802 = arith.constant 0 : i32
    %dma_wait3A_803 = tpu.memref_slice %arg12[%dma_wait3A_801, %dma_wait3A_802] : memref<10240x128xf32, #tpu.memory_space<vmem_shared>> -> memref<120x128xf32, #tpu.memory_space<vmem_shared>>
    %dma_wait3A_804 = arith.constant 0 : i32
    %dma_wait3A_805 = arith.constant 0 : i32
    %dma_wait3A_806 = tpu.memref_slice %arg12[%dma_wait3A_804, %dma_wait3A_805] : memref<10240x128xf32, #tpu.memory_space<vmem_shared>> -> memref<120x128xf32, #tpu.memory_space<vmem_shared>>
    %dma_wait3A_807 = arith.constant 0 : i32
    %dma_wait3A_808 = arith.constant 0 : i32
    %dma_wait3A_809 = tpu.memref_slice %arg8[%dma_wait3A_796, %dma_wait3A_807, %dma_wait3A_808] : memref<3x120x128xf32, #tpu.memory_space<vmem>> -> memref<1x120x128xf32, #tpu.memory_space<vmem>>
    %dma_wait3A_810 = tpu.memref_squeeze %dma_wait3A_809 : memref<1x120x128xf32, #tpu.memory_space<vmem>> -> memref<120x128xf32, #tpu.memory_space<vmem>>
    tpu.wait_dma2 semaphore(%arg16 : memref<!tpu.dma_semaphore, #tpu.memory_space<semaphore_mem>>) src(%dma_wait3A_810 : memref<120x128xf32, #tpu.memory_space<vmem>>) dst(%dma_wait3A_806 : memref<120x128xf32, #tpu.memory_space<vmem_shared>>)
    %dma_wait3A_811 = arith.constant 0 : i32
    %dma_wait3A_812 = tpu.memref_slice %arg9[%dma_wait3A_811] : memref<136xf32, #tpu.memory_space<vmem>> -> memref<120xf32, #tpu.memory_space<vmem>>
    %dma_wait3A_813 = arith.constant 0 : i32
    %dma_wait3A_814 = tpu.memref_slice %arg13[%dma_wait3A_813] : memref<10240xf32, #tpu.memory_space<vmem_shared>> -> memref<120xf32, #tpu.memory_space<vmem_shared>>
    %dma_wait3A_815 = arith.constant 0 : i32
    %dma_wait3A_816 = tpu.memref_slice %arg13[%dma_wait3A_815] : memref<10240xf32, #tpu.memory_space<vmem_shared>> -> memref<120xf32, #tpu.memory_space<vmem_shared>>
    %dma_wait3A_817 = arith.constant 0 : i32
    %dma_wait3A_818 = tpu.memref_slice %arg9[%dma_wait3A_817] : memref<136xf32, #tpu.memory_space<vmem>> -> memref<120xf32, #tpu.memory_space<vmem>>
    tpu.wait_dma2 semaphore(%arg16 : memref<!tpu.dma_semaphore, #tpu.memory_space<semaphore_mem>>) src(%dma_wait3A_818 : memref<120xf32, #tpu.memory_space<vmem>>) dst(%dma_wait3A_816 : memref<120xf32, #tpu.memory_space<vmem_shared>>)
    %dma_wait3A_819 = arith.constant 0 : i32
    %dma_wait3A_820 = arith.constant 0 : i32
    %dma_wait3A_821 = tpu.memref_slice %arg6[%dma_wait3A_819, %dma_wait3A_820] : memref<3x120xi32, #tpu.memory_space<vmem>> -> memref<1x120xi32, #tpu.memory_space<vmem>>
    %dma_wait3A_822 = tpu.memref_squeeze %dma_wait3A_821 : memref<1x120xi32, #tpu.memory_space<vmem>> -> memref<120xi32, #tpu.memory_space<vmem>>
    %dma_wait3A_823 = arith.constant 0 : i32
    %dma_wait3A_824 = tpu.memref_slice %arg3[%dma_wait3A_823] : memref<640000xi32, #tpu.memory_space<hbm>> -> memref<120xi32, #tpu.memory_space<hbm>>
    %dma_wait3A_825 = arith.constant 0 : i32
    %dma_wait3A_826 = tpu.memref_slice %arg6[%dma_wait3A_819, %dma_wait3A_825] : memref<3x120xi32, #tpu.memory_space<vmem>> -> memref<1x120xi32, #tpu.memory_space<vmem>>
    %dma_wait3A_827 = tpu.memref_squeeze %dma_wait3A_826 : memref<1x120xi32, #tpu.memory_space<vmem>> -> memref<120xi32, #tpu.memory_space<vmem>>
    %dma_wait3A_828 = arith.constant 0 : i32
    %dma_wait3A_829 = tpu.memref_slice %arg3[%dma_wait3A_828] : memref<640000xi32, #tpu.memory_space<hbm>> -> memref<120xi32, #tpu.memory_space<hbm>>
    tpu.wait_dma2 semaphore(%arg14 : memref<!tpu.dma_semaphore, #tpu.memory_space<semaphore_mem>>) src(%dma_wait3A_829 : memref<120xi32, #tpu.memory_space<hbm>>) dst(%dma_wait3A_827 : memref<120xi32, #tpu.memory_space<vmem>>)
    %dma_wait3A_830 = arith.constant 0 : i32
    %dma_wait3A_831 = arith.constant 0 : i32
    %dma_wait3A_832 = tpu.memref_slice %arg7[%dma_wait3A_830, %dma_wait3A_831] : memref<6x120xi32, #tpu.memory_space<vmem>> -> memref<1x120xi32, #tpu.memory_space<vmem>>
    %dma_wait3A_833 = tpu.memref_squeeze %dma_wait3A_832 : memref<1x120xi32, #tpu.memory_space<vmem>> -> memref<120xi32, #tpu.memory_space<vmem>>
    %dma_wait3A_834 = arith.constant 0 : i32
    %dma_wait3A_835 = tpu.memref_slice %arg3[%dma_wait3A_834] : memref<640000xi32, #tpu.memory_space<hbm>> -> memref<120xi32, #tpu.memory_space<hbm>>
    %dma_wait3A_836 = arith.constant 0 : i32
    %dma_wait3A_837 = tpu.memref_slice %arg7[%dma_wait3A_830, %dma_wait3A_836] : memref<6x120xi32, #tpu.memory_space<vmem>> -> memref<1x120xi32, #tpu.memory_space<vmem>>
    %dma_wait3A_838 = tpu.memref_squeeze %dma_wait3A_837 : memref<1x120xi32, #tpu.memory_space<vmem>> -> memref<120xi32, #tpu.memory_space<vmem>>
    %dma_wait3A_839 = arith.constant 0 : i32
    %dma_wait3A_840 = tpu.memref_slice %arg3[%dma_wait3A_839] : memref<640000xi32, #tpu.memory_space<hbm>> -> memref<120xi32, #tpu.memory_space<hbm>>
    tpu.wait_dma2 semaphore(%arg14 : memref<!tpu.dma_semaphore, #tpu.memory_space<semaphore_mem>>) src(%dma_wait3A_840 : memref<120xi32, #tpu.memory_space<hbm>>) dst(%dma_wait3A_838 : memref<120xi32, #tpu.memory_space<vmem>>)
    %dma_start3A_841 = arith.constant 1 : i32
    %dma_start3A_842 = arith.constant 1 : i32
    %dma_start3A_843 = arith.constant 0 : i32
    %dma_start3A_844 = arith.constant 0 : i32
    %dma_start3A_845 = tpu.memref_slice %arg8[%dma_start3A_842, %dma_start3A_843, %dma_start3A_844] : memref<3x120x128xf32, #tpu.memory_space<vmem>> -> memref<1x120x128xf32, #tpu.memory_space<vmem>>
    %dma_start3A_846 = tpu.memref_squeeze %dma_start3A_845 : memref<1x120x128xf32, #tpu.memory_space<vmem>> -> memref<120x128xf32, #tpu.memory_space<vmem>>
    %dma_start3A_847 = arith.constant 0 : i32
    %dma_start3A_848 = tpu.memref_slice %arg6[%dma_start3A_841, %dma_start3A_847] : memref<3x120xi32, #tpu.memory_space<vmem>> -> memref<1x120xi32, #tpu.memory_space<vmem>>
    %dma_start3A_849 = tpu.memref_squeeze %dma_start3A_848 : memref<1x120xi32, #tpu.memory_space<vmem>> -> memref<120xi32, #tpu.memory_space<vmem>>
    %dma_start3A_850 = arith.constant 0 : i32
    %dma_start3A_851 = arith.constant 0 : i32
    %dma_start3A_852 = tpu.memref_slice %arg2[%dma_start3A_850, %dma_start3A_851] : memref<10000x128xf32, #tpu.memory_space<hbm>> -> memref<10000x128xf32, #tpu.memory_space<hbm>>
    tpu.enqueue_indirect_dma source(%dma_start3A_852 : memref<10000x128xf32, #tpu.memory_space<hbm>>) target(%dma_start3A_846 : memref<120x128xf32, #tpu.memory_space<vmem>>) offsets(%dma_start3A_849 : memref<120xi32, #tpu.memory_space<vmem>>) semaphore(%arg15 : memref<!tpu.dma_semaphore, #tpu.memory_space<semaphore_mem>>)
    %dma_wait3A_853 = arith.constant 0 : i32
    %dma_wait3A_854 = arith.constant 0 : i32
    %dma_wait3A_855 = arith.constant 0 : i32
    %dma_wait3A_856 = tpu.memref_slice %arg8[%dma_wait3A_853, %dma_wait3A_854, %dma_wait3A_855] : memref<3x120x128xf32, #tpu.memory_space<vmem>> -> memref<1x120x128xf32, #tpu.memory_space<vmem>>
    %dma_wait3A_857 = tpu.memref_squeeze %dma_wait3A_856 : memref<1x120x128xf32, #tpu.memory_space<vmem>> -> memref<120x128xf32, #tpu.memory_space<vmem>>
    %dma_wait3A_858 = arith.constant 0 : i32
    %dma_wait3A_859 = arith.constant 0 : i32
    %dma_wait3A_860 = tpu.memref_slice %arg2[%dma_wait3A_858, %dma_wait3A_859] : memref<10000x128xf32, #tpu.memory_space<hbm>> -> memref<120x128xf32, #tpu.memory_space<hbm>>
    %dma_wait3A_861 = arith.constant 0 : i32
    %dma_wait3A_862 = arith.constant 0 : i32
    %dma_wait3A_863 = tpu.memref_slice %arg8[%dma_wait3A_853, %dma_wait3A_861, %dma_wait3A_862] : memref<3x120x128xf32, #tpu.memory_space<vmem>> -> memref<1x120x128xf32, #tpu.memory_space<vmem>>
    %dma_wait3A_864 = tpu.memref_squeeze %dma_wait3A_863 : memref<1x120x128xf32, #tpu.memory_space<vmem>> -> memref<120x128xf32, #tpu.memory_space<vmem>>
    %dma_wait3A_865 = arith.constant 0 : i32
    %dma_wait3A_866 = arith.constant 0 : i32
    %dma_wait3A_867 = tpu.memref_slice %arg2[%dma_wait3A_865, %dma_wait3A_866] : memref<10000x128xf32, #tpu.memory_space<hbm>> -> memref<120x128xf32, #tpu.memory_space<hbm>>
    tpu.wait_dma2 semaphore(%arg15 : memref<!tpu.dma_semaphore, #tpu.memory_space<semaphore_mem>>) src(%dma_wait3A_867 : memref<120x128xf32, #tpu.memory_space<hbm>>) dst(%dma_wait3A_864 : memref<120x128xf32, #tpu.memory_space<vmem>>)
    %dma_start3A_868 = arith.constant 0 : i32
    %dma_start3A_869 = arith.constant 3 : i32
    %dma_start3A_870 = arith.constant 0 : i32
    %dma_start3A_871 = arith.constant 0 : i32
    %dma_start3A_872 = tpu.memref_slice %arg8[%dma_start3A_868, %dma_start3A_870, %dma_start3A_871] : memref<3x120x128xf32, #tpu.memory_space<vmem>> -> memref<1x120x128xf32, #tpu.memory_space<vmem>>
    %dma_start3A_873 = tpu.memref_squeeze %dma_start3A_872 : memref<1x120x128xf32, #tpu.memory_space<vmem>> -> memref<120x128xf32, #tpu.memory_space<vmem>>
    %dma_start3A_874 = arith.constant 0 : i32
    %dma_start3A_875 = tpu.memref_slice %arg7[%dma_start3A_869, %dma_start3A_874] : memref<6x120xi32, #tpu.memory_space<vmem>> -> memref<1x120xi32, #tpu.memory_space<vmem>>
    %dma_start3A_876 = tpu.memref_squeeze %dma_start3A_875 : memref<1x120xi32, #tpu.memory_space<vmem>> -> memref<120xi32, #tpu.memory_space<vmem>>
    %dma_start3A_877 = arith.constant 0 : i32
    %dma_start3A_878 = arith.constant 0 : i32
    %dma_start3A_879 = tpu.memref_slice %arg12[%dma_start3A_877, %dma_start3A_878] : memref<10240x128xf32, #tpu.memory_space<vmem_shared>> -> memref<10240x128xf32, #tpu.memory_space<vmem_shared>>
    tpu.enqueue_indirect_dma source(%dma_start3A_873 : memref<120x128xf32, #tpu.memory_space<vmem>>) target(%dma_start3A_879 : memref<10240x128xf32, #tpu.memory_space<vmem_shared>>) offsets(%dma_start3A_876 : memref<120xi32, #tpu.memory_space<vmem>>) semaphore(%arg16 : memref<!tpu.dma_semaphore, #tpu.memory_space<semaphore_mem>>) {add = true}
    %dma_start3A_880 = arith.constant 3 : i32
    %dma_start3A_881 = arith.constant 0 : i32
    %dma_start3A_882 = tpu.memref_slice %arg9[%dma_start3A_881] : memref<136xf32, #tpu.memory_space<vmem>> -> memref<120xf32, #tpu.memory_space<vmem>>
    %dma_start3A_883 = arith.constant 0 : i32
    %dma_start3A_884 = tpu.memref_slice %arg7[%dma_start3A_880, %dma_start3A_883] : memref<6x120xi32, #tpu.memory_space<vmem>> -> memref<1x120xi32, #tpu.memory_space<vmem>>
    %dma_start3A_885 = tpu.memref_squeeze %dma_start3A_884 : memref<1x120xi32, #tpu.memory_space<vmem>> -> memref<120xi32, #tpu.memory_space<vmem>>
    %dma_start3A_886 = arith.constant 0 : i32
    %dma_start3A_887 = tpu.memref_slice %arg13[%dma_start3A_886] : memref<10240xf32, #tpu.memory_space<vmem_shared>> -> memref<10240xf32, #tpu.memory_space<vmem_shared>>
    tpu.enqueue_indirect_dma source(%dma_start3A_882 : memref<120xf32, #tpu.memory_space<vmem>>) target(%dma_start3A_887 : memref<10240xf32, #tpu.memory_space<vmem_shared>>) offsets(%dma_start3A_885 : memref<120xi32, #tpu.memory_space<vmem>>) semaphore(%arg16 : memref<!tpu.dma_semaphore, #tpu.memory_space<semaphore_mem>>) {add = true}
    %dma_wait3A_888 = arith.constant 0 : i32
    %dma_wait3A_889 = arith.constant 0 : i32
    %dma_wait3A_890 = arith.constant 0 : i32
    %dma_wait3A_891 = tpu.memref_slice %arg8[%dma_wait3A_888, %dma_wait3A_889, %dma_wait3A_890] : memref<3x120x128xf32, #tpu.memory_space<vmem>> -> memref<1x120x128xf32, #tpu.memory_space<vmem>>
    %dma_wait3A_892 = tpu.memref_squeeze %dma_wait3A_891 : memref<1x120x128xf32, #tpu.memory_space<vmem>> -> memref<120x128xf32, #tpu.memory_space<vmem>>
    %dma_wait3A_893 = arith.constant 0 : i32
    %dma_wait3A_894 = arith.constant 0 : i32
    %dma_wait3A_895 = tpu.memref_slice %arg12[%dma_wait3A_893, %dma_wait3A_894] : memref<10240x128xf32, #tpu.memory_space<vmem_shared>> -> memref<120x128xf32, #tpu.memory_space<vmem_shared>>
    %dma_wait3A_896 = arith.constant 0 : i32
    %dma_wait3A_897 = arith.constant 0 : i32
    %dma_wait3A_898 = tpu.memref_slice %arg12[%dma_wait3A_896, %dma_wait3A_897] : memref<10240x128xf32, #tpu.memory_space<vmem_shared>> -> memref<120x128xf32, #tpu.memory_space<vmem_shared>>
    %dma_wait3A_899 = arith.constant 0 : i32
    %dma_wait3A_900 = arith.constant 0 : i32
    %dma_wait3A_901 = tpu.memref_slice %arg8[%dma_wait3A_888, %dma_wait3A_899, %dma_wait3A_900] : memref<3x120x128xf32, #tpu.memory_space<vmem>> -> memref<1x120x128xf32, #tpu.memory_space<vmem>>
    %dma_wait3A_902 = tpu.memref_squeeze %dma_wait3A_901 : memref<1x120x128xf32, #tpu.memory_space<vmem>> -> memref<120x128xf32, #tpu.memory_space<vmem>>
    tpu.wait_dma2 semaphore(%arg16 : memref<!tpu.dma_semaphore, #tpu.memory_space<semaphore_mem>>) src(%dma_wait3A_902 : memref<120x128xf32, #tpu.memory_space<vmem>>) dst(%dma_wait3A_898 : memref<120x128xf32, #tpu.memory_space<vmem_shared>>)
    %dma_wait3A_903 = arith.constant 0 : i32
    %dma_wait3A_904 = tpu.memref_slice %arg9[%dma_wait3A_903] : memref<136xf32, #tpu.memory_space<vmem>> -> memref<120xf32, #tpu.memory_space<vmem>>
    %dma_wait3A_905 = arith.constant 0 : i32
    %dma_wait3A_906 = tpu.memref_slice %arg13[%dma_wait3A_905] : memref<10240xf32, #tpu.memory_space<vmem_shared>> -> memref<120xf32, #tpu.memory_space<vmem_shared>>
    %dma_wait3A_907 = arith.constant 0 : i32
    %dma_wait3A_908 = tpu.memref_slice %arg13[%dma_wait3A_907] : memref<10240xf32, #tpu.memory_space<vmem_shared>> -> memref<120xf32, #tpu.memory_space<vmem_shared>>
    %dma_wait3A_909 = arith.constant 0 : i32
    %dma_wait3A_910 = tpu.memref_slice %arg9[%dma_wait3A_909] : memref<136xf32, #tpu.memory_space<vmem>> -> memref<120xf32, #tpu.memory_space<vmem>>
    tpu.wait_dma2 semaphore(%arg16 : memref<!tpu.dma_semaphore, #tpu.memory_space<semaphore_mem>>) src(%dma_wait3A_910 : memref<120xf32, #tpu.memory_space<vmem>>) dst(%dma_wait3A_908 : memref<120xf32, #tpu.memory_space<vmem_shared>>)
    %dma_wait3A_911 = arith.constant 1 : i32
    %dma_wait3A_912 = arith.constant 0 : i32
    %dma_wait3A_913 = arith.constant 0 : i32
    %dma_wait3A_914 = tpu.memref_slice %arg8[%dma_wait3A_911, %dma_wait3A_912, %dma_wait3A_913] : memref<3x120x128xf32, #tpu.memory_space<vmem>> -> memref<1x120x128xf32, #tpu.memory_space<vmem>>
    %dma_wait3A_915 = tpu.memref_squeeze %dma_wait3A_914 : memref<1x120x128xf32, #tpu.memory_space<vmem>> -> memref<120x128xf32, #tpu.memory_space<vmem>>
    %dma_wait3A_916 = arith.constant 0 : i32
    %dma_wait3A_917 = arith.constant 0 : i32
    %dma_wait3A_918 = tpu.memref_slice %arg2[%dma_wait3A_916, %dma_wait3A_917] : memref<10000x128xf32, #tpu.memory_space<hbm>> -> memref<120x128xf32, #tpu.memory_space<hbm>>
    %dma_wait3A_919 = arith.constant 0 : i32
    %dma_wait3A_920 = arith.constant 0 : i32
    %dma_wait3A_921 = tpu.memref_slice %arg8[%dma_wait3A_911, %dma_wait3A_919, %dma_wait3A_920] : memref<3x120x128xf32, #tpu.memory_space<vmem>> -> memref<1x120x128xf32, #tpu.memory_space<vmem>>
    %dma_wait3A_922 = tpu.memref_squeeze %dma_wait3A_921 : memref<1x120x128xf32, #tpu.memory_space<vmem>> -> memref<120x128xf32, #tpu.memory_space<vmem>>
    %dma_wait3A_923 = arith.constant 0 : i32
    %dma_wait3A_924 = arith.constant 0 : i32
    %dma_wait3A_925 = tpu.memref_slice %arg2[%dma_wait3A_923, %dma_wait3A_924] : memref<10000x128xf32, #tpu.memory_space<hbm>> -> memref<120x128xf32, #tpu.memory_space<hbm>>
    tpu.wait_dma2 semaphore(%arg15 : memref<!tpu.dma_semaphore, #tpu.memory_space<semaphore_mem>>) src(%dma_wait3A_925 : memref<120x128xf32, #tpu.memory_space<hbm>>) dst(%dma_wait3A_922 : memref<120x128xf32, #tpu.memory_space<vmem>>)
    %dma_start3A_926 = arith.constant 1 : i32
    %dma_start3A_927 = arith.constant 4 : i32
    %dma_start3A_928 = arith.constant 0 : i32
    %dma_start3A_929 = arith.constant 0 : i32
    %dma_start3A_930 = tpu.memref_slice %arg8[%dma_start3A_926, %dma_start3A_928, %dma_start3A_929] : memref<3x120x128xf32, #tpu.memory_space<vmem>> -> memref<1x120x128xf32, #tpu.memory_space<vmem>>
    %dma_start3A_931 = tpu.memref_squeeze %dma_start3A_930 : memref<1x120x128xf32, #tpu.memory_space<vmem>> -> memref<120x128xf32, #tpu.memory_space<vmem>>
    %dma_start3A_932 = arith.constant 0 : i32
    %dma_start3A_933 = tpu.memref_slice %arg7[%dma_start3A_927, %dma_start3A_932] : memref<6x120xi32, #tpu.memory_space<vmem>> -> memref<1x120xi32, #tpu.memory_space<vmem>>
    %dma_start3A_934 = tpu.memref_squeeze %dma_start3A_933 : memref<1x120xi32, #tpu.memory_space<vmem>> -> memref<120xi32, #tpu.memory_space<vmem>>
    %dma_start3A_935 = arith.constant 0 : i32
    %dma_start3A_936 = arith.constant 0 : i32
    %dma_start3A_937 = tpu.memref_slice %arg12[%dma_start3A_935, %dma_start3A_936] : memref<10240x128xf32, #tpu.memory_space<vmem_shared>> -> memref<10240x128xf32, #tpu.memory_space<vmem_shared>>
    tpu.enqueue_indirect_dma source(%dma_start3A_931 : memref<120x128xf32, #tpu.memory_space<vmem>>) target(%dma_start3A_937 : memref<10240x128xf32, #tpu.memory_space<vmem_shared>>) offsets(%dma_start3A_934 : memref<120xi32, #tpu.memory_space<vmem>>) semaphore(%arg16 : memref<!tpu.dma_semaphore, #tpu.memory_space<semaphore_mem>>) {add = true}
    %dma_start3A_938 = arith.constant 4 : i32
    %dma_start3A_939 = arith.constant 0 : i32
    %dma_start3A_940 = tpu.memref_slice %arg9[%dma_start3A_939] : memref<136xf32, #tpu.memory_space<vmem>> -> memref<120xf32, #tpu.memory_space<vmem>>
    %dma_start3A_941 = arith.constant 0 : i32
    %dma_start3A_942 = tpu.memref_slice %arg7[%dma_start3A_938, %dma_start3A_941] : memref<6x120xi32, #tpu.memory_space<vmem>> -> memref<1x120xi32, #tpu.memory_space<vmem>>
    %dma_start3A_943 = tpu.memref_squeeze %dma_start3A_942 : memref<1x120xi32, #tpu.memory_space<vmem>> -> memref<120xi32, #tpu.memory_space<vmem>>
    %dma_start3A_944 = arith.constant 0 : i32
    %dma_start3A_945 = tpu.memref_slice %arg13[%dma_start3A_944] : memref<10240xf32, #tpu.memory_space<vmem_shared>> -> memref<10240xf32, #tpu.memory_space<vmem_shared>>
    tpu.enqueue_indirect_dma source(%dma_start3A_940 : memref<120xf32, #tpu.memory_space<vmem>>) target(%dma_start3A_945 : memref<10240xf32, #tpu.memory_space<vmem_shared>>) offsets(%dma_start3A_943 : memref<120xi32, #tpu.memory_space<vmem>>) semaphore(%arg16 : memref<!tpu.dma_semaphore, #tpu.memory_space<semaphore_mem>>) {add = true}
    %dma_wait3A_946 = arith.constant 0 : i32
    %dma_wait3A_947 = arith.constant 0 : i32
    %dma_wait3A_948 = arith.constant 0 : i32
    %dma_wait3A_949 = tpu.memref_slice %arg8[%dma_wait3A_946, %dma_wait3A_947, %dma_wait3A_948] : memref<3x120x128xf32, #tpu.memory_space<vmem>> -> memref<1x120x128xf32, #tpu.memory_space<vmem>>
    %dma_wait3A_950 = tpu.memref_squeeze %dma_wait3A_949 : memref<1x120x128xf32, #tpu.memory_space<vmem>> -> memref<120x128xf32, #tpu.memory_space<vmem>>
    %dma_wait3A_951 = arith.constant 0 : i32
    %dma_wait3A_952 = arith.constant 0 : i32
    %dma_wait3A_953 = tpu.memref_slice %arg12[%dma_wait3A_951, %dma_wait3A_952] : memref<10240x128xf32, #tpu.memory_space<vmem_shared>> -> memref<120x128xf32, #tpu.memory_space<vmem_shared>>
    %dma_wait3A_954 = arith.constant 0 : i32
    %dma_wait3A_955 = arith.constant 0 : i32
    %dma_wait3A_956 = tpu.memref_slice %arg12[%dma_wait3A_954, %dma_wait3A_955] : memref<10240x128xf32, #tpu.memory_space<vmem_shared>> -> memref<120x128xf32, #tpu.memory_space<vmem_shared>>
    %dma_wait3A_957 = arith.constant 0 : i32
    %dma_wait3A_958 = arith.constant 0 : i32
    %dma_wait3A_959 = tpu.memref_slice %arg8[%dma_wait3A_946, %dma_wait3A_957, %dma_wait3A_958] : memref<3x120x128xf32, #tpu.memory_space<vmem>> -> memref<1x120x128xf32, #tpu.memory_space<vmem>>
    %dma_wait3A_960 = tpu.memref_squeeze %dma_wait3A_959 : memref<1x120x128xf32, #tpu.memory_space<vmem>> -> memref<120x128xf32, #tpu.memory_space<vmem>>
    tpu.wait_dma2 semaphore(%arg16 : memref<!tpu.dma_semaphore, #tpu.memory_space<semaphore_mem>>) src(%dma_wait3A_960 : memref<120x128xf32, #tpu.memory_space<vmem>>) dst(%dma_wait3A_956 : memref<120x128xf32, #tpu.memory_space<vmem_shared>>)
    %dma_wait3A_961 = arith.constant 0 : i32
    %dma_wait3A_962 = tpu.memref_slice %arg9[%dma_wait3A_961] : memref<136xf32, #tpu.memory_space<vmem>> -> memref<120xf32, #tpu.memory_space<vmem>>
    %dma_wait3A_963 = arith.constant 0 : i32
    %dma_wait3A_964 = tpu.memref_slice %arg13[%dma_wait3A_963] : memref<10240xf32, #tpu.memory_space<vmem_shared>> -> memref<120xf32, #tpu.memory_space<vmem_shared>>
    %dma_wait3A_965 = arith.constant 0 : i32
    %dma_wait3A_966 = tpu.memref_slice %arg13[%dma_wait3A_965] : memref<10240xf32, #tpu.memory_space<vmem_shared>> -> memref<120xf32, #tpu.memory_space<vmem_shared>>
    %dma_wait3A_967 = arith.constant 0 : i32
    %dma_wait3A_968 = tpu.memref_slice %arg9[%dma_wait3A_967] : memref<136xf32, #tpu.memory_space<vmem>> -> memref<120xf32, #tpu.memory_space<vmem>>
    tpu.wait_dma2 semaphore(%arg16 : memref<!tpu.dma_semaphore, #tpu.memory_space<semaphore_mem>>) src(%dma_wait3A_968 : memref<120xf32, #tpu.memory_space<vmem>>) dst(%dma_wait3A_966 : memref<120xf32, #tpu.memory_space<vmem_shared>>)
    %dma_wait3A_969 = arith.constant 0 : i32
    %dma_wait3A_970 = arith.constant 0 : i32
    %dma_wait3A_971 = arith.constant 0 : i32
    %dma_wait3A_972 = tpu.memref_slice %arg8[%dma_wait3A_969, %dma_wait3A_970, %dma_wait3A_971] : memref<3x120x128xf32, #tpu.memory_space<vmem>> -> memref<1x120x128xf32, #tpu.memory_space<vmem>>
    %dma_wait3A_973 = tpu.memref_squeeze %dma_wait3A_972 : memref<1x120x128xf32, #tpu.memory_space<vmem>> -> memref<120x128xf32, #tpu.memory_space<vmem>>
    %dma_wait3A_974 = arith.constant 0 : i32
    %dma_wait3A_975 = arith.constant 0 : i32
    %dma_wait3A_976 = tpu.memref_slice %arg12[%dma_wait3A_974, %dma_wait3A_975] : memref<10240x128xf32, #tpu.memory_space<vmem_shared>> -> memref<120x128xf32, #tpu.memory_space<vmem_shared>>
    %dma_wait3A_977 = arith.constant 0 : i32
    %dma_wait3A_978 = arith.constant 0 : i32
    %dma_wait3A_979 = tpu.memref_slice %arg12[%dma_wait3A_977, %dma_wait3A_978] : memref<10240x128xf32, #tpu.memory_space<vmem_shared>> -> memref<120x128xf32, #tpu.memory_space<vmem_shared>>
    %dma_wait3A_980 = arith.constant 0 : i32
    %dma_wait3A_981 = arith.constant 0 : i32
    %dma_wait3A_982 = tpu.memref_slice %arg8[%dma_wait3A_969, %dma_wait3A_980, %dma_wait3A_981] : memref<3x120x128xf32, #tpu.memory_space<vmem>> -> memref<1x120x128xf32, #tpu.memory_space<vmem>>
    %dma_wait3A_983 = tpu.memref_squeeze %dma_wait3A_982 : memref<1x120x128xf32, #tpu.memory_space<vmem>> -> memref<120x128xf32, #tpu.memory_space<vmem>>
    tpu.wait_dma2 semaphore(%arg16 : memref<!tpu.dma_semaphore, #tpu.memory_space<semaphore_mem>>) src(%dma_wait3A_983 : memref<120x128xf32, #tpu.memory_space<vmem>>) dst(%dma_wait3A_979 : memref<120x128xf32, #tpu.memory_space<vmem_shared>>)
    %dma_wait3A_984 = arith.constant 0 : i32
    %dma_wait3A_985 = tpu.memref_slice %arg9[%dma_wait3A_984] : memref<136xf32, #tpu.memory_space<vmem>> -> memref<120xf32, #tpu.memory_space<vmem>>
    %dma_wait3A_986 = arith.constant 0 : i32
    %dma_wait3A_987 = tpu.memref_slice %arg13[%dma_wait3A_986] : memref<10240xf32, #tpu.memory_space<vmem_shared>> -> memref<120xf32, #tpu.memory_space<vmem_shared>>
    %dma_wait3A_988 = arith.constant 0 : i32
    %dma_wait3A_989 = tpu.memref_slice %arg13[%dma_wait3A_988] : memref<10240xf32, #tpu.memory_space<vmem_shared>> -> memref<120xf32, #tpu.memory_space<vmem_shared>>
    %dma_wait3A_990 = arith.constant 0 : i32
    %dma_wait3A_991 = tpu.memref_slice %arg9[%dma_wait3A_990] : memref<136xf32, #tpu.memory_space<vmem>> -> memref<120xf32, #tpu.memory_space<vmem>>
    tpu.wait_dma2 semaphore(%arg16 : memref<!tpu.dma_semaphore, #tpu.memory_space<semaphore_mem>>) src(%dma_wait3A_991 : memref<120xf32, #tpu.memory_space<vmem>>) dst(%dma_wait3A_989 : memref<120xf32, #tpu.memory_space<vmem_shared>>)
    %add3A_992 = arith.constant 9960 : i32
    %add3A_993 = arith.addi %mul3A_4, %add3A_992 : i32
    %add3A_994 = arith.constant 320000 : i32
    %add3A_995 = arith.addi %add3A_994, %add3A_993 : i32
    %dma_start3A_996 = tpu.memref_slice %arg3[%add3A_995] : memref<640000xi32, #tpu.memory_space<hbm>> -> memref<40xi32, #tpu.memory_space<hbm>>
    %dma_start3A_997 = tpu.memref_slice %arg3[%add3A_995] : memref<640000xi32, #tpu.memory_space<hbm>> -> memref<40xi32, #tpu.memory_space<hbm>>
    tpu.enqueue_dma source(%dma_start3A_997 : memref<40xi32, #tpu.memory_space<hbm>>) target(%arg10 : memref<40xi32, #tpu.memory_space<vmem>>) target_semaphore(%arg14 : memref<!tpu.dma_semaphore, #tpu.memory_space<semaphore_mem>>)
    %dma_start3A_998 = tpu.memref_slice %arg3[%add3A_993] : memref<640000xi32, #tpu.memory_space<hbm>> -> memref<40xi32, #tpu.memory_space<hbm>>
    %dma_start3A_999 = tpu.memref_slice %arg3[%add3A_993] : memref<640000xi32, #tpu.memory_space<hbm>> -> memref<40xi32, #tpu.memory_space<hbm>>
    tpu.enqueue_dma source(%dma_start3A_999 : memref<40xi32, #tpu.memory_space<hbm>>) target(%arg11 : memref<40xi32, #tpu.memory_space<vmem>>) target_semaphore(%arg14 : memref<!tpu.dma_semaphore, #tpu.memory_space<semaphore_mem>>)
    %dma_wait3A_1000 = arith.constant 0 : i32
    %dma_wait3A_1001 = tpu.memref_slice %arg3[%dma_wait3A_1000] : memref<640000xi32, #tpu.memory_space<hbm>> -> memref<40xi32, #tpu.memory_space<hbm>>
    %dma_wait3A_1002 = arith.constant 0 : i32
    %dma_wait3A_1003 = tpu.memref_slice %arg3[%dma_wait3A_1002] : memref<640000xi32, #tpu.memory_space<hbm>> -> memref<40xi32, #tpu.memory_space<hbm>>
    tpu.wait_dma2 semaphore(%arg14 : memref<!tpu.dma_semaphore, #tpu.memory_space<semaphore_mem>>) src(%dma_wait3A_1003 : memref<40xi32, #tpu.memory_space<hbm>>) dst(%arg10 : memref<40xi32, #tpu.memory_space<vmem>>)
    %dma_wait3A_1004 = arith.constant 0 : i32
    %dma_wait3A_1005 = tpu.memref_slice %arg3[%dma_wait3A_1004] : memref<640000xi32, #tpu.memory_space<hbm>> -> memref<40xi32, #tpu.memory_space<hbm>>
    %dma_wait3A_1006 = arith.constant 0 : i32
    %dma_wait3A_1007 = tpu.memref_slice %arg3[%dma_wait3A_1006] : memref<640000xi32, #tpu.memory_space<hbm>> -> memref<40xi32, #tpu.memory_space<hbm>>
    tpu.wait_dma2 semaphore(%arg14 : memref<!tpu.dma_semaphore, #tpu.memory_space<semaphore_mem>>) src(%dma_wait3A_1007 : memref<40xi32, #tpu.memory_space<hbm>>) dst(%arg11 : memref<40xi32, #tpu.memory_space<vmem>>)
    %dma_start3A_1008 = arith.constant 0 : i32
    %dma_start3A_1009 = arith.constant 0 : i32
    %dma_start3A_1010 = arith.constant 0 : i32
    %dma_start3A_1011 = tpu.memref_slice %arg8[%dma_start3A_1008, %dma_start3A_1009, %dma_start3A_1010] : memref<3x120x128xf32, #tpu.memory_space<vmem>> -> memref<1x40x128xf32, #tpu.memory_space<vmem>>
    %dma_start3A_1012 = tpu.memref_squeeze %dma_start3A_1011 : memref<1x40x128xf32, #tpu.memory_space<vmem>> -> memref<40x128xf32, #tpu.memory_space<vmem>>
    %dma_start3A_1013 = arith.constant 0 : i32
    %dma_start3A_1014 = arith.constant 0 : i32
    %dma_start3A_1015 = tpu.memref_slice %arg2[%dma_start3A_1013, %dma_start3A_1014] : memref<10000x128xf32, #tpu.memory_space<hbm>> -> memref<10000x128xf32, #tpu.memory_space<hbm>>
    tpu.enqueue_indirect_dma source(%dma_start3A_1015 : memref<10000x128xf32, #tpu.memory_space<hbm>>) target(%dma_start3A_1012 : memref<40x128xf32, #tpu.memory_space<vmem>>) offsets(%arg10 : memref<40xi32, #tpu.memory_space<vmem>>) semaphore(%arg15 : memref<!tpu.dma_semaphore, #tpu.memory_space<semaphore_mem>>)
    %dma_wait3A_1016 = arith.constant 0 : i32
    %dma_wait3A_1017 = arith.constant 0 : i32
    %dma_wait3A_1018 = arith.constant 0 : i32
    %dma_wait3A_1019 = tpu.memref_slice %arg8[%dma_wait3A_1016, %dma_wait3A_1017, %dma_wait3A_1018] : memref<3x120x128xf32, #tpu.memory_space<vmem>> -> memref<1x40x128xf32, #tpu.memory_space<vmem>>
    %dma_wait3A_1020 = tpu.memref_squeeze %dma_wait3A_1019 : memref<1x40x128xf32, #tpu.memory_space<vmem>> -> memref<40x128xf32, #tpu.memory_space<vmem>>
    %dma_wait3A_1021 = arith.constant 0 : i32
    %dma_wait3A_1022 = arith.constant 0 : i32
    %dma_wait3A_1023 = tpu.memref_slice %arg2[%dma_wait3A_1021, %dma_wait3A_1022] : memref<10000x128xf32, #tpu.memory_space<hbm>> -> memref<10000x128xf32, #tpu.memory_space<hbm>>
    tpu.wait_indirect_dma semaphore(%arg15 : memref<!tpu.dma_semaphore, #tpu.memory_space<semaphore_mem>>) src(%dma_wait3A_1023 : memref<10000x128xf32, #tpu.memory_space<hbm>>) dst(%dma_wait3A_1020 : memref<40x128xf32, #tpu.memory_space<vmem>>)
    %dma_start3A_1024 = arith.constant 0 : i32
    %dma_start3A_1025 = arith.constant 0 : i32
    %dma_start3A_1026 = arith.constant 0 : i32
    %dma_start3A_1027 = tpu.memref_slice %arg8[%dma_start3A_1024, %dma_start3A_1025, %dma_start3A_1026] : memref<3x120x128xf32, #tpu.memory_space<vmem>> -> memref<1x40x128xf32, #tpu.memory_space<vmem>>
    %dma_start3A_1028 = tpu.memref_squeeze %dma_start3A_1027 : memref<1x40x128xf32, #tpu.memory_space<vmem>> -> memref<40x128xf32, #tpu.memory_space<vmem>>
    %dma_start3A_1029 = arith.constant 0 : i32
    %dma_start3A_1030 = arith.constant 0 : i32
    %dma_start3A_1031 = tpu.memref_slice %arg12[%dma_start3A_1029, %dma_start3A_1030] : memref<10240x128xf32, #tpu.memory_space<vmem_shared>> -> memref<10240x128xf32, #tpu.memory_space<vmem_shared>>
    tpu.enqueue_indirect_dma source(%dma_start3A_1028 : memref<40x128xf32, #tpu.memory_space<vmem>>) target(%dma_start3A_1031 : memref<10240x128xf32, #tpu.memory_space<vmem_shared>>) offsets(%arg11 : memref<40xi32, #tpu.memory_space<vmem>>) semaphore(%arg16 : memref<!tpu.dma_semaphore, #tpu.memory_space<semaphore_mem>>) {add = true}
    %dma_start3A_1032 = arith.constant 0 : i32
    %dma_start3A_1033 = tpu.memref_slice %arg9[%dma_start3A_1032] : memref<136xf32, #tpu.memory_space<vmem>> -> memref<40xf32, #tpu.memory_space<vmem>>
    %dma_start3A_1034 = arith.constant 0 : i32
    %dma_start3A_1035 = tpu.memref_slice %arg13[%dma_start3A_1034] : memref<10240xf32, #tpu.memory_space<vmem_shared>> -> memref<10240xf32, #tpu.memory_space<vmem_shared>>
    tpu.enqueue_indirect_dma source(%dma_start3A_1033 : memref<40xf32, #tpu.memory_space<vmem>>) target(%dma_start3A_1035 : memref<10240xf32, #tpu.memory_space<vmem_shared>>) offsets(%arg11 : memref<40xi32, #tpu.memory_space<vmem>>) semaphore(%arg16 : memref<!tpu.dma_semaphore, #tpu.memory_space<semaphore_mem>>) {add = true}
    %dma_wait3A_1036 = arith.constant 0 : i32
    %dma_wait3A_1037 = arith.constant 0 : i32
    %dma_wait3A_1038 = arith.constant 0 : i32
    %dma_wait3A_1039 = tpu.memref_slice %arg8[%dma_wait3A_1036, %dma_wait3A_1037, %dma_wait3A_1038] : memref<3x120x128xf32, #tpu.memory_space<vmem>> -> memref<1x40x128xf32, #tpu.memory_space<vmem>>
    %dma_wait3A_1040 = tpu.memref_squeeze %dma_wait3A_1039 : memref<1x40x128xf32, #tpu.memory_space<vmem>> -> memref<40x128xf32, #tpu.memory_space<vmem>>
    %dma_wait3A_1041 = arith.constant 0 : i32
    %dma_wait3A_1042 = arith.constant 0 : i32
    %dma_wait3A_1043 = tpu.memref_slice %arg12[%dma_wait3A_1041, %dma_wait3A_1042] : memref<10240x128xf32, #tpu.memory_space<vmem_shared>> -> memref<40x128xf32, #tpu.memory_space<vmem_shared>>
    %dma_wait3A_1044 = arith.constant 0 : i32
    %dma_wait3A_1045 = arith.constant 0 : i32
    %dma_wait3A_1046 = tpu.memref_slice %arg12[%dma_wait3A_1044, %dma_wait3A_1045] : memref<10240x128xf32, #tpu.memory_space<vmem_shared>> -> memref<40x128xf32, #tpu.memory_space<vmem_shared>>
    %dma_wait3A_1047 = arith.constant 0 : i32
    %dma_wait3A_1048 = arith.constant 0 : i32
    %dma_wait3A_1049 = tpu.memref_slice %arg8[%dma_wait3A_1036, %dma_wait3A_1047, %dma_wait3A_1048] : memref<3x120x128xf32, #tpu.memory_space<vmem>> -> memref<1x40x128xf32, #tpu.memory_space<vmem>>
    %dma_wait3A_1050 = tpu.memref_squeeze %dma_wait3A_1049 : memref<1x40x128xf32, #tpu.memory_space<vmem>> -> memref<40x128xf32, #tpu.memory_space<vmem>>
    tpu.wait_dma2 semaphore(%arg16 : memref<!tpu.dma_semaphore, #tpu.memory_space<semaphore_mem>>) src(%dma_wait3A_1050 : memref<40x128xf32, #tpu.memory_space<vmem>>) dst(%dma_wait3A_1046 : memref<40x128xf32, #tpu.memory_space<vmem_shared>>)
    %dma_wait3A_1051 = arith.constant 0 : i32
    %dma_wait3A_1052 = tpu.memref_slice %arg9[%dma_wait3A_1051] : memref<136xf32, #tpu.memory_space<vmem>> -> memref<40xf32, #tpu.memory_space<vmem>>
    %dma_wait3A_1053 = arith.constant 0 : i32
    %dma_wait3A_1054 = tpu.memref_slice %arg13[%dma_wait3A_1053] : memref<10240xf32, #tpu.memory_space<vmem_shared>> -> memref<40xf32, #tpu.memory_space<vmem_shared>>
    %dma_wait3A_1055 = arith.constant 0 : i32
    %dma_wait3A_1056 = tpu.memref_slice %arg13[%dma_wait3A_1055] : memref<10240xf32, #tpu.memory_space<vmem_shared>> -> memref<40xf32, #tpu.memory_space<vmem_shared>>
    %dma_wait3A_1057 = arith.constant 0 : i32
    %dma_wait3A_1058 = tpu.memref_slice %arg9[%dma_wait3A_1057] : memref<136xf32, #tpu.memory_space<vmem>> -> memref<40xf32, #tpu.memory_space<vmem>>
    tpu.wait_dma2 semaphore(%arg16 : memref<!tpu.dma_semaphore, #tpu.memory_space<semaphore_mem>>) src(%dma_wait3A_1058 : memref<40xf32, #tpu.memory_space<vmem>>) dst(%dma_wait3A_1056 : memref<40xf32, #tpu.memory_space<vmem_shared>>)
    %barrier3A_1059 = arith.constant 0 : index
    tpu.barrier barrier_id(%barrier3A_1059)
    "tpu.region"() ({
      %run_scoped3A = tpu.sem_alloc : memref<!tpu.dma_semaphore, #tpu.memory_space<semaphore_mem>>
      %dma_start3A_1060 = arith.constant 0 : i32
      %dma_start3A_1061 = tpu.memref_slice %arg4[%arg0, %mul3A_0, %dma_start3A_1060] : memref<2x10240x128xf32, #tpu.memory_space<hbm>> -> memref<1x640x128xf32, #tpu.memory_space<hbm>>
      %dma_start3A_1062 = tpu.memref_squeeze %dma_start3A_1061 : memref<1x640x128xf32, #tpu.memory_space<hbm>> -> memref<640x128xf32, #tpu.memory_space<hbm>>
      %dma_start3A_1063 = arith.constant 0 : i32
      %dma_start3A_1064 = tpu.memref_slice %arg12[%mul3A_0, %dma_start3A_1063] : memref<10240x128xf32, #tpu.memory_space<vmem_shared>> -> memref<640x128xf32, #tpu.memory_space<vmem_shared>>
      tpu.enqueue_dma source(%dma_start3A_1064 : memref<640x128xf32, #tpu.memory_space<vmem_shared>>) target(%dma_start3A_1062 : memref<640x128xf32, #tpu.memory_space<hbm>>) target_semaphore(%run_scoped3A : memref<!tpu.dma_semaphore, #tpu.memory_space<semaphore_mem>>)
      %dma_wait3A_1065 = arith.constant 0 : i32
      %dma_wait3A_1066 = tpu.memref_slice %arg4[%arg0, %mul3A_0, %dma_wait3A_1065] : memref<2x10240x128xf32, #tpu.memory_space<hbm>> -> memref<1x640x128xf32, #tpu.memory_space<hbm>>
      %dma_wait3A_1067 = tpu.memref_squeeze %dma_wait3A_1066 : memref<1x640x128xf32, #tpu.memory_space<hbm>> -> memref<640x128xf32, #tpu.memory_space<hbm>>
      %dma_wait3A_1068 = arith.constant 0 : i32
      %dma_wait3A_1069 = tpu.memref_slice %arg12[%mul3A_0, %dma_wait3A_1068] : memref<10240x128xf32, #tpu.memory_space<vmem_shared>> -> memref<640x128xf32, #tpu.memory_space<vmem_shared>>
      tpu.wait_dma2 semaphore(%run_scoped3A : memref<!tpu.dma_semaphore, #tpu.memory_space<semaphore_mem>>) src(%dma_wait3A_1069 : memref<640x128xf32, #tpu.memory_space<vmem_shared>>) dst(%dma_wait3A_1067 : memref<640x128xf32, #tpu.memory_space<hbm>>)
      tpu.yield
    }) : () -> ()
    "tpu.region"() ({
      %run_scoped3A = tpu.sem_alloc : memref<!tpu.dma_semaphore, #tpu.memory_space<semaphore_mem>>
      %dma_start3A_1060 = tpu.memref_slice %arg5[%arg0, %mul3A_0] : memref<2x10240xf32, #tpu.memory_space<hbm>> -> memref<1x640xf32, #tpu.memory_space<hbm>>
      %dma_start3A_1061 = tpu.memref_squeeze %dma_start3A_1060 : memref<1x640xf32, #tpu.memory_space<hbm>> -> memref<640xf32, #tpu.memory_space<hbm>>
      %dma_start3A_1062 = tpu.memref_slice %arg13[%mul3A_0] : memref<10240xf32, #tpu.memory_space<vmem_shared>> -> memref<640xf32, #tpu.memory_space<vmem_shared>>
      tpu.enqueue_dma source(%dma_start3A_1062 : memref<640xf32, #tpu.memory_space<vmem_shared>>) target(%dma_start3A_1061 : memref<640xf32, #tpu.memory_space<hbm>>) target_semaphore(%run_scoped3A : memref<!tpu.dma_semaphore, #tpu.memory_space<semaphore_mem>>)
      %dma_wait3A_1063 = tpu.memref_slice %arg5[%arg0, %mul3A_0] : memref<2x10240xf32, #tpu.memory_space<hbm>> -> memref<1x640xf32, #tpu.memory_space<hbm>>
      %dma_wait3A_1064 = tpu.memref_squeeze %dma_wait3A_1063 : memref<1x640xf32, #tpu.memory_space<hbm>> -> memref<640xf32, #tpu.memory_space<hbm>>
      %dma_wait3A_1065 = tpu.memref_slice %arg13[%mul3A_0] : memref<10240xf32, #tpu.memory_space<vmem_shared>> -> memref<640xf32, #tpu.memory_space<vmem_shared>>
      tpu.wait_dma2 semaphore(%run_scoped3A : memref<!tpu.dma_semaphore, #tpu.memory_space<semaphore_mem>>) src(%dma_wait3A_1065 : memref<640xf32, #tpu.memory_space<vmem_shared>>) dst(%dma_wait3A_1064 : memref<640xf32, #tpu.memory_space<hbm>>)
      tpu.yield
    }) : () -> ()
    return
  }
}

module attributes {stable_mosaic.version = 14 : i64} {
  func.func @_tc_body(%arg0: i32, %arg1: memref<2x1000x128xf32, #tpu.memory_space<vmem>>, %arg2: memref<2x1000x1xf32, #tpu.memory_space<vmem>>, %arg3: memref<128x128xf32, #tpu.memory_space<vmem>>, %arg4: memref<1000x128xf32, #tpu.memory_space<vmem>>) attributes {dimension_semantics = [#tpu.dimension_semantics<arbitrary>], iteration_bounds = array<i64: 10>, scalar_prefetch = 0 : i64, scratch_operands = 0 : i64, tpu.core_type = #tpu.core_type<tc>, window_params = [{transform_indices = @transform_0, window_bounds = array<i64: 2, 1000, 128>}, {transform_indices = @transform_1, window_bounds = array<i64: 2, 1000, 1>}, {pipeline_mode = #tpu.pipeline_mode<synchronous>, transform_indices = @transform_2, window_bounds = array<i64: 128, 128>}, {transform_indices = @transform_3, window_bounds = array<i64: 1000, 128>}]} {
    %get3A = arith.constant 0 : index
    %get3A_0 = arith.constant 0 : index
    %get3A_1 = arith.constant 0 : index
    %get3A_2 = vector.load %arg1[%get3A, %get3A_0, %get3A_1] : memref<2x1000x128xf32, #tpu.memory_space<vmem>>, vector<1x1000x128xf32>
    %get3A_3 = vector.shape_cast %get3A_2 : vector<1x1000x128xf32> to vector<1000x128xf32>
    %get3A_4 = arith.constant 1 : index
    %get3A_5 = arith.constant 0 : index
    %get3A_6 = arith.constant 0 : index
    %get3A_7 = vector.load %arg1[%get3A_4, %get3A_5, %get3A_6] : memref<2x1000x128xf32, #tpu.memory_space<vmem>>, vector<1x1000x128xf32>
    %get3A_8 = vector.shape_cast %get3A_7 : vector<1x1000x128xf32> to vector<1000x128xf32>
    %add3A = arith.addf %get3A_3, %get3A_8 : vector<1000x128xf32>
    %get3A_9 = arith.constant 0 : index
    %get3A_10 = arith.constant 0 : index
    %get3A_11 = arith.constant 0 : index
    %get3A_12 = vector.load %arg2[%get3A_9, %get3A_10, %get3A_11] : memref<2x1000x1xf32, #tpu.memory_space<vmem>>, vector<1x1000x1xf32>
    %get3A_13 = vector.shape_cast %get3A_12 : vector<1x1000x1xf32> to vector<1000x1xf32>
    %get3A_14 = arith.constant 1 : index
    %get3A_15 = arith.constant 0 : index
    %get3A_16 = arith.constant 0 : index
    %get3A_17 = vector.load %arg2[%get3A_14, %get3A_15, %get3A_16] : memref<2x1000x1xf32, #tpu.memory_space<vmem>>, vector<1x1000x1xf32>
    %get3A_18 = vector.shape_cast %get3A_17 : vector<1x1000x1xf32> to vector<1000x1xf32>
    %add3A_19 = arith.addf %get3A_13, %get3A_18 : vector<1000x1xf32>
    %eq3A = arith.constant 0.000000e+00 : f32
    %eq3A_20 = vector.broadcast %eq3A : f32 to vector<1000x1xf32>
    %eq3A_21 = arith.cmpf oeq, %add3A_19, %eq3A_20 : vector<1000x1xf32>
    %jit3A = arith.constant 1.000000e+00 : f32
    %jit3A_22 = arith.constant 0.000000e+00 : f32
    %broadcast_in_dim3A = vector.broadcast %jit3A : f32 to vector<1000x1xf32>
    %broadcast_in_dim3A_23 = vector.broadcast %jit3A_22 : f32 to vector<1000x1xf32>
    %select_n3A = arith.select %eq3A_21, %broadcast_in_dim3A, %broadcast_in_dim3A_23 : vector<1000x1xi1>, vector<1000x1xf32>
    %add3A_24 = arith.addf %add3A_19, %select_n3A : vector<1000x1xf32>
    %get3A_25 = arith.constant 0 : index
    %get3A_26 = arith.constant 0 : index
    %get3A_27 = vector.load %arg3[%get3A_25, %get3A_26] : memref<128x128xf32, #tpu.memory_space<vmem>>, vector<128x128xf32>
    %dot_general3A = arith.constant dense<0.000000e+00> : vector<1000x128xf32>
    %dot_general3A_28 = tpu.matmul %add3A, %get3A_27, %dot_general3A {dimension_numbers = #tpu.dot_dimension_numbers<[1], [0], [0], [1], [0, 0, 1, 1], [], []>, transpose_lhs_hint = false} : vector<1000x128xf32>, vector<128x128xf32>, vector<1000x128xf32> -> vector<1000x128xf32>
    %div3A = vector.broadcast %add3A_24 : vector<1000x1xf32> to vector<1000x128xf32>
    %div3A_29 = arith.divf %dot_general3A_28, %div3A : vector<1000x128xf32>
    %swap3A = arith.constant 0 : index
    %swap3A_30 = arith.constant 0 : index
    %swap3A_31 = vector.load %arg4[%swap3A, %swap3A_30] : memref<1000x128xf32, #tpu.memory_space<vmem>>, vector<1000x128xf32>
    tpu.vector_store %arg4[%swap3A, %swap3A_30], %div3A_29 {strides = array<i32>} : memref<1000x128xf32, #tpu.memory_space<vmem>>, vector<1000x128xf32>,
    return
  }
  func.func @transform_0(%arg0: i32) -> (i32, i32, i32) {
    %c0_i32 = arith.constant 0 : i32
    %c0_i32_0 = arith.constant 0 : i32
    %c0_i32_1 = arith.constant 0 : i32
    return %c0_i32, %arg0, %c0_i32_0 : i32, i32, i32
  }
  func.func @transform_1(%arg0: i32) -> (i32, i32, i32) {
    %c0_i32 = arith.constant 0 : i32
    %c0_i32_0 = arith.constant 0 : i32
    %c0_i32_1 = arith.constant 0 : i32
    return %c0_i32, %arg0, %c0_i32_0 : i32, i32, i32
  }
  func.func @transform_2(%arg0: i32) -> (i32, i32) {
    %c0_i32 = arith.constant 0 : i32
    %c0_i32_0 = arith.constant 0 : i32
    %c0_i32_1 = arith.constant 0 : i32
    return %c0_i32, %c0_i32_0 : i32, i32
  }
  func.func @transform_3(%arg0: i32) -> (i32, i32) {
    %c0_i32 = arith.constant 0 : i32
    %c0_i32_0 = arith.constant 0 : i32
    return %arg0, %c0_i32 : i32, i32
  }
}

</mosaic_0001>

<sc_bundles>
// kernel: kernel.4.cloned.1.call-start
scs
__scs_entry_jumppad:
0x0: {  	(pc) =	sbr.rel $0x88, $3  }
0x1: {  	(tag) =	ssettag $0x0;
	lr =	simm.s32 $0x1  }
0x2: {  	[smem:$0x3F9E] =	sst lr;
	_ =	strace $0xD0000000  }
0x3: {  	_ = 	snop  }
0x4: {  	_ = 	snop  }
0x5: {  	_ = 	snop  }
0x6: {  	_ = 	snop  }
0x7: {  	_ = 	snop  }
__scs_overlays_trampoline_lowered:
0x8: {  	[smem:$0x3FAD] =	sst s0  }
0x9: {  	[smem:$0x3FAE] =	sst s1  }
0xa: {  	[smem:$0x3FAF] =	sst s2  }
0xb: {  	[smem:$0x3FB0] =	sst s3  }
0xc: {  	[smem:$0x3FB1] =	sst s4  }
0xd: {  	[smem:$0x3FB2] =	sst s5  }
0xe: {  	[smem:$0x3FB3] =	sst s6  }
0xf: {  	[smem:$0x3FB4] =	sst s7  }
0x10: {  	[smem:$0x3FB5] =	sst s8  }
0x11: {  	[smem:$0x3FB6] =	sst s9;
	s0 =	simm.s32 @!p0 $0x0  }
0x12: {  	s1 =	sld [smem:$0x3F9C];
	s0 =	simm.s32 @p0 $0x1  }
0x13: {  	[smem:$0x3FB7] =	sst s0;
	s0 =	simm.s32 @!p1 $0x0  }
0x14: {  	s2 =	sld [smem:$0x3F9B];
	s0 =	simm.s32 @p1 $0x1  }
0x15: {  	[smem:$0x3FB8] =	sst s0;
	s0 =	simm.s32 @!p2 $0x0  }
0x16: {  	s3 =	sld [smem:$0x3FDB];
	s0 =	simm.s32 @p2 $0x1  }
0x17: {  	s4 =	simm.s32 $0x1BF5;
	[smem:$0x3FBA] =	sst s0  }
0x18: {  	s0 =	sld [smem:$0x3F9D];
	_ =	swait.ge [sflag:s4], $0x0  }
0x19: {  	s7 =	sld [smem:$0x3F9E]  }
0x1a: {  	s8 =	sadd.s32 $0xFFFFE003, lr  }
0x1b: {  	s9 =	sadd.s32 $0xFFFFFEF7, lr;
	s5 =	simm.s32 $0xFFFFFFFF;
	p2 =	slt.u32 s8, $0xFFFFF086  }
0x1c: {  	p1 =	slt.u32 s9, $0xF7A;
	s5 =	simm.s32 @!p2 $0x0  }
0x1d: {  	s5 =	simm.s32 @p1 $0x1;
	p0 =	seq.s32 s7, s2  }
0x1e: {  	s7 =	smul.u32 @!p0 $0xF7A, s2;
	p2 =	seq.s32 @!p0 s5, $0x0  }
0x1f: {  	s9 =	smul.u32 $0xF7A, s1;
	s8 =	simm.s32 @!p0 $0x1BF5;
	p2 =	por !p2, p0  }
0x20: {  	[sflag:s8] =	ssyncset.s32 @!p0 $0xFFFFF086;
	s6 =	sadd.s32 @!p0 s3, s7;
	s7 =	simm.s32 @!p0 $0x108  }
0x21: {  	s3 =	sadd.s32 s3, s9;
	s6 =	sadd.s32 @!p0 $0x88, s6;
	s7 =	simm.s32 @p2 $0x1082  }
0x22: {  	[simem:s7], [sflag:s8] =	dma.local @!p0 [hbm:s6], $0xF7A  }
0x23: {  	s9 =	sor.u32 $0xD0000000, s2;
	s6 =	simm.s32 $0x108;
	_ =	swait.ge @!p0 [sflag:s8], $0x0  }
0x24: {  	s3 =	sadd.s32 $0x88, s3;
	s6 =	simm.s32 @!p1 $0x1082;
	[sflag:s4] =	ssyncset.s32 $0xFFFFF086  }
0x25: {  	[simem:s6], [sflag:s4] =	dma.local [hbm:s3], $0xF7A  }
0x26: {  	[smem:$0x3F9E] =	sst s1;
	(tag) =	ssettag s2;
	_ =	strace s9  }
0x27: {  	s1 =	sld [smem:$0x3FAE]  }
0x28: {  	s2 =	sld [smem:$0x3FAF]  }
0x29: {  	s4 =	sld [smem:$0x3FB1]  }
0x2a: {  	p0 =	seq.s32 s5, $0x0;
	s5 =	sld [smem:$0x3FB2]  }
0x2b: {  	s6 =	sld [smem:$0x3FB3]  }
0x2c: {  	s7 =	sld [smem:$0x3FB4]  }
0x2d: {  	s3 =	simm.s32 $0x108;
	s8 =	sld [smem:$0x3FB5]  }
0x2e: {  	s3 =	simm.s32 @!p0 $0x1082;
	s9 =	sld [smem:$0x3FB6]  }
0x2f: {  	lr =	sadd.s32 s0, s3;
	s0 =	sld [smem:$0x3FAD]  }
0x30: {  	s3 =	sld [smem:$0x3FB0]  }
0x31: {  	[smem:$0x3FB9] =	sst s10  }
0x32: {  	s10 =	sld [smem:$0x3FB7];
	_ =	sdelay $0x3  }
0x33: {  	p0 =	seq.s32 s10, $0x1;
	s10 =	sld [smem:$0x3FB9];
	_ =	sdelay $0x3  }
0x34: {  	[smem:$0x3FB9] =	sst s10  }
0x35: {  	s10 =	sld [smem:$0x3FB8];
	_ =	sdelay $0x3  }
0x36: {  	p1 =	seq.s32 s10, $0x1;
	s10 =	sld [smem:$0x3FB9];
	_ =	sdelay $0x3  }
0x37: {  	[smem:$0x3FB9] =	sst s10  }
0x38: {  	s10 =	sld [smem:$0x3FBA]  }
0x39: {  	_ = 	snop;
	(pc) =	sbr.ind lr, $3  }
0x3a: {  	_ = 	snop  }
0x3b: {  	_ = 	snop  }
0x3c: {  	p2 =	seq.s32 s10, $0x1;
	s10 =	sld [smem:$0x3FB9]  }
0x3d: {  	_ =	shalt  }
0x3e: {  	_ =	shalt  }
0x3f: {  	_ =	shalt  }
0x40: {  	_ =	shalt  }
0x41: {  	_ =	shalt  }
0x42: {  	_ =	shalt  }
0x43: {  	_ =	shalt  }
0x44: {  	_ =	shalt  }
0x45: {  	_ =	shalt  }
0x46: {  	_ =	shalt  }
0x47: {  	_ =	shalt  }
0x48: {  	_ =	shalt  }
0x49: {  	_ =	shalt  }
0x4a: {  	_ =	shalt  }
0x4b: {  	_ =	shalt  }
0x4c: {  	_ =	shalt  }
0x4d: {  	_ =	shalt  }
0x4e: {  	_ =	shalt  }
0x4f: {  	_ =	shalt  }
0x50: {  	_ =	shalt  }
0x51: {  	_ =	shalt  }
0x52: {  	_ =	shalt  }
0x53: {  	_ =	shalt  }
0x54: {  	_ =	shalt  }
0x55: {  	_ =	shalt  }
0x56: {  	_ =	shalt  }
0x57: {  	_ =	shalt  }
0x58: {  	_ =	shalt  }
0x59: {  	_ =	shalt  }
0x5a: {  	_ =	shalt  }
0x5b: {  	_ =	shalt  }
0x5c: {  	_ =	shalt  }
0x5d: {  	_ =	shalt  }
0x5e: {  	_ =	shalt  }
0x5f: {  	_ =	shalt  }
0x60: {  	_ =	shalt  }
0x61: {  	_ =	shalt  }
0x62: {  	_ =	shalt  }
0x63: {  	_ =	shalt  }
0x64: {  	_ =	shalt  }
0x65: {  	_ =	shalt  }
0x66: {  	_ =	shalt  }
0x67: {  	_ =	shalt  }
0x68: {  	_ =	shalt  }
0x69: {  	_ =	shalt  }
0x6a: {  	_ =	shalt  }
0x6b: {  	_ =	shalt  }
0x6c: {  	_ =	shalt  }
0x6d: {  	_ =	shalt  }
0x6e: {  	_ =	shalt  }
0x6f: {  	_ =	shalt  }
0x70: {  	_ =	shalt  }
0x71: {  	_ =	shalt  }
0x72: {  	_ =	shalt  }
0x73: {  	_ =	shalt  }
0x74: {  	_ =	shalt  }
0x75: {  	_ =	shalt  }
0x76: {  	_ =	shalt  }
0x77: {  	_ =	shalt  }
0x78: {  	_ =	shalt  }
0x79: {  	_ =	shalt  }
0x7a: {  	_ =	shalt  }
0x7b: {  	_ =	shalt  }
0x7c: {  	_ =	shalt  }
0x7d: {  	_ =	shalt  }
0x7e: {  	_ =	shalt  }
0x7f: {  	_ =	shalt  }
0x80: {  	_ =	shalt  }
0x81: {  	_ =	shalt  }
0x82: {  	_ =	shalt  }
0x83: {  	_ =	shalt  }
0x84: {  	_ =	shalt  }
0x85: {  	_ =	shalt  }
0x86: {  	_ =	shalt  }
0x87: {  	_ =	shalt  }
.Lfunc_end0:
.L_simem_size_0:
called_computation_lowered:
.L_overlay_start_0:
0x88: {  	s2 =	sld [smem:$0x3FD9]  }
0x89: {  	s3 =	sld [smem:$0x3FFE];
	_ =	sdelay $0x1  }
0x8a: {  	s1 =	srdreg.scid  }
0x8b: {  	s0 =	sand.u32 $0x1, s1  }
0x8c: {  	s17 =	sshll.u32 s0, $0xA;
	s2 =	sadd.s32 s3, s2  }
0x8d: {  	s2 =	sadd.s32 s2, s17  }
0x8e: {  	[smem:$0x3FC5] =	sst s2  }
0x8f: {  	_ = 	snop  }
0x90: {  	s2 =	sld [smem:$0x3FC9]  }
0x91: {  	s18 =	sld [smem:$0x3FD0];
	(tm) =	ssettm $0x1  }
0x92: {  	s4 =	sld [smem:$0x3FFB];
	_ =	sdelay $0x3  }
0x93: {  	_ =	strace s4  }
0x94: {  	s4 =	sld [smem:$0x3FFC];
	_ =	sdelay $0x3  }
0x95: {  	_ =	strace s4  }
0x96: {  	s4 =	sld [smem:$0x3FFD];
	_ =	sdelay $0x3  }
0x97: {  	_ =	strace s4  }
0x98: {  	_ =	strace $0x8FFFFFFF  }
0x99: {  	s19 =	sld [smem:$0x3FDB];
	_ =	sdelay $0x1  }
0x9a: {  	s5 =	simm.s32 $_scs_section_size  }
0x9b: {  	s6 =	simm.s32 $_size__tile_overlayer_lowered;
	s7 =	simm.s32 $_tile_overlayer_lowered  }
0x9c: {  	s22 =	simm.s32 $0x1BFF;
	s21 =	sshll.u32 s7, $0x1;
	s4 =	sadd.s32 s5, s19  }
0x9d: {  	s8 =	simm.s32 $0x0;
	s20 =	sshll.u32 s6, $0x1;
	s6 =	sadd.s32 s21, s4  }
0x9e: {  	[timem:s8], [sflag:s22] =	dma.local [hbm:s6], s20  }
0x9f: {  	_ =	swait.ge [sflag:s22], s20  }
0xa0: {  	s5 =	ssub.s32 $0x0, s20;
	[sflag:s22] =	ssyncset.done $0x0  }
0xa1: {  	[sflag:s22] =	ssyncadd.s32 s5;
	_ =	sdelay $0x1  }
0xa2: {  	s23 =	simm.s32 $0x1B8B  }
0xa3: {  	_ =	swait.ge [sflag:s23], $0x1  }
0xa4: {  	[sflag:s23] =	ssyncset.done $0x0  }
0xa5: {  	s25 =	simm.s32 $0x1B8E;
	s24 =	sld [smem:$0x3FFE];
	[sflag:s23] =	ssyncadd.s32 $0xFFFFFFFF  }
0xa6: {  	s26 =	simm.s32 $execute0_lowered;
	[smem:$0x3FD2] =	sst s25  }
0xa7: {  	s6 =	sshll.u32 s26, $0x1;
	_ =	strace $0x80000046;
	[dreg:$0x1] =	wrdreg $0xFFFFFFFF  }
0xa8: {  	s28 =	simm.s32 $_size_execute0_lowered;
	s4 =	sadd.s32 s4, s6;
	[dreg:$0x0] =	wrdreg $0x0  }
0xa9: {  	s6 =	sshll.u32 s28, $0x1;
	[dreg:$0x2] =	wrdreg s4  }
0xaa: {  	[dreg:$0x3] =	wrdreg s6  }
0xab: {  	[dreg:$0x4] =	wrdreg $0xC0  }
0xac: {  	_ =	task [dreg:s8], $0x5FFFF  }
0xad: {  	[dreg:$0x1] =	wrdreg $0xFFFFFFFF  }
0xae: {  	[dreg:$0x0] =	wrdreg $0x60  }
0xaf: {  	[dreg:$0x2] =	wrdreg s2  }
0xb0: {  	[dreg:$0x3] =	wrdreg s18  }
0xb1: {  	[dreg:$0x4] =	wrdreg s24  }
0xb2: {  	[dreg:$0x5] =	wrdreg $0xBC000  }
0xb3: {  	[dreg:$0x6] =	wrdreg $0x1FC000  }
0xb4: {  	[dreg:$0x7] =	wrdreg $0x9  }
0xb5: {  	_ =	task.clear_ibuf [dreg:s8], $0x8FFFF;
	_ =	strace $0x90000046  }
0xb6: {  	s29 =	simm.s32 $0x9;
	_ =	strace $0x80000048  }
0xb7: {  	_ =	swait.ge [sflag:s29], $0x1  }
0xb8: {  	[sflag:s29] =	ssyncadd.s32 $0xFFFFFFFF  }
0xb9: {  	_ =	strace $0x90000048  }
0xba: {  	_ =	sfence  }
0xbb: {  	s30 =	sld [smem:$0x0];
	_ =	sdelay $0x2  }
0xbc: {  	s31 =	sshll.u32 s1, $0xD;
	s1 =	sshrl.u32 s1, $0x2  }
0xbd: {  	s3 =	sand.u32 $0x4000, s31;
	s1 =	sadd.s32 s1, s30  }
0xbe: {  	s0 =	sor.u32 s3, s0;
	s1 =	sshll.u32 s1, $0x11  }
0xbf: {  	s0 =	sor.u32 s1, s0  }
0xc0: {  	s0 =	sadd.s32 $0x8F2B, s0  }
0xc1: {  	[sflag:s0] =	ssyncadd.remote.s32 $0x1  }
0xc2: {  	_ =	sfence.sel $0xFFFF  }
0xc3: {  	[dreg:$0x0] =	wrdreg $0xFFFFFFFF;
	(pc) =	sbr.abs _section_cstart, $3  }
0xc4: {  	[dreg:$0x1] =	wrdreg $0xFFFFFFFF  }
0xc5: {  	_ =	task.clear_ibuf [dreg:s8], $0x2FFFF;
	_ =	strace $0x9FFFFFFF  }
0xc6: {  	(tm) =	ssettm $0x7FFFFFFF  }
0xc7: {  	_ =	shalt  }
tec
execute0_lowered:
.L_overlay_start_1:
0x0: {  	(tag) =	ssettag $0x1  }
0x1: {  	s0 =	rddreg [dreg:$0x0]  }
0x2: {  	s1 =	rddreg [dreg:$0x1]  }
0x3: {  	s3 =	rddreg [dreg:$0x2]  }
0x4: {  	s2 =	srdreg.scid;
	s13 =	stileid.u32  }
0x5: {  	s4 =	rddreg [dreg:$0x3];
	s7 =	smul.u32 $0x14000, s13  }
0x6: {  	s5 =	rddreg [dreg:$0x4];
	s6 =	simm.s32 $0x0;
	s8 =	smul.u32 $0x500, s13  }
0x7: {  	s28 =	simm.s32 $0x7E00;
	s29 =	simm.s32 $0x3;
	s23 =	smul.u32 $0x50000, s13  }
0x8: {  	s30 =	simm.s32 $0x400;
	s10 =	sand.u32 $0x1, s2;
	s17 =	smul.u32 $0x2710, s13  }
0x9: {  	s31 =	simm.s32 $0x480;
	[smem:$0x7FF] =	sst s6;
	s2 =	smul.u32 $0x140000, s10  }
0xa: {  	s22 =	sshll.u32 s10, $0x7;
	_ =	strace $0x80000047;
	s24 =	ssub.s32 $0x2, s10  }
0xb: {  	s9 =	sshll.u32 s10, $0x4;
	s10 =	smul.u32 $0x27100, s10;
	s11 =	sshrl.u32 s24, $0x1  }
0xc: {  	s9 =	sor.u32 s13, s9;
	s12 =	sshrl.u32 s23, $0x2;
	s2 =	sadd.s32 s7, s2  }
0xd: {  	s7 =	sor.u32 s22, s8;
	s8 =	ssub.s32 s24, s11;
	s15 =	sadd.s32 s12, s4  }
0xe: {  	s9 =	smul.u32 $0x2710, s9;
	s10 =	sadd.s32 s17, s10;
	s25 =	sadd.s32 $0x2800, s15  }
0xf: {  	s2 =	sshrl.u32 s2, $0x3;
	s26 =	sadd.s32 $0x5000, s15;
	[dreg:$0x11] =	wrdreg s25  }
0x10: {  	s7 =	sshrl.u32 s7, $0x3;
	s12 =	sadd.s32 $0x7800, s15;
	[dreg:$0x12] =	wrdreg s26  }
0x11: {  	s14 =	sadd.s32 $0xA000, s15;
	s16 =	sadd.s32 $0xC800, s15;
	[dreg:$0x13] =	wrdreg s12  }
0x12: {  	s18 =	sadd.s32 $0xF000, s15;
	s22 =	sadd.s32 $0x438, s10;
	[dreg:$0x14] =	wrdreg s14  }
0x13: {  	s17 =	sadd.s32 $0x4E5C0, s10;
	s2 =	sadd.s32 s2, s3;
	[dreg:$0x15] =	wrdreg s16  }
0x14: {  	s3 =	sadd.s32 s7, s3;
	s7 =	smul.u32 $0xA00, s13;
	[dreg:$0x16] =	wrdreg s18  }
0x15: {  	s19 =	sshrl.u32 s9, $0x3;
	s20 =	sadd.s32 $0x4E278, s9;
	s21 =	sadd.s32 $0x78, s9  }
0x16: {  	s24 =	sshrl.u32 s22, $0x3;
	s26 =	sadd.s32 $0x4E638, s10;
	s16 =	sadd.s32 $0x3C0, s10  }
0x17: {  	s23 =	sshrl.u32 s21, $0x3;
	s25 =	sadd.s32 s24, s1;
	s13 =	sshrl.u32 s26, $0x3  }
0x18: {  	s12 =	sshrl.u32 s16, $0x3;
	s21 =	sadd.s32 $0x348, s10;
	s24 =	sadd.s32 $0x4E4D0, s10  }
0x19: {  	s2 =	sadd.s32 $0x1600, s2;
	s11 =	sshrl.u32 s7, $0x2;
	s7 =	sadd.s32 s1, s19  }
0x1a: {  	[dreg:$0x6] =	wrdreg s25;
	s18 =	sadd.s32 s12, s1;
	s19 =	sshrl.u32 s17, $0x3  }
0x1b: {  	s22 =	sshrl.u32 s21, $0x3;
	s26 =	sshrl.u32 s24, $0x3;
	[dreg:$0x1e] =	wrdreg s2  }
0x1c: {  	s17 =	sadd.s32 $0x4E458, s10;
	s14 =	sadd.s32 s11, s5;
	[dreg:$0x8] =	wrdreg s18  }
0x1d: {  	s11 =	sshrl.u32 s20, $0x3;
	s20 =	sadd.s32 s19, s1;
	[dreg:$0x17] =	wrdreg s7  }
0x1e: {  	s18 =	sadd.s32 $0x1E0, s10;
	s11 =	sadd.s32 s1, s11;
	[dreg:$0x9] =	wrdreg s20  }
0x1f: {  	s20 =	sshrl.u32 s18, $0x3;
	s18 =	sadd.s32 $0x80, s14;
	[dreg:$0x18] =	wrdreg s11  }
0x20: {  	s11 =	sadd.s32 s1, s23;
	s23 =	sadd.s32 $0x4E548, s10;
	s21 =	sadd.s32 s20, s1  }
0x21: {  	[smem:$0x7F5] =	sst s18;
	s20 =	sadd.s32 $0x180, s14;
	s18 =	simm.s32 $0x4  }
0x22: {  	[dreg:$0x19] =	wrdreg s11;
	s11 =	sadd.s32 s13, s1;
	s12 =	sshrl.u32 s23, $0x3  }
0x23: {  	s13 =	sadd.s32 $0x258, s10;
	s23 =	sadd.s32 $0x4E368, s9;
	[dreg:$0xf] =	wrdreg s21  }
0x24: {  	[smem:$0x7F7] =	sst s20;
	s21 =	sadd.s32 $0x200, s14;
	s20 =	simm.s32 $0x100  }
0x25: {  	[dreg:$0x7] =	wrdreg s11;
	s11 =	sadd.s32 s22, s1;
	s25 =	sadd.s32 s12, s1  }
0x26: {  	s12 =	sadd.s32 s26, s1;
	s16 =	sshrl.u32 s13, $0x3;
	[smem:$0x7F8] =	sst s21  }
0x27: {  	s22 =	sadd.s32 $0x4E3E0, s10;
	s13 =	sshrl.u32 s23, $0x3;
	[dreg:$0xa] =	wrdreg s11  }
0x28: {  	s26 =	sadd.s32 $0x508E8, s9;
	s23 =	sadd.s32 $0x9C5E, s7;
	[dreg:$0xb] =	wrdreg s25  }
0x29: {  	s21 =	simm.s32 $0x300;
	[dreg:$0xc] =	wrdreg s12;
	s11 =	sadd.s32 s16, s1  }
0x2a: {  	s12 =	sshrl.u32 s17, $0x3;
	s24 =	sshrl.u32 s22, $0x3;
	[smem:$0x7FA] =	sst s23  }
0x2b: {  	s25 =	sadd.s32 $0x168, s9;
	s13 =	sadd.s32 s1, s13;
	[dreg:$0xd] =	wrdreg s11  }
0x2c: {  	s9 =	sadd.s32 $0x26E8, s9;
	s16 =	sadd.s32 $0x2D0, s10;
	[dreg:$0x1a] =	wrdreg s13  }
0x2d: {  	s17 =	sadd.s32 $0x11800, s15;
	s22 =	sadd.s32 $0x9C40, s7;
	[smem:$0x7F3] =	sst s16  }
0x2e: {  	s23 =	simm.s32 $0x2;
	s10 =	simm.s32 $0x0;
	[smem:$0x7F4] =	sst s17  }
0x2f: {  	s19 =	sadd.s32 s12, s1;
	s11 =	sadd.s32 s24, s1;
	[smem:$0x7F9] =	sst s22  }
0x30: {  	s12 =	sshrl.u32 s25, $0x3;
	s9 =	sshrl.u32 s9, $0x3;
	[dreg:$0xe] =	wrdreg s19  }
0x31: {  	s13 =	smax.u32 s8, $0x1;
	s24 =	sadd.s32 $0x1E, s7;
	[dreg:$0x10] =	wrdreg s11  }
0x32: {  	s25 =	sadd.s32 $0xA10E, s7;
	s16 =	simm.s32 $0x280;
	[smem:$0x7F2] =	sst s13  }
0x33: {  	s17 =	simm.s32 $0x1;
	s22 =	simm.s32 $0x4200;
	[smem:$0x7FB] =	sst s24  }
0x34: {  	s11 =	sshrl.u32 s26, $0x3;
	s12 =	sadd.s32 s1, s12;
	[smem:$0x7FC] =	sst s25  }
0x35: {  	s9 =	sadd.s32 s1, s9;
	s19 =	sadd.s32 $0x100, s14;
	[dreg:$0x1b] =	wrdreg s12  }
0x36: {  	s26 =	sadd.s32 $0x4CE, s7;
	s13 =	simm.s32 $0x80;
	[dreg:$0x1d] =	wrdreg s9  }
0x37: {  	s24 =	simm.s32 $0xBA00;
	s11 =	sadd.s32 s1, s11;
	[smem:$0x7F6] =	sst s19  }
0x38: {  	s12 =	sadd.s32 $0xC00, s3;
	[smem:$0x7FD] =	sst s26;
	s19 =	simm.s32 $0x78  }
0x39: {  	s26 =	simm.s32 $0x380;
	s9 =	simm.s32 $0x5;
	[dreg:$0x1c] =	wrdreg s11  }
0x3a: {  	v0 =	vimm.f32 $1.000000000e+00;
	v1 =	vimm.f32 $0.0e+00;
	[dreg:$0x1f] =	wrdreg s12;
	s11 =	simm.s32 $0x600;
	s12 =	simm.s32 $0x200  }
.LBB2_1:
0x3b: {  	[tilespmem:$0xBA00] =	vst v0  }
0x3c: {  	[tilespmem:$0xBA10] =	vst v0  }
0x3d: {  	[tilespmem:$0xBA20] =	vst v0  }
0x3e: {  	[tilespmem:$0xBA30] =	vst v0  }
0x3f: {  	[tilespmem:$0xBA40] =	vst v0  }
0x40: {  	[tilespmem:$0xBA50] =	vst v0  }
0x41: {  	[tilespmem:$0xBA60] =	vst v0  }
0x42: {  	[tilespmem:$0xBA70] =	vst v0;
	s2 =	simm.s32 $0x0;
	s3 =	simm.s32 $0x200  }
.LBB2_2:
0x43: {  	p0 =	sne.s32 s3, $0x9E00;
	[tilespmem:s2+$0x670] =	vst v1  }
0x44: {  	[tilespmem:s2+$0x600] =	vst v1  }
0x45: {  	[tilespmem:s2+$0x610] =	vst v1  }
.Ltmp0:
0x46: {  	[tilespmem:s2+$0x620] =	vst v1;
	(pc) =	sbr.rel @p0 .LBB2_2-.Ltmp0, $4  }
0x47: {  	[tilespmem:s2+$0x630] =	vst v1  }
0x48: {  	[tilespmem:s2+$0x640] =	vst v1  }
0x49: {  	[tilespmem:s2+$0x650] =	vst v1  }
0x4a: {  	[tilespmem:s2+$0x660] =	vst v1;
	s2 =	sshra.s32 s3, $0x2;
	s3 =	sadd.s32 $0x200, s3  }
0x4b: {  	[tilespmem:s2+$0x670] =	vst v1  }
0x4c: {  	[tilespmem:s2+$0x600] =	vst v1  }
0x4d: {  	[tilespmem:s2+$0x610] =	vst v1  }
0x4e: {  	[tilespmem:s2+$0x620] =	vst v1  }
0x4f: {  	[tilespmem:s2+$0x630] =	vst v1  }
0x50: {  	[tilespmem:s2+$0x640] =	vst v1  }
0x51: {  	[tilespmem:s2+$0x650] =	vst v1  }
0x52: {  	[tilespmem:s2+$0x660] =	vst v1;
	s3 =	rddreg [dreg:$0x12]  }
0x53: {  	[spmem:s15] =	stream.linear.scatter [tilespmem:s11], [sflag:$0x4], $0x2800, $0x38;
	[tilespmem:$0x1FE80] =	vst v63  }
0x54: {  	s25 =	smov.u32 s15;
	s15 =	rddreg [dreg:$0x11]  }
0x55: {  	[spmem:s15] =	stream.linear.scatter [tilespmem:s11], [sflag:$0x4], $0x2800, $0x38;
	[tilespmem:$0x1FE80] =	vst v63  }
0x56: {  	s7 =	rddreg [dreg:$0x13]  }
0x57: {  	[spmem:s3] =	stream.linear.scatter [tilespmem:s11], [sflag:$0x4], $0x2800, $0x38;
	[tilespmem:$0x1FE80] =	vst v63  }
0x58: {  	s8 =	rddreg [dreg:$0x14]  }
0x59: {  	[spmem:s7] =	stream.linear.scatter [tilespmem:s11], [sflag:$0x4], $0x2800, $0x38;
	[tilespmem:$0x1FE80] =	vst v63  }
0x5a: {  	s15 =	rddreg [dreg:$0x15]  }
0x5b: {  	[spmem:s8] =	stream.linear.scatter [tilespmem:s11], [sflag:$0x4], $0x2800, $0x38;
	[tilespmem:$0x1FE80] =	vst v63  }
0x5c: {  	s3 =	rddreg [dreg:$0x16]  }
0x5d: {  	[spmem:s15] =	stream.linear.scatter [tilespmem:s11], [sflag:$0x4], $0x2800, $0x38;
	[tilespmem:$0x1FE80] =	vst v63  }
0x5e: {  	s7 =	sld [smem:$0x7F4]  }
0x5f: {  	[spmem:s3] =	stream.linear.scatter [tilespmem:s11], [sflag:$0x4], $0x2800, $0x38;
	[tilespmem:$0x1FE80] =	vst v63  }
0x60: {  	_ = 	snop  }
0x61: {  	[spmem:s7] =	stream.linear.scatter [tilespmem:s11], [sflag:$0x4], $0x2800, $0x38;
	[tilespmem:$0x1FE80] =	vst v63  }
0x62: {  	s8 =	sld [smem:$0x7F5]  }
0x63: {  	[spmem:s14] =	stream.linear.scatter [tilespmem:s11], [sflag:$0x4], $0x80, $0x38;
	[tilespmem:$0x1FE80] =	vst v63  }
0x64: {  	s7 =	smov.u32 s14;
	s14 =	sld [smem:$0x7F6]  }
0x65: {  	[spmem:s8] =	stream.linear.scatter [tilespmem:s11], [sflag:$0x4], $0x80, $0x38;
	[tilespmem:$0x1FE80] =	vst v63  }
0x66: {  	s15 =	sld [smem:$0x7F7]  }
0x67: {  	[spmem:s14] =	stream.linear.scatter [tilespmem:s11], [sflag:$0x4], $0x80, $0x38;
	[tilespmem:$0x1FE80] =	vst v63  }
0x68: {  	s3 =	sld [smem:$0x7F8]  }
0x69: {  	[spmem:s15] =	stream.linear.scatter [tilespmem:s11], [sflag:$0x4], $0x80, $0x38;
	[tilespmem:$0x1FE80] =	vst v63  }
0x6a: {  	_ = 	snop  }
0x6b: {  	[spmem:s3] =	stream.linear.scatter [tilespmem:s11], [sflag:$0x4], $0x80, $0x38;
	[tilespmem:$0x1FE80] =	vst v63  }
0x6c: {  	s3 =	sld [smem:$0x7F9];
	_ =	sdelay $0x1  }
0x6d: {  	s2 =	simm.s32 $0x0  }
0x6e: {  	[tilespmem:s2], [sflag:$0x1] =	stream.linear.gather [hbm4b:s3+s2], $0x78, $0x38;
	[tilespmem:$0x1FE80] =	vst v63  }
0x6f: {  	s8 =	rddreg [dreg:$0x17]  }
0x70: {  	[tilespmem:s12], [sflag:$0x1] =	stream.linear.gather [hbm4b:s8+s2], $0x78, $0x38;
	[tilespmem:$0x1FE80] =	vst v63  }
0x71: {  	s14 =	rddreg [dreg:$0x18]  }
0x72: {  	[tilespmem:s13], [sflag:$0x1] =	stream.linear.gather [hbm4b:s14+s2], $0x78, $0x38;
	[tilespmem:$0x1FE80] =	vst v63  }
0x73: {  	s15 =	rddreg [dreg:$0x19]  }
0x74: {  	[tilespmem:s16], [sflag:$0x1] =	stream.linear.gather [hbm4b:s15+s2], $0x78, $0x38;
	[tilespmem:$0x1FE80] =	vst v63  }
0x75: {  	_ =	swait.ge [sflag:s17], $0x78  }
0x76: {  	[sflag:s17] =	ssyncset.done $0x0  }
0x77: {  	[sflag:s17] =	ssyncadd.s32 $0xFFFFFF88  }
0x78: {  	_ =	swait.ge [sflag:s17], $0x78  }
0x79: {  	[sflag:s17] =	ssyncset.done $0x0  }
0x7a: {  	[sflag:s17] =	ssyncadd.s32 $0xFFFFFF88  }
0x7b: {  	_ =	swait.ge [sflag:s18], $0x2800  }
0x7c: {  	[sflag:s18] =	ssyncset.done $0x0  }
0x7d: {  	[sflag:s18] =	ssyncadd.s32 $0xFFFFD800  }
0x7e: {  	_ =	swait.ge [sflag:s18], $0x2800  }
0x7f: {  	[sflag:s18] =	ssyncset.done $0x0  }
0x80: {  	[sflag:s18] =	ssyncadd.s32 $0xFFFFD800  }
0x81: {  	_ =	swait.ge [sflag:s18], $0x2800  }
0x82: {  	[sflag:s18] =	ssyncset.done $0x0  }
0x83: {  	[sflag:s18] =	ssyncadd.s32 $0xFFFFD800  }
0x84: {  	_ =	swait.ge [sflag:s18], $0x2800  }
0x85: {  	[sflag:s18] =	ssyncset.done $0x0  }
0x86: {  	[sflag:s18] =	ssyncadd.s32 $0xFFFFD800  }
0x87: {  	_ =	swait.ge [sflag:s18], $0x2800  }
0x88: {  	[sflag:s18] =	ssyncset.done $0x0  }
0x89: {  	[sflag:s18] =	ssyncadd.s32 $0xFFFFD800  }
0x8a: {  	_ =	swait.ge [sflag:s18], $0x2800  }
0x8b: {  	[sflag:s18] =	ssyncset.done $0x0  }
0x8c: {  	[sflag:s18] =	ssyncadd.s32 $0xFFFFD800  }
0x8d: {  	_ =	swait.ge [sflag:s18], $0x2800  }
0x8e: {  	[sflag:s18] =	ssyncset.done $0x0  }
0x8f: {  	[sflag:s18] =	ssyncadd.s32 $0xFFFFD800  }
0x90: {  	_ =	swait.ge [sflag:s18], $0x2800  }
0x91: {  	[sflag:s18] =	ssyncset.done $0x0  }
0x92: {  	[sflag:s18] =	ssyncadd.s32 $0xFFFFD800  }
0x93: {  	_ =	swait.ge [sflag:s18], $0x80  }
0x94: {  	[sflag:s18] =	ssyncset.done $0x0  }
0x95: {  	[sflag:s18] =	ssyncadd.s32 $0xFFFFFF80  }
0x96: {  	_ =	swait.ge [sflag:s18], $0x80  }
0x97: {  	[sflag:s18] =	ssyncset.done $0x0  }
0x98: {  	[sflag:s18] =	ssyncadd.s32 $0xFFFFFF80  }
0x99: {  	_ =	swait.ge [sflag:s18], $0x80  }
0x9a: {  	[sflag:s18] =	ssyncset.done $0x0  }
0x9b: {  	[sflag:s18] =	ssyncadd.s32 $0xFFFFFF80  }
0x9c: {  	_ =	swait.ge [sflag:s18], $0x80  }
0x9d: {  	[sflag:s18] =	ssyncset.done $0x0  }
0x9e: {  	[sflag:s18] =	ssyncadd.s32 $0xFFFFFF80  }
0x9f: {  	_ =	swait.ge [sflag:s18], $0x80  }
0xa0: {  	[sflag:s18] =	ssyncset.done $0x0  }
0xa1: {  	[sflag:s18] =	ssyncadd.s32 $0xFFFFFF80  }
0xa2: {  	[bflag:$0x0] =	sbarrier.arrive $0xFFFF  }
0xa3: {  	s8 =	sld [smem:$0x7FA]  }
0xa4: {  	[tilespmem:s11], [sflag:$0x2] =	stream.indirect.gather [hbm4b:s0+s19], $0x80, s2, s19, $0xb8;
	[tilespmem:$0x1FE80] =	vst v63  }
0xa5: {  	s14 =	sld [smem:$0x7FB]  }
0xa6: {  	[tilespmem:s20], [sflag:$0x1] =	stream.linear.gather [hbm4b:s8+s2], $0x78, $0x38;
	[tilespmem:$0x1FE80] =	vst v63  }
0xa7: {  	_ = 	snop  }
0xa8: {  	[tilespmem:s21], [sflag:$0x1] =	stream.linear.gather [hbm4b:s14+s2], $0x78, $0x38;
	[tilespmem:$0x1FE80] =	vst v63  }
0xa9: {  	_ =	swait.ge [sflag:s17], $0x78  }
0xaa: {  	[sflag:s17] =	ssyncset.done $0x0  }
0xab: {  	[sflag:s17] =	ssyncadd.s32 $0xFFFFFF88  }
0xac: {  	_ =	swait.ge [sflag:s17], $0x78  }
0xad: {  	[sflag:s17] =	ssyncset.done $0x0  }
0xae: {  	[sflag:s17] =	ssyncadd.s32 $0xFFFFFF88  }
0xaf: {  	[tilespmem:s22], [sflag:$0x2] =	stream.indirect.gather [hbm4b:s0+s19], $0x80, s13, s19, $0xb8;
	[tilespmem:$0x1FE80] =	vst v63  }
0xb0: {  	_ =	swait.ge [sflag:s23], $0x3C00  }
0xb1: {  	[sflag:s23] =	ssyncset.done $0x0  }
0xb2: {  	[sflag:s23] =	ssyncadd.s32 $0xFFFFC400  }
0xb3: {  	[spmem:s4] =	stream.indirect.scatter.add.f32 [tilespmem:s11], [sflag:$0x3], $0x80, s12, s19, $0xb8;
	[tilespmem:$0x1FE80] =	vst v63  }
0xb4: {  	_ = 	snop  }
0xb5: {  	[spmem:s5] =	stream.indirect.scatter.add.f32 [tilespmem:s24], [sflag:$0x3], $0x1, s12, s19, $0xb8;
	[tilespmem:$0x1FE80] =	vst v63  }
0xb6: {  	s15 =	rddreg [dreg:$0x1a]  }
0xb7: {  	[tilespmem:s2], [sflag:$0x1] =	stream.linear.gather [hbm4b:s15+s2], $0x78, $0x38;
	[tilespmem:$0x1FE80] =	vst v63  }
0xb8: {  	s8 =	rddreg [dreg:$0x1b]  }
0xb9: {  	[tilespmem:s26], [sflag:$0x1] =	stream.linear.gather [hbm4b:s8+s2], $0x78, $0x38;
	[tilespmem:$0x1FE80] =	vst v63  }
0xba: {  	_ =	swait.ge [sflag:s17], $0x78  }
0xbb: {  	[sflag:s17] =	ssyncset.done $0x0  }
0xbc: {  	[sflag:s17] =	ssyncadd.s32 $0xFFFFFF88  }
0xbd: {  	_ =	swait.ge [sflag:s17], $0x78  }
0xbe: {  	[sflag:s17] =	ssyncset.done $0x0  }
0xbf: {  	[sflag:s17] =	ssyncadd.s32 $0xFFFFFF88  }
0xc0: {  	[tilespmem:s28], [sflag:$0x2] =	stream.indirect.gather [hbm4b:s0+s19], $0x80, s20, s19, $0xb8;
	[tilespmem:$0x1FE80] =	vst v63  }
0xc1: {  	_ =	swait.ge [sflag:s23], $0x3C00  }
0xc2: {  	[sflag:s23] =	ssyncset.done $0x0  }
0xc3: {  	[sflag:s23] =	ssyncadd.s32 $0xFFFFC400  }
0xc4: {  	[spmem:s4] =	stream.indirect.scatter.add.f32 [tilespmem:s22], [sflag:$0x3], $0x80, s16, s19, $0xb8;
	[tilespmem:$0x1FE80] =	vst v63  }
0xc5: {  	_ = 	snop  }
0xc6: {  	[spmem:s5] =	stream.indirect.scatter.add.f32 [tilespmem:s24], [sflag:$0x3], $0x1, s16, s19, $0xb8;
	[tilespmem:$0x1FE80] =	vst v63  }
0xc7: {  	_ =	swait.ge [sflag:s29], $0x3C00  }
0xc8: {  	[sflag:s29] =	ssyncset.done $0x0  }
0xc9: {  	[sflag:s29] =	ssyncadd.s32 $0xFFFFC400  }
0xca: {  	_ =	swait.ge [sflag:s29], $0x78  }
0xcb: {  	s14 =	rddreg [dreg:$0x10];
	[sflag:s29] =	ssyncset.done $0x0  }
0xcc: {  	s15 =	rddreg [dreg:$0xf];
	[sflag:s29] =	ssyncadd.s32 $0xFFFFFF88;
	s2 =	sadd.s32 $0x0, s14  }
0xcd: {  	[tilespmem:s13], [sflag:$0x1] =	stream.linear.gather [hbm4b:s2+s6], $0x78, $0x38;
	[tilespmem:$0x1FE80] =	vst v63  }
0xce: {  	s8 =	sadd.s32 $0x0, s15  }
0xcf: {  	[tilespmem:s30], [sflag:$0x1] =	stream.linear.gather [hbm4b:s8+s6], $0x78, $0x38;
	[tilespmem:$0x1FE80] =	vst v63  }
0xd0: {  	_ =	swait.ge [sflag:s17], $0x78  }
0xd1: {  	[sflag:s17] =	ssyncset.done $0x0  }
0xd2: {  	[sflag:s17] =	ssyncadd.s32 $0xFFFFFF88  }
0xd3: {  	_ =	swait.ge [sflag:s17], $0x78  }
0xd4: {  	[sflag:s17] =	ssyncset.done $0x0  }
0xd5: {  	[sflag:s17] =	ssyncadd.s32 $0xFFFFFF88  }
0xd6: {  	[tilespmem:s11], [sflag:$0x2] =	stream.indirect.gather [hbm4b:s0+s19], $0x80, s6, s19, $0xb8;
	[tilespmem:$0x1FE80] =	vst v63  }
0xd7: {  	_ =	swait.ge [sflag:s23], $0x3C00  }
0xd8: {  	[sflag:s23] =	ssyncset.done $0x0  }
0xd9: {  	[sflag:s23] =	ssyncadd.s32 $0xFFFFC400  }
0xda: {  	[spmem:s4] =	stream.indirect.scatter.add.f32 [tilespmem:s28], [sflag:$0x3], $0x80, s21, s19, $0xb8;
	[tilespmem:$0x1FE80] =	vst v63  }
0xdb: {  	_ = 	snop  }
0xdc: {  	[spmem:s5] =	stream.indirect.scatter.add.f32 [tilespmem:s24], [sflag:$0x3], $0x1, s21, s19, $0xb8;
	[tilespmem:$0x1FE80] =	vst v63  }
0xdd: {  	_ =	swait.ge [sflag:s29], $0x3C00  }
0xde: {  	[sflag:s29] =	ssyncset.done $0x0  }
0xdf: {  	[sflag:s29] =	ssyncadd.s32 $0xFFFFC400  }
0xe0: {  	_ =	swait.ge [sflag:s29], $0x78  }
0xe1: {  	s14 =	rddreg [dreg:$0xe];
	[sflag:s29] =	ssyncset.done $0x0  }
0xe2: {  	s15 =	rddreg [dreg:$0xd];
	[sflag:s29] =	ssyncadd.s32 $0xFFFFFF88;
	s2 =	sadd.s32 $0x0, s14  }
0xe3: {  	[tilespmem:s20], [sflag:$0x1] =	stream.linear.gather [hbm4b:s2+s6], $0x78, $0x38;
	[tilespmem:$0x1FE80] =	vst v63  }
0xe4: {  	s3 =	sadd.s32 $0x0, s15  }
0xe5: {  	[tilespmem:s31], [sflag:$0x1] =	stream.linear.gather [hbm4b:s3+s6], $0x78, $0x38;
	[tilespmem:$0x1FE80] =	vst v63  }
0xe6: {  	_ =	swait.ge [sflag:s17], $0x78  }
0xe7: {  	[sflag:s17] =	ssyncset.done $0x0  }
0xe8: {  	[sflag:s17] =	ssyncadd.s32 $0xFFFFFF88  }
0xe9: {  	_ =	swait.ge [sflag:s17], $0x78  }
0xea: {  	[sflag:s17] =	ssyncset.done $0x0  }
0xeb: {  	[sflag:s17] =	ssyncadd.s32 $0xFFFFFF88  }
0xec: {  	[tilespmem:s22], [sflag:$0x2] =	stream.indirect.gather [hbm4b:s0+s19], $0x80, s13, s19, $0xb8;
	[tilespmem:$0x1FE80] =	vst v63  }
0xed: {  	_ =	swait.ge [sflag:s23], $0x3C00  }
0xee: {  	[sflag:s23] =	ssyncset.done $0x0  }
0xef: {  	[sflag:s23] =	ssyncadd.s32 $0xFFFFC400  }
0xf0: {  	[spmem:s4] =	stream.indirect.scatter.add.f32 [tilespmem:s11], [sflag:$0x3], $0x80, s26, s19, $0xb8;
	[tilespmem:$0x1FE80] =	vst v63  }
0xf1: {  	_ = 	snop  }
0xf2: {  	[spmem:s5] =	stream.indirect.scatter.add.f32 [tilespmem:s24], [sflag:$0x3], $0x1, s26, s19, $0xb8;
	[tilespmem:$0x1FE80] =	vst v63  }
0xf3: {  	_ =	swait.ge [sflag:s29], $0x3C00  }
0xf4: {  	[sflag:s29] =	ssyncset.done $0x0  }
0xf5: {  	[sflag:s29] =	ssyncadd.s32 $0xFFFFC400  }
0xf6: {  	_ =	swait.ge [sflag:s29], $0x78  }
0xf7: {  	s8 =	rddreg [dreg:$0xc]  }
0xf8: {  	[sflag:s29] =	ssyncset.done $0x0;
	s2 =	sadd.s32 $0x0, s8;
	s8 =	sld [smem:$0x7F3]  }
0xf9: {  	[sflag:s29] =	ssyncadd.s32 $0xFFFFFF88  }
0xfa: {  	[tilespmem:s6], [sflag:$0x1] =	stream.linear.gather [hbm4b:s2+s6], $0x78, $0x38;
	[tilespmem:$0x1FE80] =	vst v63  }
0xfb: {  	s14 =	sshrl.u32 s8, $0x3  }
0xfc: {  	s15 =	sadd.s32 s1, s14  }
0xfd: {  	[tilespmem:s12], [sflag:$0x1] =	stream.linear.gather [hbm4b:s15+s6], $0x78, $0x38;
	[tilespmem:$0x1FE80] =	vst v63  }
0xfe: {  	_ =	swait.ge [sflag:s17], $0x78  }
0xff: {  	[sflag:s17] =	ssyncset.done $0x0  }
0x100: {  	[sflag:s17] =	ssyncadd.s32 $0xFFFFFF88  }
0x101: {  	_ =	swait.ge [sflag:s17], $0x78  }
0x102: {  	[sflag:s17] =	ssyncset.done $0x0  }
0x103: {  	[sflag:s17] =	ssyncadd.s32 $0xFFFFFF88  }
0x104: {  	[tilespmem:s28], [sflag:$0x2] =	stream.indirect.gather [hbm4b:s0+s19], $0x80, s20, s19, $0xb8;
	[tilespmem:$0x1FE80] =	vst v63  }
0x105: {  	_ =	swait.ge [sflag:s23], $0x3C00  }
0x106: {  	[sflag:s23] =	ssyncset.done $0x0  }
0x107: {  	[sflag:s23] =	ssyncadd.s32 $0xFFFFC400  }
0x108: {  	[spmem:s4] =	stream.indirect.scatter.add.f32 [tilespmem:s22], [sflag:$0x3], $0x80, s30, s19, $0xb8;
	[tilespmem:$0x1FE80] =	vst v63  }
0x109: {  	_ = 	snop  }
0x10a: {  	[spmem:s5] =	stream.indirect.scatter.add.f32 [tilespmem:s24], [sflag:$0x3], $0x1, s30, s19, $0xb8;
	[tilespmem:$0x1FE80] =	vst v63  }
0x10b: {  	_ =	swait.ge [sflag:s29], $0x3C00  }
0x10c: {  	[sflag:s29] =	ssyncset.done $0x0  }
0x10d: {  	[sflag:s29] =	ssyncadd.s32 $0xFFFFC400  }
0x10e: {  	_ =	swait.ge [sflag:s29], $0x78  }
0x10f: {  	s3 =	rddreg [dreg:$0xb];
	[sflag:s29] =	ssyncset.done $0x0  }
0x110: {  	s14 =	rddreg [dreg:$0xa];
	[sflag:s29] =	ssyncadd.s32 $0xFFFFFF88;
	s2 =	sadd.s32 $0x0, s3  }
0x111: {  	[tilespmem:s13], [sflag:$0x1] =	stream.linear.gather [hbm4b:s2+s6], $0x78, $0x38;
	[tilespmem:$0x1FE80] =	vst v63  }
0x112: {  	s15 =	sadd.s32 $0x0, s14  }
0x113: {  	[tilespmem:s16], [sflag:$0x1] =	stream.linear.gather [hbm4b:s15+s6], $0x78, $0x38;
	[tilespmem:$0x1FE80] =	vst v63  }
0x114: {  	_ =	swait.ge [sflag:s17], $0x78  }
0x115: {  	[sflag:s17] =	ssyncset.done $0x0  }
0x116: {  	[sflag:s17] =	ssyncadd.s32 $0xFFFFFF88  }
0x117: {  	_ =	swait.ge [sflag:s17], $0x78  }
0x118: {  	[sflag:s17] =	ssyncset.done $0x0  }
0x119: {  	[sflag:s17] =	ssyncadd.s32 $0xFFFFFF88  }
0x11a: {  	[tilespmem:s11], [sflag:$0x2] =	stream.indirect.gather [hbm4b:s0+s19], $0x80, s6, s19, $0xb8;
	[tilespmem:$0x1FE80] =	vst v63  }
0x11b: {  	_ =	swait.ge [sflag:s23], $0x3C00  }
0x11c: {  	[sflag:s23] =	ssyncset.done $0x0  }
0x11d: {  	[sflag:s23] =	ssyncadd.s32 $0xFFFFC400  }
0x11e: {  	[spmem:s4] =	stream.indirect.scatter.add.f32 [tilespmem:s28], [sflag:$0x3], $0x80, s31, s19, $0xb8;
	[tilespmem:$0x1FE80] =	vst v63  }
0x11f: {  	_ = 	snop  }
0x120: {  	[spmem:s5] =	stream.indirect.scatter.add.f32 [tilespmem:s24], [sflag:$0x3], $0x1, s31, s19, $0xb8;
	[tilespmem:$0x1FE80] =	vst v63  }
0x121: {  	_ =	swait.ge [sflag:s29], $0x3C00  }
0x122: {  	[sflag:s29] =	ssyncset.done $0x0  }
0x123: {  	[sflag:s29] =	ssyncadd.s32 $0xFFFFC400  }
0x124: {  	_ =	swait.ge [sflag:s29], $0x78  }
0x125: {  	s3 =	rddreg [dreg:$0x9];
	[sflag:s29] =	ssyncset.done $0x0  }
0x126: {  	s14 =	rddreg [dreg:$0x8];
	[sflag:s29] =	ssyncadd.s32 $0xFFFFFF88;
	s2 =	sadd.s32 $0x0, s3  }
0x127: {  	[tilespmem:s20], [sflag:$0x1] =	stream.linear.gather [hbm4b:s2+s6], $0x78, $0x38;
	[tilespmem:$0x1FE80] =	vst v63  }
0x128: {  	s15 =	sadd.s32 $0x0, s14  }
0x129: {  	[tilespmem:s21], [sflag:$0x1] =	stream.linear.gather [hbm4b:s15+s6], $0x78, $0x38;
	[tilespmem:$0x1FE80] =	vst v63  }
0x12a: {  	_ =	swait.ge [sflag:s17], $0x78  }
0x12b: {  	[sflag:s17] =	ssyncset.done $0x0  }
0x12c: {  	[sflag:s17] =	ssyncadd.s32 $0xFFFFFF88  }
0x12d: {  	_ =	swait.ge [sflag:s17], $0x78  }
0x12e: {  	[sflag:s17] =	ssyncset.done $0x0  }
0x12f: {  	[sflag:s17] =	ssyncadd.s32 $0xFFFFFF88  }
0x130: {  	[tilespmem:s22], [sflag:$0x2] =	stream.indirect.gather [hbm4b:s0+s19], $0x80, s13, s19, $0xb8;
	[tilespmem:$0x1FE80] =	vst v63  }
0x131: {  	_ =	swait.ge [sflag:s23], $0x3C00  }
0x132: {  	[sflag:s23] =	ssyncset.done $0x0  }
0x133: {  	[sflag:s23] =	ssyncadd.s32 $0xFFFFC400  }
0x134: {  	[spmem:s4] =	stream.indirect.scatter.add.f32 [tilespmem:s11], [sflag:$0x3], $0x80, s12, s19, $0xb8;
	[tilespmem:$0x1FE80] =	vst v63  }
0x135: {  	_ = 	snop  }
0x136: {  	[spmem:s5] =	stream.indirect.scatter.add.f32 [tilespmem:s24], [sflag:$0x3], $0x1, s12, s19, $0xb8;
	[tilespmem:$0x1FE80] =	vst v63  }
0x137: {  	_ =	swait.ge [sflag:s29], $0x3C00  }
0x138: {  	[sflag:s29] =	ssyncset.done $0x0  }
0x139: {  	[sflag:s29] =	ssyncadd.s32 $0xFFFFC400  }
0x13a: {  	_ =	swait.ge [sflag:s29], $0x78  }
0x13b: {  	s3 =	rddreg [dreg:$0x7];
	[sflag:s29] =	ssyncset.done $0x0  }
0x13c: {  	s14 =	rddreg [dreg:$0x6];
	[sflag:s29] =	ssyncadd.s32 $0xFFFFFF88;
	s2 =	sadd.s32 $0x0, s3  }
0x13d: {  	[tilespmem:s6], [sflag:$0x1] =	stream.linear.gather [hbm4b:s2+s6], $0x78, $0x38;
	[tilespmem:$0x1FE80] =	vst v63  }
0x13e: {  	s15 =	sadd.s32 $0x0, s14  }
0x13f: {  	[tilespmem:s26], [sflag:$0x1] =	stream.linear.gather [hbm4b:s15+s6], $0x78, $0x38;
	[tilespmem:$0x1FE80] =	vst v63  }
0x140: {  	_ =	swait.ge [sflag:s17], $0x78  }
0x141: {  	[sflag:s17] =	ssyncset.done $0x0  }
0x142: {  	[sflag:s17] =	ssyncadd.s32 $0xFFFFFF88  }
0x143: {  	_ =	swait.ge [sflag:s17], $0x78  }
0x144: {  	[sflag:s17] =	ssyncset.done $0x0  }
0x145: {  	[sflag:s17] =	ssyncadd.s32 $0xFFFFFF88  }
0x146: {  	[tilespmem:s28], [sflag:$0x2] =	stream.indirect.gather [hbm4b:s0+s19], $0x80, s20, s19, $0xb8;
	[tilespmem:$0x1FE80] =	vst v63  }
0x147: {  	_ =	swait.ge [sflag:s23], $0x3C00  }
0x148: {  	[sflag:s23] =	ssyncset.done $0x0  }
0x149: {  	s3 =	simm.s32 $0x5A;
	s15 =	sadd.s32 $0x2D0, s8;
	[sflag:s23] =	ssyncadd.s32 $0xFFFFC400  }
0x14a: {  	[spmem:s4] =	stream.indirect.scatter.add.f32 [tilespmem:s22], [sflag:$0x3], $0x80, s16, s19, $0xb8;
	[tilespmem:$0x1FE80] =	vst v63  }
.LBB2_4:
0x14b: {  	[spmem:s5] =	stream.indirect.scatter.add.f32 [tilespmem:s24], [sflag:$0x3], $0x1, s16, s19, $0xb8;
	[tilespmem:$0x1FE80] =	vst v63  }
0x14c: {  	_ =	swait.ge [sflag:s29], $0x3C00  }
0x14d: {  	[sflag:s29] =	ssyncset.done $0x0  }
0x14e: {  	[sflag:s29] =	ssyncadd.s32 $0xFFFFC400  }
0x14f: {  	_ =	swait.ge [sflag:s29], $0x78  }
0x150: {  	s2 =	smov.u32 s3;
	s8 =	rddreg [dreg:$0x10];
	[sflag:s29] =	ssyncset.done $0x0  }
0x151: {  	s14 =	rddreg [dreg:$0xf];
	[sflag:s29] =	ssyncadd.s32 $0xFFFFFF88;
	s8 =	sadd.s32 s2, s8  }
0x152: {  	[tilespmem:s13], [sflag:$0x1] =	stream.linear.gather [hbm4b:s8+s6], $0x78, $0x38;
	[tilespmem:$0x1FE80] =	vst v63  }
0x153: {  	s14 =	sadd.s32 s2, s14  }
0x154: {  	[tilespmem:s30], [sflag:$0x1] =	stream.linear.gather [hbm4b:s14+s6], $0x78, $0x38;
	[tilespmem:$0x1FE80] =	vst v63  }
0x155: {  	_ =	swait.ge [sflag:s17], $0x78  }
0x156: {  	[sflag:s17] =	ssyncset.done $0x0  }
0x157: {  	[sflag:s17] =	ssyncadd.s32 $0xFFFFFF88  }
0x158: {  	_ =	swait.ge [sflag:s17], $0x78  }
0x159: {  	[sflag:s17] =	ssyncset.done $0x0  }
0x15a: {  	[sflag:s17] =	ssyncadd.s32 $0xFFFFFF88  }
0x15b: {  	[tilespmem:s11], [sflag:$0x2] =	stream.indirect.gather [hbm4b:s0+s19], $0x80, s6, s19, $0xb8;
	[tilespmem:$0x1FE80] =	vst v63  }
0x15c: {  	_ =	swait.ge [sflag:s23], $0x3C00  }
0x15d: {  	[sflag:s23] =	ssyncset.done $0x0  }
0x15e: {  	[sflag:s23] =	ssyncadd.s32 $0xFFFFC400  }
0x15f: {  	[spmem:s4] =	stream.indirect.scatter.add.f32 [tilespmem:s28], [sflag:$0x3], $0x80, s21, s19, $0xb8;
	[tilespmem:$0x1FE80] =	vst v63  }
0x160: {  	_ = 	snop  }
0x161: {  	[spmem:s5] =	stream.indirect.scatter.add.f32 [tilespmem:s24], [sflag:$0x3], $0x1, s21, s19, $0xb8;
	[tilespmem:$0x1FE80] =	vst v63  }
0x162: {  	_ =	swait.ge [sflag:s29], $0x3C00  }
0x163: {  	[sflag:s29] =	ssyncset.done $0x0  }
0x164: {  	[sflag:s29] =	ssyncadd.s32 $0xFFFFC400  }
0x165: {  	_ =	swait.ge [sflag:s29], $0x78  }
0x166: {  	s8 =	rddreg [dreg:$0xe];
	[sflag:s29] =	ssyncset.done $0x0  }
0x167: {  	s14 =	rddreg [dreg:$0xd];
	[sflag:s29] =	ssyncadd.s32 $0xFFFFFF88;
	s8 =	sadd.s32 s2, s8  }
0x168: {  	[tilespmem:s20], [sflag:$0x1] =	stream.linear.gather [hbm4b:s8+s6], $0x78, $0x38;
	[tilespmem:$0x1FE80] =	vst v63  }
0x169: {  	s14 =	sadd.s32 s2, s14  }
0x16a: {  	[tilespmem:s31], [sflag:$0x1] =	stream.linear.gather [hbm4b:s14+s6], $0x78, $0x38;
	[tilespmem:$0x1FE80] =	vst v63  }
0x16b: {  	_ =	swait.ge [sflag:s17], $0x78  }
0x16c: {  	[sflag:s17] =	ssyncset.done $0x0  }
0x16d: {  	[sflag:s17] =	ssyncadd.s32 $0xFFFFFF88  }
0x16e: {  	_ =	swait.ge [sflag:s17], $0x78  }
0x16f: {  	[sflag:s17] =	ssyncset.done $0x0  }
0x170: {  	[sflag:s17] =	ssyncadd.s32 $0xFFFFFF88  }
0x171: {  	[tilespmem:s22], [sflag:$0x2] =	stream.indirect.gather [hbm4b:s0+s19], $0x80, s13, s19, $0xb8;
	[tilespmem:$0x1FE80] =	vst v63  }
0x172: {  	_ =	swait.ge [sflag:s23], $0x3C00  }
0x173: {  	[sflag:s23] =	ssyncset.done $0x0  }
0x174: {  	[sflag:s23] =	ssyncadd.s32 $0xFFFFC400  }
0x175: {  	[spmem:s4] =	stream.indirect.scatter.add.f32 [tilespmem:s11], [sflag:$0x3], $0x80, s26, s19, $0xb8;
	[tilespmem:$0x1FE80] =	vst v63  }
0x176: {  	_ = 	snop  }
0x177: {  	[spmem:s5] =	stream.indirect.scatter.add.f32 [tilespmem:s24], [sflag:$0x3], $0x1, s26, s19, $0xb8;
	[tilespmem:$0x1FE80] =	vst v63  }
0x178: {  	_ =	swait.ge [sflag:s29], $0x3C00  }
0x179: {  	[sflag:s29] =	ssyncset.done $0x0  }
0x17a: {  	[sflag:s29] =	ssyncadd.s32 $0xFFFFC400  }
0x17b: {  	_ =	swait.ge [sflag:s29], $0x78  }
0x17c: {  	s14 =	rddreg [dreg:$0xc];
	[sflag:s29] =	ssyncset.done $0x0  }
0x17d: {  	[sflag:s29] =	ssyncadd.s32 $0xFFFFFF88;
	s8 =	sadd.s32 s2, s14;
	s14 =	sshrl.u32 s15, $0x3  }
0x17e: {  	[tilespmem:s6], [sflag:$0x1] =	stream.linear.gather [hbm4b:s8+s6], $0x78, $0x38;
	[tilespmem:$0x1FE80] =	vst v63  }
0x17f: {  	s14 =	sadd.s32 s1, s14  }
0x180: {  	[tilespmem:s12], [sflag:$0x1] =	stream.linear.gather [hbm4b:s14+s6], $0x78, $0x38;
	[tilespmem:$0x1FE80] =	vst v63  }
0x181: {  	_ =	swait.ge [sflag:s17], $0x78  }
0x182: {  	[sflag:s17] =	ssyncset.done $0x0  }
0x183: {  	[sflag:s17] =	ssyncadd.s32 $0xFFFFFF88  }
0x184: {  	_ =	swait.ge [sflag:s17], $0x78  }
0x185: {  	[sflag:s17] =	ssyncset.done $0x0  }
0x186: {  	[sflag:s17] =	ssyncadd.s32 $0xFFFFFF88  }
0x187: {  	[tilespmem:s28], [sflag:$0x2] =	stream.indirect.gather [hbm4b:s0+s19], $0x80, s20, s19, $0xb8;
	[tilespmem:$0x1FE80] =	vst v63  }
0x188: {  	_ =	swait.ge [sflag:s23], $0x3C00  }
0x189: {  	[sflag:s23] =	ssyncset.done $0x0  }
0x18a: {  	[sflag:s23] =	ssyncadd.s32 $0xFFFFC400  }
0x18b: {  	[spmem:s4] =	stream.indirect.scatter.add.f32 [tilespmem:s22], [sflag:$0x3], $0x80, s30, s19, $0xb8;
	[tilespmem:$0x1FE80] =	vst v63  }
0x18c: {  	_ = 	snop  }
0x18d: {  	[spmem:s5] =	stream.indirect.scatter.add.f32 [tilespmem:s24], [sflag:$0x3], $0x1, s30, s19, $0xb8;
	[tilespmem:$0x1FE80] =	vst v63  }
0x18e: {  	_ =	swait.ge [sflag:s29], $0x3C00  }
0x18f: {  	[sflag:s29] =	ssyncset.done $0x0  }
0x190: {  	[sflag:s29] =	ssyncadd.s32 $0xFFFFC400  }
0x191: {  	_ =	swait.ge [sflag:s29], $0x78  }
0x192: {  	s8 =	rddreg [dreg:$0xb];
	[sflag:s29] =	ssyncset.done $0x0  }
0x193: {  	s14 =	rddreg [dreg:$0xa];
	[sflag:s29] =	ssyncadd.s32 $0xFFFFFF88;
	s8 =	sadd.s32 s2, s8  }
0x194: {  	[tilespmem:s13], [sflag:$0x1] =	stream.linear.gather [hbm4b:s8+s6], $0x78, $0x38;
	[tilespmem:$0x1FE80] =	vst v63  }
0x195: {  	s14 =	sadd.s32 s2, s14  }
0x196: {  	[tilespmem:s16], [sflag:$0x1] =	stream.linear.gather [hbm4b:s14+s6], $0x78, $0x38;
	[tilespmem:$0x1FE80] =	vst v63  }
0x197: {  	_ =	swait.ge [sflag:s17], $0x78  }
0x198: {  	[sflag:s17] =	ssyncset.done $0x0  }
0x199: {  	[sflag:s17] =	ssyncadd.s32 $0xFFFFFF88  }
0x19a: {  	_ =	swait.ge [sflag:s17], $0x78  }
0x19b: {  	[sflag:s17] =	ssyncset.done $0x0  }
0x19c: {  	[sflag:s17] =	ssyncadd.s32 $0xFFFFFF88  }
0x19d: {  	[tilespmem:s11], [sflag:$0x2] =	stream.indirect.gather [hbm4b:s0+s19], $0x80, s6, s19, $0xb8;
	[tilespmem:$0x1FE80] =	vst v63  }
0x19e: {  	_ =	swait.ge [sflag:s23], $0x3C00  }
0x19f: {  	[sflag:s23] =	ssyncset.done $0x0  }
0x1a0: {  	[sflag:s23] =	ssyncadd.s32 $0xFFFFC400  }
0x1a1: {  	[spmem:s4] =	stream.indirect.scatter.add.f32 [tilespmem:s28], [sflag:$0x3], $0x80, s31, s19, $0xb8;
	[tilespmem:$0x1FE80] =	vst v63  }
0x1a2: {  	_ = 	snop  }
0x1a3: {  	[spmem:s5] =	stream.indirect.scatter.add.f32 [tilespmem:s24], [sflag:$0x3], $0x1, s31, s19, $0xb8;
	[tilespmem:$0x1FE80] =	vst v63  }
0x1a4: {  	_ =	swait.ge [sflag:s29], $0x3C00  }
0x1a5: {  	[sflag:s29] =	ssyncset.done $0x0  }
0x1a6: {  	[sflag:s29] =	ssyncadd.s32 $0xFFFFC400  }
0x1a7: {  	_ =	swait.ge [sflag:s29], $0x78  }
0x1a8: {  	s8 =	rddreg [dreg:$0x9];
	[sflag:s29] =	ssyncset.done $0x0  }
0x1a9: {  	s14 =	rddreg [dreg:$0x8];
	[sflag:s29] =	ssyncadd.s32 $0xFFFFFF88;
	s8 =	sadd.s32 s2, s8  }
0x1aa: {  	[tilespmem:s20], [sflag:$0x1] =	stream.linear.gather [hbm4b:s8+s6], $0x78, $0x38;
	[tilespmem:$0x1FE80] =	vst v63  }
0x1ab: {  	s14 =	sadd.s32 s2, s14  }
0x1ac: {  	[tilespmem:s21], [sflag:$0x1] =	stream.linear.gather [hbm4b:s14+s6], $0x78, $0x38;
	[tilespmem:$0x1FE80] =	vst v63  }
0x1ad: {  	_ =	swait.ge [sflag:s17], $0x78  }
0x1ae: {  	[sflag:s17] =	ssyncset.done $0x0  }
0x1af: {  	[sflag:s17] =	ssyncadd.s32 $0xFFFFFF88  }
0x1b0: {  	_ =	swait.ge [sflag:s17], $0x78  }
0x1b1: {  	[sflag:s17] =	ssyncset.done $0x0  }
0x1b2: {  	[sflag:s17] =	ssyncadd.s32 $0xFFFFFF88  }
0x1b3: {  	[tilespmem:s22], [sflag:$0x2] =	stream.indirect.gather [hbm4b:s0+s19], $0x80, s13, s19, $0xb8;
	[tilespmem:$0x1FE80] =	vst v63  }
0x1b4: {  	_ =	swait.ge [sflag:s23], $0x3C00  }
0x1b5: {  	[sflag:s23] =	ssyncset.done $0x0  }
0x1b6: {  	[sflag:s23] =	ssyncadd.s32 $0xFFFFC400  }
0x1b7: {  	[spmem:s4] =	stream.indirect.scatter.add.f32 [tilespmem:s11], [sflag:$0x3], $0x80, s12, s19, $0xb8;
	[tilespmem:$0x1FE80] =	vst v63  }
0x1b8: {  	_ = 	snop  }
0x1b9: {  	[spmem:s5] =	stream.indirect.scatter.add.f32 [tilespmem:s24], [sflag:$0x3], $0x1, s12, s19, $0xb8;
	[tilespmem:$0x1FE80] =	vst v63  }
0x1ba: {  	_ =	swait.ge [sflag:s29], $0x3C00  }
0x1bb: {  	[sflag:s29] =	ssyncset.done $0x0  }
0x1bc: {  	[sflag:s29] =	ssyncadd.s32 $0xFFFFC400  }
0x1bd: {  	_ =	swait.ge [sflag:s29], $0x78  }
0x1be: {  	s8 =	rddreg [dreg:$0x7];
	[sflag:s29] =	ssyncset.done $0x0  }
0x1bf: {  	s14 =	rddreg [dreg:$0x6];
	[sflag:s29] =	ssyncadd.s32 $0xFFFFFF88;
	s8 =	sadd.s32 s2, s8  }
0x1c0: {  	[tilespmem:s6], [sflag:$0x1] =	stream.linear.gather [hbm4b:s8+s6], $0x78, $0x38;
	[tilespmem:$0x1FE80] =	vst v63  }
0x1c1: {  	s2 =	sadd.s32 s2, s14  }
0x1c2: {  	[tilespmem:s26], [sflag:$0x1] =	stream.linear.gather [hbm4b:s2+s6], $0x78, $0x38;
	[tilespmem:$0x1FE80] =	vst v63  }
0x1c3: {  	_ =	swait.ge [sflag:s17], $0x78  }
0x1c4: {  	[sflag:s17] =	ssyncset.done $0x0  }
0x1c5: {  	[sflag:s17] =	ssyncadd.s32 $0xFFFFFF88  }
0x1c6: {  	_ =	swait.ge [sflag:s17], $0x78  }
0x1c7: {  	[sflag:s17] =	ssyncset.done $0x0  }
0x1c8: {  	p0 =	sne.s32 s3, $0x438;
	[sflag:s17] =	ssyncadd.s32 $0xFFFFFF88  }
0x1c9: {  	[tilespmem:s28], [sflag:$0x2] =	stream.indirect.gather [hbm4b:s0+s19], $0x80, s20, s19, $0xb8;
	[tilespmem:$0x1FE80] =	vst v63  }
.Ltmp1:
0x1ca: {  	_ = 	snop;
	(pc) =	sbr.rel @p0 .LBB2_4-.Ltmp1, $4  }
0x1cb: {  	_ =	swait.ge [sflag:s23], $0x3C00  }
0x1cc: {  	[sflag:s23] =	ssyncset.done $0x0  }
0x1cd: {  	s3 =	sadd.s32 $0x5A, s3;
	s15 =	sadd.s32 $0x2D0, s15;
	[sflag:s23] =	ssyncadd.s32 $0xFFFFC400  }
0x1ce: {  	[spmem:s4] =	stream.indirect.scatter.add.f32 [tilespmem:s22], [sflag:$0x3], $0x80, s16, s19, $0xb8;
	[tilespmem:$0x1FE80] =	vst v63  }
0x1cf: {  	[spmem:s5] =	stream.indirect.scatter.add.f32 [tilespmem:s24], [sflag:$0x3], $0x1, s16, s19, $0xb8;
	[tilespmem:$0x1FE80] =	vst v63  }
0x1d0: {  	_ =	swait.ge [sflag:s29], $0x3C00  }
0x1d1: {  	[sflag:s29] =	ssyncset.done $0x0  }
0x1d2: {  	[sflag:s29] =	ssyncadd.s32 $0xFFFFC400  }
0x1d3: {  	_ =	swait.ge [sflag:s29], $0x78  }
0x1d4: {  	s2 =	sld [smem:$0x7FC]  }
0x1d5: {  	[sflag:s29] =	ssyncset.done $0x0  }
0x1d6: {  	s3 =	sld [smem:$0x7FD];
	[sflag:s29] =	ssyncadd.s32 $0xFFFFFF88  }
0x1d7: {  	[tilespmem:s13], [sflag:$0x1] =	stream.linear.gather [hbm4b:s2+s6], $0x78, $0x38;
	[tilespmem:$0x1FE80] =	vst v63  }
0x1d8: {  	_ = 	snop  }
0x1d9: {  	[tilespmem:s30], [sflag:$0x1] =	stream.linear.gather [hbm4b:s3+s6], $0x78, $0x38;
	[tilespmem:$0x1FE80] =	vst v63  }
0x1da: {  	_ =	swait.ge [sflag:s17], $0x78  }
0x1db: {  	[sflag:s17] =	ssyncset.done $0x0  }
0x1dc: {  	[sflag:s17] =	ssyncadd.s32 $0xFFFFFF88  }
0x1dd: {  	_ =	swait.ge [sflag:s17], $0x78  }
0x1de: {  	[sflag:s17] =	ssyncset.done $0x0  }
0x1df: {  	[sflag:s17] =	ssyncadd.s32 $0xFFFFFF88  }
0x1e0: {  	[tilespmem:s11], [sflag:$0x2] =	stream.indirect.gather [hbm4b:s0+s19], $0x80, s6, s19, $0xb8;
	[tilespmem:$0x1FE80] =	vst v63  }
0x1e1: {  	_ =	swait.ge [sflag:s23], $0x3C00  }
0x1e2: {  	[sflag:s23] =	ssyncset.done $0x0  }
0x1e3: {  	[sflag:s23] =	ssyncadd.s32 $0xFFFFC400  }
0x1e4: {  	[spmem:s4] =	stream.indirect.scatter.add.f32 [tilespmem:s28], [sflag:$0x3], $0x80, s21, s19, $0xb8;
	[tilespmem:$0x1FE80] =	vst v63  }
0x1e5: {  	_ = 	snop  }
0x1e6: {  	[spmem:s5] =	stream.indirect.scatter.add.f32 [tilespmem:s24], [sflag:$0x3], $0x1, s21, s19, $0xb8;
	[tilespmem:$0x1FE80] =	vst v63  }
0x1e7: {  	_ =	swait.ge [sflag:s29], $0x3C00  }
0x1e8: {  	[sflag:s29] =	ssyncset.done $0x0  }
0x1e9: {  	[sflag:s29] =	ssyncadd.s32 $0xFFFFC400  }
0x1ea: {  	_ =	swait.ge [sflag:s29], $0x78  }
0x1eb: {  	[sflag:s29] =	ssyncset.done $0x0  }
0x1ec: {  	[sflag:s29] =	ssyncadd.s32 $0xFFFFFF88  }
0x1ed: {  	_ =	swait.ge [sflag:s17], $0x78  }
0x1ee: {  	[sflag:s17] =	ssyncset.done $0x0  }
0x1ef: {  	[sflag:s17] =	ssyncadd.s32 $0xFFFFFF88  }
0x1f0: {  	_ =	swait.ge [sflag:s17], $0x78  }
0x1f1: {  	[sflag:s17] =	ssyncset.done $0x0  }
0x1f2: {  	[sflag:s17] =	ssyncadd.s32 $0xFFFFFF88  }
0x1f3: {  	[tilespmem:s22], [sflag:$0x2] =	stream.indirect.gather [hbm4b:s0+s19], $0x80, s13, s19, $0xb8;
	[tilespmem:$0x1FE80] =	vst v63  }
0x1f4: {  	_ =	swait.ge [sflag:s23], $0x3C00  }
0x1f5: {  	[sflag:s23] =	ssyncset.done $0x0  }
0x1f6: {  	[sflag:s23] =	ssyncadd.s32 $0xFFFFC400  }
0x1f7: {  	[spmem:s4] =	stream.indirect.scatter.add.f32 [tilespmem:s11], [sflag:$0x3], $0x80, s26, s19, $0xb8;
	[tilespmem:$0x1FE80] =	vst v63  }
0x1f8: {  	_ = 	snop  }
0x1f9: {  	[spmem:s5] =	stream.indirect.scatter.add.f32 [tilespmem:s24], [sflag:$0x3], $0x1, s26, s19, $0xb8;
	[tilespmem:$0x1FE80] =	vst v63  }
0x1fa: {  	_ =	swait.ge [sflag:s29], $0x3C00  }
0x1fb: {  	[sflag:s29] =	ssyncset.done $0x0  }
0x1fc: {  	[sflag:s29] =	ssyncadd.s32 $0xFFFFC400  }
0x1fd: {  	_ =	swait.ge [sflag:s29], $0x78  }
0x1fe: {  	[sflag:s29] =	ssyncset.done $0x0  }
0x1ff: {  	[sflag:s29] =	ssyncadd.s32 $0xFFFFFF88  }
0x200: {  	_ =	swait.ge [sflag:s23], $0x3C00  }
0x201: {  	[sflag:s23] =	ssyncset.done $0x0  }
0x202: {  	[sflag:s23] =	ssyncadd.s32 $0xFFFFC400  }
0x203: {  	[spmem:s4] =	stream.indirect.scatter.add.f32 [tilespmem:s22], [sflag:$0x3], $0x80, s30, s19, $0xb8;
	[tilespmem:$0x1FE80] =	vst v63  }
0x204: {  	_ = 	snop  }
0x205: {  	[spmem:s5] =	stream.indirect.scatter.add.f32 [tilespmem:s24], [sflag:$0x3], $0x1, s30, s19, $0xb8;
	[tilespmem:$0x1FE80] =	vst v63  }
0x206: {  	_ =	swait.ge [sflag:s29], $0x3C00  }
0x207: {  	[sflag:s29] =	ssyncset.done $0x0  }
0x208: {  	[sflag:s29] =	ssyncadd.s32 $0xFFFFC400  }
0x209: {  	_ =	swait.ge [sflag:s29], $0x78  }
0x20a: {  	[sflag:s29] =	ssyncset.done $0x0  }
0x20b: {  	[sflag:s29] =	ssyncadd.s32 $0xFFFFFF88  }
0x20c: {  	_ =	swait.ge [sflag:s29], $0x3C00  }
0x20d: {  	[sflag:s29] =	ssyncset.done $0x0  }
0x20e: {  	[sflag:s29] =	ssyncadd.s32 $0xFFFFC400  }
0x20f: {  	_ =	swait.ge [sflag:s29], $0x78  }
0x210: {  	[sflag:s29] =	ssyncset.done $0x0  }
0x211: {  	s3 =	simm.s32 $0xBB00;
	s8 =	rddreg [dreg:$0x1c];
	[sflag:s29] =	ssyncadd.s32 $0xFFFFFF88  }
0x212: {  	[tilespmem:s3], [sflag:$0x1] =	stream.linear.gather [hbm4b:s8+s6], $0x28, $0x38;
	[tilespmem:$0x1FE80] =	vst v63  }
0x213: {  	s14 =	rddreg [dreg:$0x1d];
	s8 =	simm.s32 $0xBB80  }
0x214: {  	[tilespmem:s8], [sflag:$0x1] =	stream.linear.gather [hbm4b:s14+s6], $0x28, $0x38;
	[tilespmem:$0x1FE80] =	vst v63  }
0x215: {  	_ =	swait.ge [sflag:s17], $0x28  }
0x216: {  	[sflag:s17] =	ssyncset.done $0x0  }
0x217: {  	[sflag:s17] =	ssyncadd.s32 $0xFFFFFFD8  }
0x218: {  	_ =	swait.ge [sflag:s17], $0x28  }
0x219: {  	[sflag:s17] =	ssyncset.done $0x0  }
0x21a: {  	s15 =	simm.s32 $0x28;
	[sflag:s17] =	ssyncadd.s32 $0xFFFFFFD8  }
0x21b: {  	[tilespmem:s11], [sflag:$0x2] =	stream.indirect.gather [hbm4b:s0+s15], $0x80, s3, s15, $0xb8;
	[tilespmem:$0x1FE80] =	vst v63  }
0x21c: {  	_ =	swait.ge [sflag:s23], $0x1400  }
0x21d: {  	[sflag:s23] =	ssyncset.done $0x0  }
0x21e: {  	[sflag:s23] =	ssyncadd.s32 $0xFFFFEC00  }
0x21f: {  	[spmem:s4] =	stream.indirect.scatter.add.f32 [tilespmem:s11], [sflag:$0x3], $0x80, s8, s15, $0xb8;
	[tilespmem:$0x1FE80] =	vst v63  }
0x220: {  	_ = 	snop  }
0x221: {  	[spmem:s5] =	stream.indirect.scatter.add.f32 [tilespmem:s24], [sflag:$0x3], $0x1, s8, s15, $0xb8;
	[tilespmem:$0x1FE80] =	vst v63  }
0x222: {  	_ =	swait.ge [sflag:s29], $0x1400  }
0x223: {  	[sflag:s29] =	ssyncset.done $0x0  }
0x224: {  	[sflag:s29] =	ssyncadd.s32 $0xFFFFEC00  }
0x225: {  	_ =	swait.ge [sflag:s29], $0x28  }
0x226: {  	[sflag:s29] =	ssyncset.done $0x0  }
0x227: {  	s3 =	stileid.u32;
	[sflag:s29] =	ssyncadd.s32 $0xFFFFFFD8  }
0x228: {  	s2 =	sshll.u32 s3, $0x6;
	[bflag:$0x0] =	sbarrier.arrive $0xFFFF  }
0x229: {  	s2 =	sor.u32 $0x1C05, s2;
	s8 =	sshrl.u32 s25, $0x3;
	s14 =	rddreg [dreg:$0x1e]  }
0x22a: {  	[hbm:s14], [sflag:s2] =	dma.local [spmem:s8], $0x2800  }
0x22b: {  	s3 =	sshrl.u32 s7, $0x3;
	s15 =	smov.u32 s25;
	_ =	swait.ge [sflag:s9], $0x2800  }
0x22c: {  	s25 =	simm.s32 $0x10;
	s14 =	smov.u32 s7;
	[sflag:s9] =	ssyncset.done $0x0  }
0x22d: {  	s8 =	simm.s32 $0x20;
	s7 =	rddreg [dreg:$0x1f];
	[sflag:s9] =	ssyncadd.s32 $0xFFFFD800  }
0x22e: {  	[hbm:s7@s8], [sflag:s2] =	dma.strided [spmem:s3@s25], $0x50, s17, $0x10   }
0x22f: {  	_ =	swait.ge [sflag:s9], $0x50  }
0x230: {  	s25 =	sld [smem:$0x7F2];
	_ =	sdelay $0x1  }
0x231: {  	s10 =	sadd.s32 $0x1, s10  }
0x232: {  	p0 =	sne.s32 s10, s25  }
.Ltmp2:
0x233: {  	_ = 	snop;
	(pc) =	sbr.rel @p0 .LBB2_1-.Ltmp2, $3  }
0x234: {  	_ =	sdelay $0x1  }
0x235: {  	[sflag:s9] =	ssyncset.done $0x0  }
0x236: {  	[sflag:s9] =	ssyncadd.s32 $0xFFFFFFB0  }
0x237: {  	_ =	sfence.sel $0x180000  }
0x238: {  	[bflag:$0x0] =	sbarrier.arrive $0xFFFF  }
0x239: {  	_ =	strace $0x90000047  }
0x23a: {  	s0 =	stileid.u32;
	[bflag:$0x2] =	sbarrier.arrive $0xFFFF  }
0x23b: {  	p0 =	sne.s32 s0, $0x0;
	s0 =	rddreg [dreg:$0x5]  }
0x23c: {  	s0 =	sadd.s32 @!p0 $0x100000, s0  }
0x23d: {  	[sflag:s0] =	ssyncadd.tile.s32 @!p0 $0x1;
	_ =	shalt  }
.Lfunc_end2:
_tile_overlayer_lowered:
.L_overlay_start_2:
0x23e: {  	(tag) =	ssettag $0x2  }
0x23f: {  	s0 =	rddreg [dreg:$0x0];
	s2 =	stileid.u32  }
0x240: {  	s1 =	rddreg [dreg:$0x1];
	p0 =	sne.s32 s2, $0x0  }
0x241: {  	s3 =	rddreg [dreg:$0x2];
	[bflag:$0x3] =	sbarrier.arrive $0xFFFF;
	s2 =	simm.s32 @!p0 $0x1C05  }
0x242: {  	[timem:s3], [sflag:s2] =	dma.local @!p0 [hbm:s0], s1  }
0x243: {  	s0 =	simm.s32 @!p0 $0x5  }
0x244: {  	_ =	swait.ge @!p0 [sflag:s0], s1  }
0x245: {  	s1 =	ssub.s32 @!p0 $0x0, s1;
	[sflag:s0] =	ssyncset.done @!p0 $0x0  }
0x246: {  	[sflag:s0] =	ssyncadd.s32 @!p0 s1  }
0x247: {  	[bflag:$0x3] =	sbarrier.arrive $0xFFFF  }
0x248: {  	_ =	shalt  }

</sc_bundles>
